<compile_context>
chip_gen: v7x
topology: tpu7x:2x2x1
jax: 0.10.2.dev20260603
libtpu: 0.0.44.dev20260713+nightly
codegen_flags: <defaults>
</compile_context>

<pallas_src>
import functools

import jax
import jax.numpy as jnp
from jax import lax
from jax.experimental import pallas as pl
from jax.experimental.pallas import tpu as pltpu
from jax.experimental.pallas import tpu_sc as plsc

N = 10000
E = 320000
D = 128
H = 40
HP = 48
G = 64

NW = 32
EPW = E // NW
CHUNK = 128
NCH = 80
GN = 2
NGRP = NCH // (2 * GN)
EPW_PAD = NCH * CHUNK
NP = 10240
RPT = NP // 16



def _sc_scatter_body(y_hbm, srcw, dstw, zeros_hbm, out_hbm,
                     src_v, dst_v, rows_a, rows_b, y_spm, acc,
                     sem_s, sem_ga, sem_gb, sem_sa, sem_sb):
    c = lax.axis_index("c")
    s = lax.axis_index("s")
    w = s * 2 + c
    rbase = s * RPT
    pltpu.async_copy(srcw.at[w], src_v, sem_s)
    pltpu.async_copy(dstw.at[w], dst_v, sem_s)
    pltpu.async_copy(y_hbm.at[pl.ds(rbase, RPT)], y_spm.at[pl.ds(rbase, RPT)],
                     sem_s)
    pltpu.async_copy(zeros_hbm.at[pl.ds(rbase, RPT)], acc.at[pl.ds(rbase, RPT)],
                     sem_s)
    pltpu.make_async_copy(srcw.at[w], src_v, sem_s).wait()
    pltpu.make_async_copy(dstw.at[w], dst_v, sem_s).wait()
    pltpu.make_async_copy(y_hbm.at[pl.ds(rbase, RPT)],
                          y_spm.at[pl.ds(rbase, RPT)], sem_s).wait()
    pltpu.make_async_copy(zeros_hbm.at[pl.ds(rbase, RPT)],
                          acc.at[pl.ds(rbase, RPT)], sem_s).wait()
    plsc.subcore_barrier()

    def g_start(j, buf, sem):
        pltpu.async_copy(y_spm.at[src_v.at[j]], buf, sem)

    def g_wait(j, buf, sem):
        pltpu.make_async_copy(y_spm.at[src_v.at[j]], buf, sem).wait()

    def s_start(j, buf, sem):
        pltpu.async_copy(buf, acc.at[dst_v.at[j]], sem, add=True)

    def s_drain(j, buf, sem):
        pltpu.make_async_copy(buf, acc.at[dst_v.at[j]], sem).wait()

    for t in range(GN):
        g_start(t, rows_a.at[t], sem_ga)

    def body(k, carry):
        base = 2 * GN * k
        for t in range(GN):
            g_wait(base + t, rows_a.at[t], sem_ga)
            s_start(base + t, rows_a.at[t], sem_sa)
        for t in range(GN):
            g_start(base + GN + t, rows_b.at[t], sem_gb)
        for t in range(GN):
            g_wait(base + GN + t, rows_b.at[t], sem_gb)
            s_start(base + GN + t, rows_b.at[t], sem_sb)
        for t in range(GN):
            s_drain(base + t, rows_a.at[t], sem_sa)

        @pl.when(k + 1 < NGRP)
        def _():
            for t in range(GN):
                g_start(base + 2 * GN + t, rows_a.at[t], sem_ga)

        for t in range(GN):
            s_drain(base + GN + t, rows_b.at[t], sem_sb)
        return carry

    lax.fori_loop(0, NGRP, body, 0)
    plsc.subcore_barrier()
    pltpu.sync_copy(acc.at[pl.ds(rbase, RPT)], out_hbm.at[c, pl.ds(rbase, RPT)])


_sc_scatter = functools.partial(
    pl.kernel,
    mesh=plsc.VectorSubcoreMesh(core_axis_name="c", subcore_axis_name="s"),
    out_type=jax.ShapeDtypeStruct((2, NP, HP), jnp.float32),
    scratch_types=[
        pltpu.VMEM((NCH, CHUNK), jnp.int32),
        pltpu.VMEM((NCH, CHUNK), jnp.int32),
        pltpu.VMEM((GN, CHUNK, HP), jnp.float32),
        pltpu.VMEM((GN, CHUNK, HP), jnp.float32),
        pltpu.VMEM_SHARED((NP, HP), jnp.float32),
        pltpu.VMEM_SHARED((NP, HP), jnp.float32),
        pltpu.SemaphoreType.DMA,
        pltpu.SemaphoreType.DMA,
        pltpu.SemaphoreType.DMA,
        pltpu.SemaphoreType.DMA,
        pltpu.SemaphoreType.DMA,
    ],
    compiler_params=pltpu.CompilerParams(use_tc_tiling_on_sc=False),
)(_sc_scatter_body)



def _tc_pre_body(x, wrel, wroot, y, r):
    xv = x[...]
    zpad = jnp.zeros((NP - N, HP), jnp.float32)
    y[:N] = jnp.dot(xv, wrel[...], preferred_element_type=jnp.float32)
    y[N:] = zpad
    r[:N] = jnp.dot(xv, wroot[...], preferred_element_type=jnp.float32)
    r[N:] = zpad


def _tc_pre(x, wrel, wroot):
    return pl.pallas_call(
        _tc_pre_body,
        out_shape=[jax.ShapeDtypeStruct((NP, HP), jnp.float32),
                   jax.ShapeDtypeStruct((NP, HP), jnp.float32)],
    )(x, wrel, wroot)


def _bn_relu(parts, r, brel, g, b, relu):
    z = parts[0] + parts[1] + r + brel
    if relu:
        z = jnp.maximum(z, 0.0)
    zs = z[:N]
    mean = jnp.sum(zs, axis=0, keepdims=True) / N
    zc = zs - mean
    var = jnp.sum(zc * zc, axis=0, keepdims=True) / N
    inv = g / jnp.sqrt(var + 1e-5)
    return (z - mean) * inv + b


def _tc_mid_body(parts, r, brel, g, b, wrel, wroot, y2, r2):
    h = _bn_relu(parts[...], r[...], brel[...], g[...], b[...], relu=True)
    y2[...] = jnp.dot(h, wrel[...], preferred_element_type=jnp.float32)
    r2[...] = jnp.dot(h, wroot[...], preferred_element_type=jnp.float32)


def _tc_mid(parts, r, brel, g, b, wrel, wroot):
    return pl.pallas_call(
        _tc_mid_body,
        out_shape=[jax.ShapeDtypeStruct((NP, HP), jnp.float32),
                   jax.ShapeDtypeStruct((NP, HP), jnp.float32)],
    )(parts, r, brel, g, b, wrel, wroot)


def _tc_final_body(parts, r, brel, g, b, batch2d, wl1, bl1, wl2, bl2, out):
    h = _bn_relu(parts[...], r[...], brel[...], g[...], b[...], relu=False)
    hs = h[:N]
    bvec = batch2d[...]
    neg = jnp.float32(-jnp.inf)
    gids = lax.broadcasted_iota(jnp.int32, (G, 1), 0)

    def pool_body(gid, pooled):
        val = jnp.max(jnp.where(bvec == gid, hs, neg), axis=0, keepdims=True)
        return jnp.where(gids == gid, val, pooled)

    pooled = lax.fori_loop(0, G, pool_body, jnp.full((G, HP), neg))
    t = jnp.dot(pooled, wl1[...], preferred_element_type=jnp.float32) + bl1[...]
    t = jnp.maximum(t, 0.0)
    t = jnp.dot(t, wl2[...], preferred_element_type=jnp.float32) + bl2[...]
    out[...] = 1.0 / (1.0 + jnp.exp(-t[:, 0:1]))


def _tc_final(parts, r, brel, g, b, batch2d, wl1, bl1, wl2, bl2):
    return pl.pallas_call(
        _tc_final_body,
        out_shape=jax.ShapeDtypeStruct((G, 1), jnp.float32),
    )(parts, r, brel, g, b, batch2d, wl1, bl1, wl2, bl2)



def _pad_w(w, rows, cols):
    out = jnp.zeros((rows, cols), jnp.float32)
    return out.at[:w.shape[0], :w.shape[1]].set(w)


def _pad_v(v, cols):
    return jnp.zeros((1, cols), jnp.float32).at[0, :v.shape[0]].set(v)


@jax.jit
def kernel(x, edge_index, edge_attr, batch,
           Wrel1, brel1, Wroot1, Wrel2, brel2, Wroot2, Wrel3, brel3, Wroot3,
           g1, b1, g2, b2, g3, b3, Wl1, bl1, Wl2, bl2):
    src = jnp.full((EPW_PAD * NW,), N, jnp.int32).at[:E].set(edge_index[0])
    dst = jnp.full((EPW_PAD * NW,), N, jnp.int32).at[:E].set(edge_index[1])
    srcw = src.reshape(NW, NCH, CHUNK)
    dstw = dst.reshape(NW, NCH, CHUNK)
    zeros_hbm = jnp.zeros((NP, HP), jnp.float32)
    batch2d = batch.reshape(N, 1)

    wrel1 = _pad_w(Wrel1, D, HP)
    wroot1 = _pad_w(Wroot1, D, HP)
    wrel2 = _pad_w(Wrel2, HP, HP)
    wroot2 = _pad_w(Wroot2, HP, HP)
    wrel3 = _pad_w(Wrel3, HP, HP)
    wroot3 = _pad_w(Wroot3, HP, HP)
    wl1 = _pad_w(Wl1, HP, 128)
    wl2 = _pad_w(Wl2, 128, 128)
    pb1, pg1, pbt1 = _pad_v(brel1, HP), _pad_v(g1, HP), _pad_v(b1, HP)
    pb2, pg2, pbt2 = _pad_v(brel2, HP), _pad_v(g2, HP), _pad_v(b2, HP)
    pb3, pg3, pbt3 = _pad_v(brel3, HP), _pad_v(g3, HP), _pad_v(b3, HP)
    pbl1 = _pad_v(bl1, 128)
    pbl2 = _pad_v(bl2, 128)

    y1, r1 = _tc_pre(x, wrel1, wroot1)
    parts1 = _sc_scatter(y1, srcw, dstw, zeros_hbm)
    y2, r2 = _tc_mid(parts1, r1, pb1, pg1, pbt1, wrel2, wroot2)
    parts2 = _sc_scatter(y2, srcw, dstw, zeros_hbm)
    y3, r3 = _tc_mid(parts2, r2, pb2, pg2, pbt2, wrel3, wroot3)
    parts3 = _sc_scatter(y3, srcw, dstw, zeros_hbm)
    return _tc_final(parts3, r3, pb3, pg3, pbt3, batch2d, wl1, pbl1, wl2, pbl2)

# --- scband reference (transcript-rebuilt; emitter-appended) ---
"""Pipeline reference for scband-net-top-71545565217325 (READ-ONLY COPY).

The authoritative reference and input builder live on the scoring server;
editing this copy changes nothing except your own understanding.
"""

import jax, jax.numpy as jnp
import numpy as np

N_NODES = 10000
N_EDGES = 320000
D_FEAT = 128
HID = 40
N_GRAPHS = 64


def setup_inputs(seed: int = 0) -> dict:
    key = jax.random.key(seed)
    ks = jax.random.split(key, 24)
    x = jax.random.normal(ks[0], (N_NODES, D_FEAT), dtype=jnp.float32)
    edge_index = jax.random.randint(ks[1], (2, N_EDGES), 0, N_NODES, dtype=jnp.int32)
    edge_attr = jax.random.normal(ks[2], (N_EDGES, 4), dtype=jnp.float32)
    batch = jnp.sort(jax.random.randint(ks[3], (N_NODES,), 0, N_GRAPHS, dtype=jnp.int32))
    def lin(k, fan_in, fan_out):
        s = 1.0 / np.sqrt(fan_in)
        return jax.random.uniform(k, (fan_in, fan_out), dtype=jnp.float32, minval=-s, maxval=s)
    inp = {
        'x': x, 'edge_index': edge_index, 'edge_attr': edge_attr, 'batch': batch,
        'Wrel1': lin(ks[4], D_FEAT, HID), 'brel1': jnp.zeros((HID,), jnp.float32), 'Wroot1': lin(ks[5], D_FEAT, HID),
        'Wrel2': lin(ks[6], HID, HID), 'brel2': jnp.zeros((HID,), jnp.float32), 'Wroot2': lin(ks[7], HID, HID),
        'Wrel3': lin(ks[8], HID, HID), 'brel3': jnp.zeros((HID,), jnp.float32), 'Wroot3': lin(ks[9], HID, HID),
        'g1': jnp.ones((HID,), jnp.float32), 'b1': jnp.zeros((HID,), jnp.float32),
        'g2': jnp.ones((HID,), jnp.float32), 'b2': jnp.zeros((HID,), jnp.float32),
        'g3': jnp.ones((HID,), jnp.float32), 'b3': jnp.zeros((HID,), jnp.float32),
        'Wl1': lin(ks[10], HID, 10), 'bl1': jnp.zeros((10,), jnp.float32),
        'Wl2': lin(ks[11], 10, 1), 'bl2': jnp.zeros((1,), jnp.float32),
    }
    return inp


def _batch_norm(x, gamma, beta, eps=1e-5):
    mean = jnp.mean(x, axis=0)
    var = jnp.var(x, axis=0)
    return (x - mean) / jnp.sqrt(var + eps) * gamma + beta


def _graph_conv(x, src, dst, Wrel, brel, Wroot):
    # PyG GraphConv: out = lin_rel(sum_{j in N(i)} x_j) + lin_root(x_i)
    msgs = jnp.take(x, src, axis=0)
    agg = jax.ops.segment_sum(msgs, dst, num_segments=x.shape[0])
    return agg @ Wrel + brel + x @ Wroot


def reference(x, edge_index, edge_attr, batch,
              Wrel1, brel1, Wroot1, Wrel2, brel2, Wroot2, Wrel3, brel3, Wroot3,
              g1, b1, g2, b2, g3, b3, Wl1, bl1, Wl2, bl2):
    src, dst = edge_index[0], edge_index[1]
    h = jax.nn.relu(_graph_conv(x, src, dst, Wrel1, brel1, Wroot1))
    h = _batch_norm(h, g1, b1)
    h = jax.nn.relu(_graph_conv(h, src, dst, Wrel2, brel2, Wroot2))
    h = _batch_norm(h, g2, b2)
    # dropout is identity in eval/deterministic mode
    h = _graph_conv(h, src, dst, Wrel3, brel3, Wroot3)
    h = _batch_norm(h, g3, b3)
    pooled = jax.ops.segment_max(h, batch, num_segments=N_GRAPHS)
    h = jax.nn.relu(pooled @ Wl1 + bl1)
    h = h @ Wl2 + bl2
    return jax.nn.sigmoid(h)

if __name__ == "__main__":
    import jax
    _d = setup_inputs()
    print(jax.jit(kernel)(*tuple(_d.values())))

</pallas_src>

<mosaic_0001>
#map = affine_map<(d0, d1) -> (0, 0)>
#map1 = affine_map<(d0, d1) -> (0, 0, 0)>
module attributes {stable_mosaic.version = 14 : i64} {
  func.func @_sc_scatter_body(%arg0: i32, %arg1: i32, %arg2: memref<10240x48xf32, #tpu.memory_space<hbm>>, %arg3: memref<32x80x128xi32, #tpu.memory_space<hbm>>, %arg4: memref<32x80x128xi32, #tpu.memory_space<hbm>>, %arg5: memref<10240x48xf32, #tpu.memory_space<hbm>>, %arg6: memref<2x10240x48xf32, #tpu.memory_space<hbm>>, %arg7: memref<80x128xi32, #tpu.memory_space<vmem>>, %arg8: memref<80x128xi32, #tpu.memory_space<vmem>>, %arg9: memref<2x128x48xf32, #tpu.memory_space<vmem>>, %arg10: memref<2x128x48xf32, #tpu.memory_space<vmem>>, %arg11: memref<10240x48xf32, #tpu.memory_space<vmem_shared>>, %arg12: memref<10240x48xf32, #tpu.memory_space<vmem_shared>>, %arg13: memref<!tpu.dma_semaphore, #tpu.memory_space<semaphore_mem>>, %arg14: memref<!tpu.dma_semaphore, #tpu.memory_space<semaphore_mem>>, %arg15: memref<!tpu.dma_semaphore, #tpu.memory_space<semaphore_mem>>, %arg16: memref<!tpu.dma_semaphore, #tpu.memory_space<semaphore_mem>>, %arg17: memref<!tpu.dma_semaphore, #tpu.memory_space<semaphore_mem>>) attributes {dimension_semantics = [#tpu.dimension_semantics<core_parallel>, #tpu.dimension_semantics<subcore_parallel>], iteration_bounds = array<i64: 2, 16>, scalar_prefetch = 0 : i64, scratch_operands = 11 : i64, tpu.core_type = #tpu.core_type<sc_vector_subcore>, window_params = [{transform_indices = #map}, {transform_indices = #map1}, {transform_indices = #map1}, {transform_indices = #map}, {transform_indices = #map1}]} {
    %mul3A = arith.constant 2 : i32
    %mul3A_0 = arith.muli %arg1, %mul3A : i32
    %add3A = arith.addi %mul3A_0, %arg0 : i32
    %mul3A_1 = arith.constant 640 : i32
    %mul3A_2 = arith.muli %arg1, %mul3A_1 : i32
    %dma_start3A = arith.constant 0 : i32
    %dma_start3A_3 = arith.constant 0 : i32
    %dma_start3A_4 = tpu.memref_slice %arg3[%add3A, %dma_start3A, %dma_start3A_3] : memref<32x80x128xi32, #tpu.memory_space<hbm>> -> memref<1x80x128xi32, #tpu.memory_space<hbm>>
    %dma_start3A_5 = tpu.memref_squeeze %dma_start3A_4 : memref<1x80x128xi32, #tpu.memory_space<hbm>> -> memref<80x128xi32, #tpu.memory_space<hbm>>
    %dma_start3A_6 = arith.constant 0 : i32
    %dma_start3A_7 = arith.constant 0 : i32
    %dma_start3A_8 = tpu.memref_slice %arg3[%add3A, %dma_start3A_6, %dma_start3A_7] : memref<32x80x128xi32, #tpu.memory_space<hbm>> -> memref<1x80x128xi32, #tpu.memory_space<hbm>>
    %dma_start3A_9 = tpu.memref_squeeze %dma_start3A_8 : memref<1x80x128xi32, #tpu.memory_space<hbm>> -> memref<80x128xi32, #tpu.memory_space<hbm>>
    tpu.enqueue_dma source(%dma_start3A_9 : memref<80x128xi32, #tpu.memory_space<hbm>>) target(%arg7 : memref<80x128xi32, #tpu.memory_space<vmem>>) target_semaphore(%arg13 : memref<!tpu.dma_semaphore, #tpu.memory_space<semaphore_mem>>)
    %dma_start3A_10 = arith.constant 0 : i32
    %dma_start3A_11 = arith.constant 0 : i32
    %dma_start3A_12 = tpu.memref_slice %arg4[%add3A, %dma_start3A_10, %dma_start3A_11] : memref<32x80x128xi32, #tpu.memory_space<hbm>> -> memref<1x80x128xi32, #tpu.memory_space<hbm>>
    %dma_start3A_13 = tpu.memref_squeeze %dma_start3A_12 : memref<1x80x128xi32, #tpu.memory_space<hbm>> -> memref<80x128xi32, #tpu.memory_space<hbm>>
    %dma_start3A_14 = arith.constant 0 : i32
    %dma_start3A_15 = arith.constant 0 : i32
    %dma_start3A_16 = tpu.memref_slice %arg4[%add3A, %dma_start3A_14, %dma_start3A_15] : memref<32x80x128xi32, #tpu.memory_space<hbm>> -> memref<1x80x128xi32, #tpu.memory_space<hbm>>
    %dma_start3A_17 = tpu.memref_squeeze %dma_start3A_16 : memref<1x80x128xi32, #tpu.memory_space<hbm>> -> memref<80x128xi32, #tpu.memory_space<hbm>>
    tpu.enqueue_dma source(%dma_start3A_17 : memref<80x128xi32, #tpu.memory_space<hbm>>) target(%arg8 : memref<80x128xi32, #tpu.memory_space<vmem>>) target_semaphore(%arg13 : memref<!tpu.dma_semaphore, #tpu.memory_space<semaphore_mem>>)
    %dma_start3A_18 = arith.constant 0 : i32
    %dma_start3A_19 = tpu.memref_slice %arg11[%mul3A_2, %dma_start3A_18] : memref<10240x48xf32, #tpu.memory_space<vmem_shared>> -> memref<640x48xf32, #tpu.memory_space<vmem_shared>>
    %dma_start3A_20 = arith.constant 0 : i32
    %dma_start3A_21 = tpu.memref_slice %arg2[%mul3A_2, %dma_start3A_20] : memref<10240x48xf32, #tpu.memory_space<hbm>> -> memref<640x48xf32, #tpu.memory_space<hbm>>
    tpu.enqueue_dma source(%dma_start3A_21 : memref<640x48xf32, #tpu.memory_space<hbm>>) target(%dma_start3A_19 : memref<640x48xf32, #tpu.memory_space<vmem_shared>>) target_semaphore(%arg13 : memref<!tpu.dma_semaphore, #tpu.memory_space<semaphore_mem>>)
    %dma_start3A_22 = arith.constant 0 : i32
    %dma_start3A_23 = tpu.memref_slice %arg12[%mul3A_2, %dma_start3A_22] : memref<10240x48xf32, #tpu.memory_space<vmem_shared>> -> memref<640x48xf32, #tpu.memory_space<vmem_shared>>
    %dma_start3A_24 = arith.constant 0 : i32
    %dma_start3A_25 = tpu.memref_slice %arg5[%mul3A_2, %dma_start3A_24] : memref<10240x48xf32, #tpu.memory_space<hbm>> -> memref<640x48xf32, #tpu.memory_space<hbm>>
    tpu.enqueue_dma source(%dma_start3A_25 : memref<640x48xf32, #tpu.memory_space<hbm>>) target(%dma_start3A_23 : memref<640x48xf32, #tpu.memory_space<vmem_shared>>) target_semaphore(%arg13 : memref<!tpu.dma_semaphore, #tpu.memory_space<semaphore_mem>>)
    %dma_wait3A = arith.constant 0 : i32
    %dma_wait3A_26 = arith.constant 0 : i32
    %dma_wait3A_27 = tpu.memref_slice %arg3[%add3A, %dma_wait3A, %dma_wait3A_26] : memref<32x80x128xi32, #tpu.memory_space<hbm>> -> memref<1x80x128xi32, #tpu.memory_space<hbm>>
    %dma_wait3A_28 = tpu.memref_squeeze %dma_wait3A_27 : memref<1x80x128xi32, #tpu.memory_space<hbm>> -> memref<80x128xi32, #tpu.memory_space<hbm>>
    %dma_wait3A_29 = arith.constant 0 : i32
    %dma_wait3A_30 = arith.constant 0 : i32
    %dma_wait3A_31 = tpu.memref_slice %arg3[%add3A, %dma_wait3A_29, %dma_wait3A_30] : memref<32x80x128xi32, #tpu.memory_space<hbm>> -> memref<1x80x128xi32, #tpu.memory_space<hbm>>
    %dma_wait3A_32 = tpu.memref_squeeze %dma_wait3A_31 : memref<1x80x128xi32, #tpu.memory_space<hbm>> -> memref<80x128xi32, #tpu.memory_space<hbm>>
    tpu.wait_dma2 semaphore(%arg13 : memref<!tpu.dma_semaphore, #tpu.memory_space<semaphore_mem>>) src(%dma_wait3A_32 : memref<80x128xi32, #tpu.memory_space<hbm>>) dst(%arg7 : memref<80x128xi32, #tpu.memory_space<vmem>>)
    %dma_wait3A_33 = arith.constant 0 : i32
    %dma_wait3A_34 = arith.constant 0 : i32
    %dma_wait3A_35 = tpu.memref_slice %arg4[%add3A, %dma_wait3A_33, %dma_wait3A_34] : memref<32x80x128xi32, #tpu.memory_space<hbm>> -> memref<1x80x128xi32, #tpu.memory_space<hbm>>
    %dma_wait3A_36 = tpu.memref_squeeze %dma_wait3A_35 : memref<1x80x128xi32, #tpu.memory_space<hbm>> -> memref<80x128xi32, #tpu.memory_space<hbm>>
    %dma_wait3A_37 = arith.constant 0 : i32
    %dma_wait3A_38 = arith.constant 0 : i32
    %dma_wait3A_39 = tpu.memref_slice %arg4[%add3A, %dma_wait3A_37, %dma_wait3A_38] : memref<32x80x128xi32, #tpu.memory_space<hbm>> -> memref<1x80x128xi32, #tpu.memory_space<hbm>>
    %dma_wait3A_40 = tpu.memref_squeeze %dma_wait3A_39 : memref<1x80x128xi32, #tpu.memory_space<hbm>> -> memref<80x128xi32, #tpu.memory_space<hbm>>
    tpu.wait_dma2 semaphore(%arg13 : memref<!tpu.dma_semaphore, #tpu.memory_space<semaphore_mem>>) src(%dma_wait3A_40 : memref<80x128xi32, #tpu.memory_space<hbm>>) dst(%arg8 : memref<80x128xi32, #tpu.memory_space<vmem>>)
    %dma_wait3A_41 = arith.constant 0 : i32
    %dma_wait3A_42 = tpu.memref_slice %arg11[%mul3A_2, %dma_wait3A_41] : memref<10240x48xf32, #tpu.memory_space<vmem_shared>> -> memref<640x48xf32, #tpu.memory_space<vmem_shared>>
    %dma_wait3A_43 = arith.constant 0 : i32
    %dma_wait3A_44 = tpu.memref_slice %arg2[%mul3A_2, %dma_wait3A_43] : memref<10240x48xf32, #tpu.memory_space<hbm>> -> memref<640x48xf32, #tpu.memory_space<hbm>>
    tpu.wait_dma2 semaphore(%arg13 : memref<!tpu.dma_semaphore, #tpu.memory_space<semaphore_mem>>) src(%dma_wait3A_44 : memref<640x48xf32, #tpu.memory_space<hbm>>) dst(%dma_wait3A_42 : memref<640x48xf32, #tpu.memory_space<vmem_shared>>)
    %dma_wait3A_45 = arith.constant 0 : i32
    %dma_wait3A_46 = tpu.memref_slice %arg12[%mul3A_2, %dma_wait3A_45] : memref<10240x48xf32, #tpu.memory_space<vmem_shared>> -> memref<640x48xf32, #tpu.memory_space<vmem_shared>>
    %dma_wait3A_47 = arith.constant 0 : i32
    %dma_wait3A_48 = tpu.memref_slice %arg5[%mul3A_2, %dma_wait3A_47] : memref<10240x48xf32, #tpu.memory_space<hbm>> -> memref<640x48xf32, #tpu.memory_space<hbm>>
    tpu.wait_dma2 semaphore(%arg13 : memref<!tpu.dma_semaphore, #tpu.memory_space<semaphore_mem>>) src(%dma_wait3A_48 : memref<640x48xf32, #tpu.memory_space<hbm>>) dst(%dma_wait3A_46 : memref<640x48xf32, #tpu.memory_space<vmem_shared>>)
    %barrier3A = arith.constant 0 : index
    tpu.barrier barrier_id(%barrier3A)
    %dma_start3A_49 = arith.constant 0 : i32
    %dma_start3A_50 = arith.constant 0 : i32
    %dma_start3A_51 = arith.constant 0 : i32
    %dma_start3A_52 = arith.constant 0 : i32
    %dma_start3A_53 = tpu.memref_slice %arg9[%dma_start3A_50, %dma_start3A_51, %dma_start3A_52] : memref<2x128x48xf32, #tpu.memory_space<vmem>> -> memref<1x128x48xf32, #tpu.memory_space<vmem>>
    %dma_start3A_54 = tpu.memref_squeeze %dma_start3A_53 : memref<1x128x48xf32, #tpu.memory_space<vmem>> -> memref<128x48xf32, #tpu.memory_space<vmem>>
    %dma_start3A_55 = arith.constant 0 : i32
    %dma_start3A_56 = tpu.memref_slice %arg7[%dma_start3A_49, %dma_start3A_55] : memref<80x128xi32, #tpu.memory_space<vmem>> -> memref<1x128xi32, #tpu.memory_space<vmem>>
    %dma_start3A_57 = tpu.memref_squeeze %dma_start3A_56 : memref<1x128xi32, #tpu.memory_space<vmem>> -> memref<128xi32, #tpu.memory_space<vmem>>
    %dma_start3A_58 = arith.constant 0 : i32
    %dma_start3A_59 = arith.constant 0 : i32
    %dma_start3A_60 = tpu.memref_slice %arg11[%dma_start3A_58, %dma_start3A_59] : memref<10240x48xf32, #tpu.memory_space<vmem_shared>> -> memref<10240x48xf32, #tpu.memory_space<vmem_shared>>
    tpu.enqueue_indirect_dma source(%dma_start3A_60 : memref<10240x48xf32, #tpu.memory_space<vmem_shared>>) target(%dma_start3A_54 : memref<128x48xf32, #tpu.memory_space<vmem>>) offsets(%dma_start3A_57 : memref<128xi32, #tpu.memory_space<vmem>>) semaphore(%arg14 : memref<!tpu.dma_semaphore, #tpu.memory_space<semaphore_mem>>)
    %dma_start3A_61 = arith.constant 1 : i32
    %dma_start3A_62 = arith.constant 1 : i32
    %dma_start3A_63 = arith.constant 0 : i32
    %dma_start3A_64 = arith.constant 0 : i32
    %dma_start3A_65 = tpu.memref_slice %arg9[%dma_start3A_62, %dma_start3A_63, %dma_start3A_64] : memref<2x128x48xf32, #tpu.memory_space<vmem>> -> memref<1x128x48xf32, #tpu.memory_space<vmem>>
    %dma_start3A_66 = tpu.memref_squeeze %dma_start3A_65 : memref<1x128x48xf32, #tpu.memory_space<vmem>> -> memref<128x48xf32, #tpu.memory_space<vmem>>
    %dma_start3A_67 = arith.constant 0 : i32
    %dma_start3A_68 = tpu.memref_slice %arg7[%dma_start3A_61, %dma_start3A_67] : memref<80x128xi32, #tpu.memory_space<vmem>> -> memref<1x128xi32, #tpu.memory_space<vmem>>
    %dma_start3A_69 = tpu.memref_squeeze %dma_start3A_68 : memref<1x128xi32, #tpu.memory_space<vmem>> -> memref<128xi32, #tpu.memory_space<vmem>>
    %dma_start3A_70 = arith.constant 0 : i32
    %dma_start3A_71 = arith.constant 0 : i32
    %dma_start3A_72 = tpu.memref_slice %arg11[%dma_start3A_70, %dma_start3A_71] : memref<10240x48xf32, #tpu.memory_space<vmem_shared>> -> memref<10240x48xf32, #tpu.memory_space<vmem_shared>>
    tpu.enqueue_indirect_dma source(%dma_start3A_72 : memref<10240x48xf32, #tpu.memory_space<vmem_shared>>) target(%dma_start3A_66 : memref<128x48xf32, #tpu.memory_space<vmem>>) offsets(%dma_start3A_69 : memref<128xi32, #tpu.memory_space<vmem>>) semaphore(%arg14 : memref<!tpu.dma_semaphore, #tpu.memory_space<semaphore_mem>>)
    %scan3A = arith.constant 0 : i32
    %scan3A_73 = arith.constant 0 : i32
    %scan3A_74 = arith.constant 20 : i32
    %scan3A_75 = arith.addi %scan3A_73, %scan3A_74 : i32
    %scan3A_76 = arith.constant 1 : i32
    scf.for %scan3A_79 = %scan3A_73 to %scan3A_75 step %scan3A_76  : i32 {
      %mul3A_80 = arith.constant 4 : i32
      %mul3A_81 = arith.muli %mul3A_80, %scan3A_79 : i32
      %add3A_82 = arith.constant 0 : i32
      %add3A_83 = arith.addi %mul3A_81, %add3A_82 : i32
      %dma_wait3A_84 = arith.constant 0 : i32
      %dma_wait3A_85 = arith.constant 0 : i32
      %dma_wait3A_86 = arith.constant 0 : i32
      %dma_wait3A_87 = tpu.memref_slice %arg9[%dma_wait3A_84, %dma_wait3A_85, %dma_wait3A_86] : memref<2x128x48xf32, #tpu.memory_space<vmem>> -> memref<1x128x48xf32, #tpu.memory_space<vmem>>
      %dma_wait3A_88 = tpu.memref_squeeze %dma_wait3A_87 : memref<1x128x48xf32, #tpu.memory_space<vmem>> -> memref<128x48xf32, #tpu.memory_space<vmem>>
      %dma_wait3A_89 = arith.constant 0 : i32
      %dma_wait3A_90 = tpu.memref_slice %arg7[%add3A_83, %dma_wait3A_89] : memref<80x128xi32, #tpu.memory_space<vmem>> -> memref<1x128xi32, #tpu.memory_space<vmem>>
      %dma_wait3A_91 = tpu.memref_squeeze %dma_wait3A_90 : memref<1x128xi32, #tpu.memory_space<vmem>> -> memref<128xi32, #tpu.memory_space<vmem>>
      %dma_wait3A_92 = arith.constant 0 : i32
      %dma_wait3A_93 = arith.constant 0 : i32
      %dma_wait3A_94 = tpu.memref_slice %arg11[%dma_wait3A_92, %dma_wait3A_93] : memref<10240x48xf32, #tpu.memory_space<vmem_shared>> -> memref<10240x48xf32, #tpu.memory_space<vmem_shared>>
      tpu.wait_indirect_dma semaphore(%arg14 : memref<!tpu.dma_semaphore, #tpu.memory_space<semaphore_mem>>) src(%dma_wait3A_94 : memref<10240x48xf32, #tpu.memory_space<vmem_shared>>) dst(%dma_wait3A_88 : memref<128x48xf32, #tpu.memory_space<vmem>>)
      %add3A_95 = arith.constant 0 : i32
      %add3A_96 = arith.addi %mul3A_81, %add3A_95 : i32
      %dma_start3A_97 = arith.constant 0 : i32
      %dma_start3A_98 = arith.constant 0 : i32
      %dma_start3A_99 = arith.constant 0 : i32
      %dma_start3A_100 = tpu.memref_slice %arg9[%dma_start3A_97, %dma_start3A_98, %dma_start3A_99] : memref<2x128x48xf32, #tpu.memory_space<vmem>> -> memref<1x128x48xf32, #tpu.memory_space<vmem>>
      %dma_start3A_101 = tpu.memref_squeeze %dma_start3A_100 : memref<1x128x48xf32, #tpu.memory_space<vmem>> -> memref<128x48xf32, #tpu.memory_space<vmem>>
      %dma_start3A_102 = arith.constant 0 : i32
      %dma_start3A_103 = tpu.memref_slice %arg8[%add3A_96, %dma_start3A_102] : memref<80x128xi32, #tpu.memory_space<vmem>> -> memref<1x128xi32, #tpu.memory_space<vmem>>
      %dma_start3A_104 = tpu.memref_squeeze %dma_start3A_103 : memref<1x128xi32, #tpu.memory_space<vmem>> -> memref<128xi32, #tpu.memory_space<vmem>>
      %dma_start3A_105 = arith.constant 0 : i32
      %dma_start3A_106 = arith.constant 0 : i32
      %dma_start3A_107 = tpu.memref_slice %arg12[%dma_start3A_105, %dma_start3A_106] : memref<10240x48xf32, #tpu.memory_space<vmem_shared>> -> memref<10240x48xf32, #tpu.memory_space<vmem_shared>>
      tpu.enqueue_indirect_dma source(%dma_start3A_101 : memref<128x48xf32, #tpu.memory_space<vmem>>) target(%dma_start3A_107 : memref<10240x48xf32, #tpu.memory_space<vmem_shared>>) offsets(%dma_start3A_104 : memref<128xi32, #tpu.memory_space<vmem>>) semaphore(%arg16 : memref<!tpu.dma_semaphore, #tpu.memory_space<semaphore_mem>>) {add = true}
      %add3A_108 = arith.constant 1 : i32
      %add3A_109 = arith.addi %mul3A_81, %add3A_108 : i32
      %dma_wait3A_110 = arith.constant 1 : i32
      %dma_wait3A_111 = arith.constant 0 : i32
      %dma_wait3A_112 = arith.constant 0 : i32
      %dma_wait3A_113 = tpu.memref_slice %arg9[%dma_wait3A_110, %dma_wait3A_111, %dma_wait3A_112] : memref<2x128x48xf32, #tpu.memory_space<vmem>> -> memref<1x128x48xf32, #tpu.memory_space<vmem>>
      %dma_wait3A_114 = tpu.memref_squeeze %dma_wait3A_113 : memref<1x128x48xf32, #tpu.memory_space<vmem>> -> memref<128x48xf32, #tpu.memory_space<vmem>>
      %dma_wait3A_115 = arith.constant 0 : i32
      %dma_wait3A_116 = tpu.memref_slice %arg7[%add3A_109, %dma_wait3A_115] : memref<80x128xi32, #tpu.memory_space<vmem>> -> memref<1x128xi32, #tpu.memory_space<vmem>>
      %dma_wait3A_117 = tpu.memref_squeeze %dma_wait3A_116 : memref<1x128xi32, #tpu.memory_space<vmem>> -> memref<128xi32, #tpu.memory_space<vmem>>
      %dma_wait3A_118 = arith.constant 0 : i32
      %dma_wait3A_119 = arith.constant 0 : i32
      %dma_wait3A_120 = tpu.memref_slice %arg11[%dma_wait3A_118, %dma_wait3A_119] : memref<10240x48xf32, #tpu.memory_space<vmem_shared>> -> memref<10240x48xf32, #tpu.memory_space<vmem_shared>>
      tpu.wait_indirect_dma semaphore(%arg14 : memref<!tpu.dma_semaphore, #tpu.memory_space<semaphore_mem>>) src(%dma_wait3A_120 : memref<10240x48xf32, #tpu.memory_space<vmem_shared>>) dst(%dma_wait3A_114 : memref<128x48xf32, #tpu.memory_space<vmem>>)
      %add3A_121 = arith.constant 1 : i32
      %add3A_122 = arith.addi %mul3A_81, %add3A_121 : i32
      %dma_start3A_123 = arith.constant 1 : i32
      %dma_start3A_124 = arith.constant 0 : i32
      %dma_start3A_125 = arith.constant 0 : i32
      %dma_start3A_126 = tpu.memref_slice %arg9[%dma_start3A_123, %dma_start3A_124, %dma_start3A_125] : memref<2x128x48xf32, #tpu.memory_space<vmem>> -> memref<1x128x48xf32, #tpu.memory_space<vmem>>
      %dma_start3A_127 = tpu.memref_squeeze %dma_start3A_126 : memref<1x128x48xf32, #tpu.memory_space<vmem>> -> memref<128x48xf32, #tpu.memory_space<vmem>>
      %dma_start3A_128 = arith.constant 0 : i32
      %dma_start3A_129 = tpu.memref_slice %arg8[%add3A_122, %dma_start3A_128] : memref<80x128xi32, #tpu.memory_space<vmem>> -> memref<1x128xi32, #tpu.memory_space<vmem>>
      %dma_start3A_130 = tpu.memref_squeeze %dma_start3A_129 : memref<1x128xi32, #tpu.memory_space<vmem>> -> memref<128xi32, #tpu.memory_space<vmem>>
      %dma_start3A_131 = arith.constant 0 : i32
      %dma_start3A_132 = arith.constant 0 : i32
      %dma_start3A_133 = tpu.memref_slice %arg12[%dma_start3A_131, %dma_start3A_132] : memref<10240x48xf32, #tpu.memory_space<vmem_shared>> -> memref<10240x48xf32, #tpu.memory_space<vmem_shared>>
      tpu.enqueue_indirect_dma source(%dma_start3A_127 : memref<128x48xf32, #tpu.memory_space<vmem>>) target(%dma_start3A_133 : memref<10240x48xf32, #tpu.memory_space<vmem_shared>>) offsets(%dma_start3A_130 : memref<128xi32, #tpu.memory_space<vmem>>) semaphore(%arg16 : memref<!tpu.dma_semaphore, #tpu.memory_space<semaphore_mem>>) {add = true}
      %add3A_134 = arith.constant 2 : i32
      %add3A_135 = arith.addi %mul3A_81, %add3A_134 : i32
      %add3A_136 = arith.constant 0 : i32
      %add3A_137 = arith.addi %add3A_135, %add3A_136 : i32
      %dma_start3A_138 = arith.constant 0 : i32
      %dma_start3A_139 = arith.constant 0 : i32
      %dma_start3A_140 = arith.constant 0 : i32
      %dma_start3A_141 = tpu.memref_slice %arg10[%dma_start3A_138, %dma_start3A_139, %dma_start3A_140] : memref<2x128x48xf32, #tpu.memory_space<vmem>> -> memref<1x128x48xf32, #tpu.memory_space<vmem>>
      %dma_start3A_142 = tpu.memref_squeeze %dma_start3A_141 : memref<1x128x48xf32, #tpu.memory_space<vmem>> -> memref<128x48xf32, #tpu.memory_space<vmem>>
      %dma_start3A_143 = arith.constant 0 : i32
      %dma_start3A_144 = tpu.memref_slice %arg7[%add3A_137, %dma_start3A_143] : memref<80x128xi32, #tpu.memory_space<vmem>> -> memref<1x128xi32, #tpu.memory_space<vmem>>
      %dma_start3A_145 = tpu.memref_squeeze %dma_start3A_144 : memref<1x128xi32, #tpu.memory_space<vmem>> -> memref<128xi32, #tpu.memory_space<vmem>>
      %dma_start3A_146 = arith.constant 0 : i32
      %dma_start3A_147 = arith.constant 0 : i32
      %dma_start3A_148 = tpu.memref_slice %arg11[%dma_start3A_146, %dma_start3A_147] : memref<10240x48xf32, #tpu.memory_space<vmem_shared>> -> memref<10240x48xf32, #tpu.memory_space<vmem_shared>>
      tpu.enqueue_indirect_dma source(%dma_start3A_148 : memref<10240x48xf32, #tpu.memory_space<vmem_shared>>) target(%dma_start3A_142 : memref<128x48xf32, #tpu.memory_space<vmem>>) offsets(%dma_start3A_145 : memref<128xi32, #tpu.memory_space<vmem>>) semaphore(%arg15 : memref<!tpu.dma_semaphore, #tpu.memory_space<semaphore_mem>>)
      %add3A_149 = arith.constant 2 : i32
      %add3A_150 = arith.addi %mul3A_81, %add3A_149 : i32
      %add3A_151 = arith.constant 1 : i32
      %add3A_152 = arith.addi %add3A_150, %add3A_151 : i32
      %dma_start3A_153 = arith.constant 1 : i32
      %dma_start3A_154 = arith.constant 0 : i32
      %dma_start3A_155 = arith.constant 0 : i32
      %dma_start3A_156 = tpu.memref_slice %arg10[%dma_start3A_153, %dma_start3A_154, %dma_start3A_155] : memref<2x128x48xf32, #tpu.memory_space<vmem>> -> memref<1x128x48xf32, #tpu.memory_space<vmem>>
      %dma_start3A_157 = tpu.memref_squeeze %dma_start3A_156 : memref<1x128x48xf32, #tpu.memory_space<vmem>> -> memref<128x48xf32, #tpu.memory_space<vmem>>
      %dma_start3A_158 = arith.constant 0 : i32
      %dma_start3A_159 = tpu.memref_slice %arg7[%add3A_152, %dma_start3A_158] : memref<80x128xi32, #tpu.memory_space<vmem>> -> memref<1x128xi32, #tpu.memory_space<vmem>>
      %dma_start3A_160 = tpu.memref_squeeze %dma_start3A_159 : memref<1x128xi32, #tpu.memory_space<vmem>> -> memref<128xi32, #tpu.memory_space<vmem>>
      %dma_start3A_161 = arith.constant 0 : i32
      %dma_start3A_162 = arith.constant 0 : i32
      %dma_start3A_163 = tpu.memref_slice %arg11[%dma_start3A_161, %dma_start3A_162] : memref<10240x48xf32, #tpu.memory_space<vmem_shared>> -> memref<10240x48xf32, #tpu.memory_space<vmem_shared>>
      tpu.enqueue_indirect_dma source(%dma_start3A_163 : memref<10240x48xf32, #tpu.memory_space<vmem_shared>>) target(%dma_start3A_157 : memref<128x48xf32, #tpu.memory_space<vmem>>) offsets(%dma_start3A_160 : memref<128xi32, #tpu.memory_space<vmem>>) semaphore(%arg15 : memref<!tpu.dma_semaphore, #tpu.memory_space<semaphore_mem>>)
      %add3A_164 = arith.constant 2 : i32
      %add3A_165 = arith.addi %mul3A_81, %add3A_164 : i32
      %add3A_166 = arith.constant 0 : i32
      %add3A_167 = arith.addi %add3A_165, %add3A_166 : i32
      %dma_wait3A_168 = arith.constant 0 : i32
      %dma_wait3A_169 = arith.constant 0 : i32
      %dma_wait3A_170 = arith.constant 0 : i32
      %dma_wait3A_171 = tpu.memref_slice %arg10[%dma_wait3A_168, %dma_wait3A_169, %dma_wait3A_170] : memref<2x128x48xf32, #tpu.memory_space<vmem>> -> memref<1x128x48xf32, #tpu.memory_space<vmem>>
      %dma_wait3A_172 = tpu.memref_squeeze %dma_wait3A_171 : memref<1x128x48xf32, #tpu.memory_space<vmem>> -> memref<128x48xf32, #tpu.memory_space<vmem>>
      %dma_wait3A_173 = arith.constant 0 : i32
      %dma_wait3A_174 = tpu.memref_slice %arg7[%add3A_167, %dma_wait3A_173] : memref<80x128xi32, #tpu.memory_space<vmem>> -> memref<1x128xi32, #tpu.memory_space<vmem>>
      %dma_wait3A_175 = tpu.memref_squeeze %dma_wait3A_174 : memref<1x128xi32, #tpu.memory_space<vmem>> -> memref<128xi32, #tpu.memory_space<vmem>>
      %dma_wait3A_176 = arith.constant 0 : i32
      %dma_wait3A_177 = arith.constant 0 : i32
      %dma_wait3A_178 = tpu.memref_slice %arg11[%dma_wait3A_176, %dma_wait3A_177] : memref<10240x48xf32, #tpu.memory_space<vmem_shared>> -> memref<10240x48xf32, #tpu.memory_space<vmem_shared>>
      tpu.wait_indirect_dma semaphore(%arg15 : memref<!tpu.dma_semaphore, #tpu.memory_space<semaphore_mem>>) src(%dma_wait3A_178 : memref<10240x48xf32, #tpu.memory_space<vmem_shared>>) dst(%dma_wait3A_172 : memref<128x48xf32, #tpu.memory_space<vmem>>)
      %add3A_179 = arith.constant 2 : i32
      %add3A_180 = arith.addi %mul3A_81, %add3A_179 : i32
      %add3A_181 = arith.constant 0 : i32
      %add3A_182 = arith.addi %add3A_180, %add3A_181 : i32
      %dma_start3A_183 = arith.constant 0 : i32
      %dma_start3A_184 = arith.constant 0 : i32
      %dma_start3A_185 = arith.constant 0 : i32
      %dma_start3A_186 = tpu.memref_slice %arg10[%dma_start3A_183, %dma_start3A_184, %dma_start3A_185] : memref<2x128x48xf32, #tpu.memory_space<vmem>> -> memref<1x128x48xf32, #tpu.memory_space<vmem>>
      %dma_start3A_187 = tpu.memref_squeeze %dma_start3A_186 : memref<1x128x48xf32, #tpu.memory_space<vmem>> -> memref<128x48xf32, #tpu.memory_space<vmem>>
      %dma_start3A_188 = arith.constant 0 : i32
      %dma_start3A_189 = tpu.memref_slice %arg8[%add3A_182, %dma_start3A_188] : memref<80x128xi32, #tpu.memory_space<vmem>> -> memref<1x128xi32, #tpu.memory_space<vmem>>
      %dma_start3A_190 = tpu.memref_squeeze %dma_start3A_189 : memref<1x128xi32, #tpu.memory_space<vmem>> -> memref<128xi32, #tpu.memory_space<vmem>>
      %dma_start3A_191 = arith.constant 0 : i32
      %dma_start3A_192 = arith.constant 0 : i32
      %dma_start3A_193 = tpu.memref_slice %arg12[%dma_start3A_191, %dma_start3A_192] : memref<10240x48xf32, #tpu.memory_space<vmem_shared>> -> memref<10240x48xf32, #tpu.memory_space<vmem_shared>>
      tpu.enqueue_indirect_dma source(%dma_start3A_187 : memref<128x48xf32, #tpu.memory_space<vmem>>) target(%dma_start3A_193 : memref<10240x48xf32, #tpu.memory_space<vmem_shared>>) offsets(%dma_start3A_190 : memref<128xi32, #tpu.memory_space<vmem>>) semaphore(%arg17 : memref<!tpu.dma_semaphore, #tpu.memory_space<semaphore_mem>>) {add = true}
      %add3A_194 = arith.constant 2 : i32
      %add3A_195 = arith.addi %mul3A_81, %add3A_194 : i32
      %add3A_196 = arith.constant 1 : i32
      %add3A_197 = arith.addi %add3A_195, %add3A_196 : i32
      %dma_wait3A_198 = arith.constant 1 : i32
      %dma_wait3A_199 = arith.constant 0 : i32
      %dma_wait3A_200 = arith.constant 0 : i32
      %dma_wait3A_201 = tpu.memref_slice %arg10[%dma_wait3A_198, %dma_wait3A_199, %dma_wait3A_200] : memref<2x128x48xf32, #tpu.memory_space<vmem>> -> memref<1x128x48xf32, #tpu.memory_space<vmem>>
      %dma_wait3A_202 = tpu.memref_squeeze %dma_wait3A_201 : memref<1x128x48xf32, #tpu.memory_space<vmem>> -> memref<128x48xf32, #tpu.memory_space<vmem>>
      %dma_wait3A_203 = arith.constant 0 : i32
      %dma_wait3A_204 = tpu.memref_slice %arg7[%add3A_197, %dma_wait3A_203] : memref<80x128xi32, #tpu.memory_space<vmem>> -> memref<1x128xi32, #tpu.memory_space<vmem>>
      %dma_wait3A_205 = tpu.memref_squeeze %dma_wait3A_204 : memref<1x128xi32, #tpu.memory_space<vmem>> -> memref<128xi32, #tpu.memory_space<vmem>>
      %dma_wait3A_206 = arith.constant 0 : i32
      %dma_wait3A_207 = arith.constant 0 : i32
      %dma_wait3A_208 = tpu.memref_slice %arg11[%dma_wait3A_206, %dma_wait3A_207] : memref<10240x48xf32, #tpu.memory_space<vmem_shared>> -> memref<10240x48xf32, #tpu.memory_space<vmem_shared>>
      tpu.wait_indirect_dma semaphore(%arg15 : memref<!tpu.dma_semaphore, #tpu.memory_space<semaphore_mem>>) src(%dma_wait3A_208 : memref<10240x48xf32, #tpu.memory_space<vmem_shared>>) dst(%dma_wait3A_202 : memref<128x48xf32, #tpu.memory_space<vmem>>)
      %add3A_209 = arith.constant 2 : i32
      %add3A_210 = arith.addi %mul3A_81, %add3A_209 : i32
      %add3A_211 = arith.constant 1 : i32
      %add3A_212 = arith.addi %add3A_210, %add3A_211 : i32
      %dma_start3A_213 = arith.constant 1 : i32
      %dma_start3A_214 = arith.constant 0 : i32
      %dma_start3A_215 = arith.constant 0 : i32
      %dma_start3A_216 = tpu.memref_slice %arg10[%dma_start3A_213, %dma_start3A_214, %dma_start3A_215] : memref<2x128x48xf32, #tpu.memory_space<vmem>> -> memref<1x128x48xf32, #tpu.memory_space<vmem>>
      %dma_start3A_217 = tpu.memref_squeeze %dma_start3A_216 : memref<1x128x48xf32, #tpu.memory_space<vmem>> -> memref<128x48xf32, #tpu.memory_space<vmem>>
      %dma_start3A_218 = arith.constant 0 : i32
      %dma_start3A_219 = tpu.memref_slice %arg8[%add3A_212, %dma_start3A_218] : memref<80x128xi32, #tpu.memory_space<vmem>> -> memref<1x128xi32, #tpu.memory_space<vmem>>
      %dma_start3A_220 = tpu.memref_squeeze %dma_start3A_219 : memref<1x128xi32, #tpu.memory_space<vmem>> -> memref<128xi32, #tpu.memory_space<vmem>>
      %dma_start3A_221 = arith.constant 0 : i32
      %dma_start3A_222 = arith.constant 0 : i32
      %dma_start3A_223 = tpu.memref_slice %arg12[%dma_start3A_221, %dma_start3A_222] : memref<10240x48xf32, #tpu.memory_space<vmem_shared>> -> memref<10240x48xf32, #tpu.memory_space<vmem_shared>>
      tpu.enqueue_indirect_dma source(%dma_start3A_217 : memref<128x48xf32, #tpu.memory_space<vmem>>) target(%dma_start3A_223 : memref<10240x48xf32, #tpu.memory_space<vmem_shared>>) offsets(%dma_start3A_220 : memref<128xi32, #tpu.memory_space<vmem>>) semaphore(%arg17 : memref<!tpu.dma_semaphore, #tpu.memory_space<semaphore_mem>>) {add = true}
      %add3A_224 = arith.constant 0 : i32
      %add3A_225 = arith.addi %mul3A_81, %add3A_224 : i32
      %dma_wait3A_226 = arith.constant 0 : i32
      %dma_wait3A_227 = arith.constant 0 : i32
      %dma_wait3A_228 = arith.constant 0 : i32
      %dma_wait3A_229 = tpu.memref_slice %arg9[%dma_wait3A_226, %dma_wait3A_227, %dma_wait3A_228] : memref<2x128x48xf32, #tpu.memory_space<vmem>> -> memref<1x128x48xf32, #tpu.memory_space<vmem>>
      %dma_wait3A_230 = tpu.memref_squeeze %dma_wait3A_229 : memref<1x128x48xf32, #tpu.memory_space<vmem>> -> memref<128x48xf32, #tpu.memory_space<vmem>>
      %dma_wait3A_231 = arith.constant 0 : i32
      %dma_wait3A_232 = tpu.memref_slice %arg8[%add3A_225, %dma_wait3A_231] : memref<80x128xi32, #tpu.memory_space<vmem>> -> memref<1x128xi32, #tpu.memory_space<vmem>>
      %dma_wait3A_233 = tpu.memref_squeeze %dma_wait3A_232 : memref<1x128xi32, #tpu.memory_space<vmem>> -> memref<128xi32, #tpu.memory_space<vmem>>
      %dma_wait3A_234 = arith.constant 0 : i32
      %dma_wait3A_235 = arith.constant 0 : i32
      %dma_wait3A_236 = tpu.memref_slice %arg12[%dma_wait3A_234, %dma_wait3A_235] : memref<10240x48xf32, #tpu.memory_space<vmem_shared>> -> memref<10240x48xf32, #tpu.memory_space<vmem_shared>>
      tpu.wait_indirect_dma semaphore(%arg16 : memref<!tpu.dma_semaphore, #tpu.memory_space<semaphore_mem>>) src(%dma_wait3A_230 : memref<128x48xf32, #tpu.memory_space<vmem>>) dst(%dma_wait3A_236 : memref<10240x48xf32, #tpu.memory_space<vmem_shared>>)
      %add3A_237 = arith.constant 1 : i32
      %add3A_238 = arith.addi %mul3A_81, %add3A_237 : i32
      %dma_wait3A_239 = arith.constant 1 : i32
      %dma_wait3A_240 = arith.constant 0 : i32
      %dma_wait3A_241 = arith.constant 0 : i32
      %dma_wait3A_242 = tpu.memref_slice %arg9[%dma_wait3A_239, %dma_wait3A_240, %dma_wait3A_241] : memref<2x128x48xf32, #tpu.memory_space<vmem>> -> memref<1x128x48xf32, #tpu.memory_space<vmem>>
      %dma_wait3A_243 = tpu.memref_squeeze %dma_wait3A_242 : memref<1x128x48xf32, #tpu.memory_space<vmem>> -> memref<128x48xf32, #tpu.memory_space<vmem>>
      %dma_wait3A_244 = arith.constant 0 : i32
      %dma_wait3A_245 = tpu.memref_slice %arg8[%add3A_238, %dma_wait3A_244] : memref<80x128xi32, #tpu.memory_space<vmem>> -> memref<1x128xi32, #tpu.memory_space<vmem>>
      %dma_wait3A_246 = tpu.memref_squeeze %dma_wait3A_245 : memref<1x128xi32, #tpu.memory_space<vmem>> -> memref<128xi32, #tpu.memory_space<vmem>>
      %dma_wait3A_247 = arith.constant 0 : i32
      %dma_wait3A_248 = arith.constant 0 : i32
      %dma_wait3A_249 = tpu.memref_slice %arg12[%dma_wait3A_247, %dma_wait3A_248] : memref<10240x48xf32, #tpu.memory_space<vmem_shared>> -> memref<10240x48xf32, #tpu.memory_space<vmem_shared>>
      tpu.wait_indirect_dma semaphore(%arg16 : memref<!tpu.dma_semaphore, #tpu.memory_space<semaphore_mem>>) src(%dma_wait3A_243 : memref<128x48xf32, #tpu.memory_space<vmem>>) dst(%dma_wait3A_249 : memref<10240x48xf32, #tpu.memory_space<vmem_shared>>)
      %add3A_250 = arith.constant 1 : i32
      %add3A_251 = arith.addi %scan3A_79, %add3A_250 : i32
      %lt3A = arith.constant 20 : i32
      %lt3A_252 = arith.cmpi slt, %add3A_251, %lt3A : i32
      %convert_element_type3A = arith.extui %lt3A_252 : i1 to i32
      %cond3A = arith.constant 0 : i32
      %cond3A_253 = arith.cmpi ne, %convert_element_type3A, %cond3A : i32
      scf.if %cond3A_253 {
        %add3A_284 = arith.constant 4 : i32
        %add3A_285 = arith.addi %mul3A_81, %add3A_284 : i32
        %add3A_286 = arith.constant 0 : i32
        %add3A_287 = arith.addi %add3A_285, %add3A_286 : i32
        %dma_start3A_288 = arith.constant 0 : i32
        %dma_start3A_289 = arith.constant 0 : i32
        %dma_start3A_290 = arith.constant 0 : i32
        %dma_start3A_291 = tpu.memref_slice %arg9[%dma_start3A_288, %dma_start3A_289, %dma_start3A_290] : memref<2x128x48xf32, #tpu.memory_space<vmem>> -> memref<1x128x48xf32, #tpu.memory_space<vmem>>
        %dma_start3A_292 = tpu.memref_squeeze %dma_start3A_291 : memref<1x128x48xf32, #tpu.memory_space<vmem>> -> memref<128x48xf32, #tpu.memory_space<vmem>>
        %dma_start3A_293 = arith.constant 0 : i32
        %dma_start3A_294 = tpu.memref_slice %arg7[%add3A_287, %dma_start3A_293] : memref<80x128xi32, #tpu.memory_space<vmem>> -> memref<1x128xi32, #tpu.memory_space<vmem>>
        %dma_start3A_295 = tpu.memref_squeeze %dma_start3A_294 : memref<1x128xi32, #tpu.memory_space<vmem>> -> memref<128xi32, #tpu.memory_space<vmem>>
        %dma_start3A_296 = arith.constant 0 : i32
        %dma_start3A_297 = arith.constant 0 : i32
        %dma_start3A_298 = tpu.memref_slice %arg11[%dma_start3A_296, %dma_start3A_297] : memref<10240x48xf32, #tpu.memory_space<vmem_shared>> -> memref<10240x48xf32, #tpu.memory_space<vmem_shared>>
        tpu.enqueue_indirect_dma source(%dma_start3A_298 : memref<10240x48xf32, #tpu.memory_space<vmem_shared>>) target(%dma_start3A_292 : memref<128x48xf32, #tpu.memory_space<vmem>>) offsets(%dma_start3A_295 : memref<128xi32, #tpu.memory_space<vmem>>) semaphore(%arg14 : memref<!tpu.dma_semaphore, #tpu.memory_space<semaphore_mem>>)
        %add3A_299 = arith.constant 4 : i32
        %add3A_300 = arith.addi %mul3A_81, %add3A_299 : i32
        %add3A_301 = arith.constant 1 : i32
        %add3A_302 = arith.addi %add3A_300, %add3A_301 : i32
        %dma_start3A_303 = arith.constant 1 : i32
        %dma_start3A_304 = arith.constant 0 : i32
        %dma_start3A_305 = arith.constant 0 : i32
        %dma_start3A_306 = tpu.memref_slice %arg9[%dma_start3A_303, %dma_start3A_304, %dma_start3A_305] : memref<2x128x48xf32, #tpu.memory_space<vmem>> -> memref<1x128x48xf32, #tpu.memory_space<vmem>>
        %dma_start3A_307 = tpu.memref_squeeze %dma_start3A_306 : memref<1x128x48xf32, #tpu.memory_space<vmem>> -> memref<128x48xf32, #tpu.memory_space<vmem>>
        %dma_start3A_308 = arith.constant 0 : i32
        %dma_start3A_309 = tpu.memref_slice %arg7[%add3A_302, %dma_start3A_308] : memref<80x128xi32, #tpu.memory_space<vmem>> -> memref<1x128xi32, #tpu.memory_space<vmem>>
        %dma_start3A_310 = tpu.memref_squeeze %dma_start3A_309 : memref<1x128xi32, #tpu.memory_space<vmem>> -> memref<128xi32, #tpu.memory_space<vmem>>
        %dma_start3A_311 = arith.constant 0 : i32
        %dma_start3A_312 = arith.constant 0 : i32
        %dma_start3A_313 = tpu.memref_slice %arg11[%dma_start3A_311, %dma_start3A_312] : memref<10240x48xf32, #tpu.memory_space<vmem_shared>> -> memref<10240x48xf32, #tpu.memory_space<vmem_shared>>
        tpu.enqueue_indirect_dma source(%dma_start3A_313 : memref<10240x48xf32, #tpu.memory_space<vmem_shared>>) target(%dma_start3A_307 : memref<128x48xf32, #tpu.memory_space<vmem>>) offsets(%dma_start3A_310 : memref<128xi32, #tpu.memory_space<vmem>>) semaphore(%arg14 : memref<!tpu.dma_semaphore, #tpu.memory_space<semaphore_mem>>)
      } else {
      }
      %add3A_254 = arith.constant 2 : i32
      %add3A_255 = arith.addi %mul3A_81, %add3A_254 : i32
      %add3A_256 = arith.constant 0 : i32
      %add3A_257 = arith.addi %add3A_255, %add3A_256 : i32
      %dma_wait3A_258 = arith.constant 0 : i32
      %dma_wait3A_259 = arith.constant 0 : i32
      %dma_wait3A_260 = arith.constant 0 : i32
      %dma_wait3A_261 = tpu.memref_slice %arg10[%dma_wait3A_258, %dma_wait3A_259, %dma_wait3A_260] : memref<2x128x48xf32, #tpu.memory_space<vmem>> -> memref<1x128x48xf32, #tpu.memory_space<vmem>>
      %dma_wait3A_262 = tpu.memref_squeeze %dma_wait3A_261 : memref<1x128x48xf32, #tpu.memory_space<vmem>> -> memref<128x48xf32, #tpu.memory_space<vmem>>
      %dma_wait3A_263 = arith.constant 0 : i32
      %dma_wait3A_264 = tpu.memref_slice %arg8[%add3A_257, %dma_wait3A_263] : memref<80x128xi32, #tpu.memory_space<vmem>> -> memref<1x128xi32, #tpu.memory_space<vmem>>
      %dma_wait3A_265 = tpu.memref_squeeze %dma_wait3A_264 : memref<1x128xi32, #tpu.memory_space<vmem>> -> memref<128xi32, #tpu.memory_space<vmem>>
      %dma_wait3A_266 = arith.constant 0 : i32
      %dma_wait3A_267 = arith.constant 0 : i32
      %dma_wait3A_268 = tpu.memref_slice %arg12[%dma_wait3A_266, %dma_wait3A_267] : memref<10240x48xf32, #tpu.memory_space<vmem_shared>> -> memref<10240x48xf32, #tpu.memory_space<vmem_shared>>
      tpu.wait_indirect_dma semaphore(%arg17 : memref<!tpu.dma_semaphore, #tpu.memory_space<semaphore_mem>>) src(%dma_wait3A_262 : memref<128x48xf32, #tpu.memory_space<vmem>>) dst(%dma_wait3A_268 : memref<10240x48xf32, #tpu.memory_space<vmem_shared>>)
      %add3A_269 = arith.constant 2 : i32
      %add3A_270 = arith.addi %mul3A_81, %add3A_269 : i32
      %add3A_271 = arith.constant 1 : i32
      %add3A_272 = arith.addi %add3A_270, %add3A_271 : i32
      %dma_wait3A_273 = arith.constant 1 : i32
      %dma_wait3A_274 = arith.constant 0 : i32
      %dma_wait3A_275 = arith.constant 0 : i32
      %dma_wait3A_276 = tpu.memref_slice %arg10[%dma_wait3A_273, %dma_wait3A_274, %dma_wait3A_275] : memref<2x128x48xf32, #tpu.memory_space<vmem>> -> memref<1x128x48xf32, #tpu.memory_space<vmem>>
      %dma_wait3A_277 = tpu.memref_squeeze %dma_wait3A_276 : memref<1x128x48xf32, #tpu.memory_space<vmem>> -> memref<128x48xf32, #tpu.memory_space<vmem>>
      %dma_wait3A_278 = arith.constant 0 : i32
      %dma_wait3A_279 = tpu.memref_slice %arg8[%add3A_272, %dma_wait3A_278] : memref<80x128xi32, #tpu.memory_space<vmem>> -> memref<1x128xi32, #tpu.memory_space<vmem>>
      %dma_wait3A_280 = tpu.memref_squeeze %dma_wait3A_279 : memref<1x128xi32, #tpu.memory_space<vmem>> -> memref<128xi32, #tpu.memory_space<vmem>>
      %dma_wait3A_281 = arith.constant 0 : i32
      %dma_wait3A_282 = arith.constant 0 : i32
      %dma_wait3A_283 = tpu.memref_slice %arg12[%dma_wait3A_281, %dma_wait3A_282] : memref<10240x48xf32, #tpu.memory_space<vmem_shared>> -> memref<10240x48xf32, #tpu.memory_space<vmem_shared>>
      tpu.wait_indirect_dma semaphore(%arg17 : memref<!tpu.dma_semaphore, #tpu.memory_space<semaphore_mem>>) src(%dma_wait3A_277 : memref<128x48xf32, #tpu.memory_space<vmem>>) dst(%dma_wait3A_283 : memref<10240x48xf32, #tpu.memory_space<vmem_shared>>)
    }
    %scan3A_77 = arith.constant 20 : i32
    %barrier3A_78 = arith.constant 0 : index
    tpu.barrier barrier_id(%barrier3A_78)
    "tpu.region"() ({
      %run_scoped3A = tpu.sem_alloc : memref<!tpu.dma_semaphore, #tpu.memory_space<semaphore_mem>>
      %dma_start3A_79 = arith.constant 0 : i32
      %dma_start3A_80 = tpu.memref_slice %arg6[%arg0, %mul3A_2, %dma_start3A_79] : memref<2x10240x48xf32, #tpu.memory_space<hbm>> -> memref<1x640x48xf32, #tpu.memory_space<hbm>>
      %dma_start3A_81 = tpu.memref_squeeze %dma_start3A_80 : memref<1x640x48xf32, #tpu.memory_space<hbm>> -> memref<640x48xf32, #tpu.memory_space<hbm>>
      %dma_start3A_82 = arith.constant 0 : i32
      %dma_start3A_83 = tpu.memref_slice %arg12[%mul3A_2, %dma_start3A_82] : memref<10240x48xf32, #tpu.memory_space<vmem_shared>> -> memref<640x48xf32, #tpu.memory_space<vmem_shared>>
      tpu.enqueue_dma source(%dma_start3A_83 : memref<640x48xf32, #tpu.memory_space<vmem_shared>>) target(%dma_start3A_81 : memref<640x48xf32, #tpu.memory_space<hbm>>) target_semaphore(%run_scoped3A : memref<!tpu.dma_semaphore, #tpu.memory_space<semaphore_mem>>)
      %dma_wait3A_84 = arith.constant 0 : i32
      %dma_wait3A_85 = tpu.memref_slice %arg6[%arg0, %mul3A_2, %dma_wait3A_84] : memref<2x10240x48xf32, #tpu.memory_space<hbm>> -> memref<1x640x48xf32, #tpu.memory_space<hbm>>
      %dma_wait3A_86 = tpu.memref_squeeze %dma_wait3A_85 : memref<1x640x48xf32, #tpu.memory_space<hbm>> -> memref<640x48xf32, #tpu.memory_space<hbm>>
      %dma_wait3A_87 = arith.constant 0 : i32
      %dma_wait3A_88 = tpu.memref_slice %arg12[%mul3A_2, %dma_wait3A_87] : memref<10240x48xf32, #tpu.memory_space<vmem_shared>> -> memref<640x48xf32, #tpu.memory_space<vmem_shared>>
      tpu.wait_dma2 semaphore(%run_scoped3A : memref<!tpu.dma_semaphore, #tpu.memory_space<semaphore_mem>>) src(%dma_wait3A_88 : memref<640x48xf32, #tpu.memory_space<vmem_shared>>) dst(%dma_wait3A_86 : memref<640x48xf32, #tpu.memory_space<hbm>>)
      tpu.yield
    }) : () -> ()
    return
  }
}

#map = affine_map<(d0, d1) -> (0, 0)>
#map1 = affine_map<(d0, d1) -> (0, 0, 0)>
module attributes {stable_mosaic.version = 14 : i64} {
  func.func @_sc_scatter_body(%arg0: i32, %arg1: i32, %arg2: memref<10240x48xf32, #tpu.memory_space<hbm>>, %arg3: memref<32x80x128xi32, #tpu.memory_space<hbm>>, %arg4: memref<32x80x128xi32, #tpu.memory_space<hbm>>, %arg5: memref<10240x48xf32, #tpu.memory_space<hbm>>, %arg6: memref<2x10240x48xf32, #tpu.memory_space<hbm>>, %arg7: memref<80x128xi32, #tpu.memory_space<vmem>>, %arg8: memref<80x128xi32, #tpu.memory_space<vmem>>, %arg9: memref<2x128x48xf32, #tpu.memory_space<vmem>>, %arg10: memref<2x128x48xf32, #tpu.memory_space<vmem>>, %arg11: memref<10240x48xf32, #tpu.memory_space<vmem_shared>>, %arg12: memref<10240x48xf32, #tpu.memory_space<vmem_shared>>, %arg13: memref<!tpu.dma_semaphore, #tpu.memory_space<semaphore_mem>>, %arg14: memref<!tpu.dma_semaphore, #tpu.memory_space<semaphore_mem>>, %arg15: memref<!tpu.dma_semaphore, #tpu.memory_space<semaphore_mem>>, %arg16: memref<!tpu.dma_semaphore, #tpu.memory_space<semaphore_mem>>, %arg17: memref<!tpu.dma_semaphore, #tpu.memory_space<semaphore_mem>>) attributes {dimension_semantics = [#tpu.dimension_semantics<core_parallel>, #tpu.dimension_semantics<subcore_parallel>], iteration_bounds = array<i64: 2, 16>, scalar_prefetch = 0 : i64, scratch_operands = 11 : i64, tpu.core_type = #tpu.core_type<sc_vector_subcore>, window_params = [{transform_indices = #map}, {transform_indices = #map1}, {transform_indices = #map1}, {transform_indices = #map}, {transform_indices = #map1}]} {
    %mul3A = arith.constant 2 : i32
    %mul3A_0 = arith.muli %arg1, %mul3A : i32
    %add3A = arith.addi %mul3A_0, %arg0 : i32
    %mul3A_1 = arith.constant 640 : i32
    %mul3A_2 = arith.muli %arg1, %mul3A_1 : i32
    %dma_start3A = arith.constant 0 : i32
    %dma_start3A_3 = arith.constant 0 : i32
    %dma_start3A_4 = tpu.memref_slice %arg3[%add3A, %dma_start3A, %dma_start3A_3] : memref<32x80x128xi32, #tpu.memory_space<hbm>> -> memref<1x80x128xi32, #tpu.memory_space<hbm>>
    %dma_start3A_5 = tpu.memref_squeeze %dma_start3A_4 : memref<1x80x128xi32, #tpu.memory_space<hbm>> -> memref<80x128xi32, #tpu.memory_space<hbm>>
    %dma_start3A_6 = arith.constant 0 : i32
    %dma_start3A_7 = arith.constant 0 : i32
    %dma_start3A_8 = tpu.memref_slice %arg3[%add3A, %dma_start3A_6, %dma_start3A_7] : memref<32x80x128xi32, #tpu.memory_space<hbm>> -> memref<1x80x128xi32, #tpu.memory_space<hbm>>
    %dma_start3A_9 = tpu.memref_squeeze %dma_start3A_8 : memref<1x80x128xi32, #tpu.memory_space<hbm>> -> memref<80x128xi32, #tpu.memory_space<hbm>>
    tpu.enqueue_dma source(%dma_start3A_9 : memref<80x128xi32, #tpu.memory_space<hbm>>) target(%arg7 : memref<80x128xi32, #tpu.memory_space<vmem>>) target_semaphore(%arg13 : memref<!tpu.dma_semaphore, #tpu.memory_space<semaphore_mem>>)
    %dma_start3A_10 = arith.constant 0 : i32
    %dma_start3A_11 = arith.constant 0 : i32
    %dma_start3A_12 = tpu.memref_slice %arg4[%add3A, %dma_start3A_10, %dma_start3A_11] : memref<32x80x128xi32, #tpu.memory_space<hbm>> -> memref<1x80x128xi32, #tpu.memory_space<hbm>>
    %dma_start3A_13 = tpu.memref_squeeze %dma_start3A_12 : memref<1x80x128xi32, #tpu.memory_space<hbm>> -> memref<80x128xi32, #tpu.memory_space<hbm>>
    %dma_start3A_14 = arith.constant 0 : i32
    %dma_start3A_15 = arith.constant 0 : i32
    %dma_start3A_16 = tpu.memref_slice %arg4[%add3A, %dma_start3A_14, %dma_start3A_15] : memref<32x80x128xi32, #tpu.memory_space<hbm>> -> memref<1x80x128xi32, #tpu.memory_space<hbm>>
    %dma_start3A_17 = tpu.memref_squeeze %dma_start3A_16 : memref<1x80x128xi32, #tpu.memory_space<hbm>> -> memref<80x128xi32, #tpu.memory_space<hbm>>
    tpu.enqueue_dma source(%dma_start3A_17 : memref<80x128xi32, #tpu.memory_space<hbm>>) target(%arg8 : memref<80x128xi32, #tpu.memory_space<vmem>>) target_semaphore(%arg13 : memref<!tpu.dma_semaphore, #tpu.memory_space<semaphore_mem>>)
    %dma_start3A_18 = arith.constant 0 : i32
    %dma_start3A_19 = tpu.memref_slice %arg11[%mul3A_2, %dma_start3A_18] : memref<10240x48xf32, #tpu.memory_space<vmem_shared>> -> memref<640x48xf32, #tpu.memory_space<vmem_shared>>
    %dma_start3A_20 = arith.constant 0 : i32
    %dma_start3A_21 = tpu.memref_slice %arg2[%mul3A_2, %dma_start3A_20] : memref<10240x48xf32, #tpu.memory_space<hbm>> -> memref<640x48xf32, #tpu.memory_space<hbm>>
    tpu.enqueue_dma source(%dma_start3A_21 : memref<640x48xf32, #tpu.memory_space<hbm>>) target(%dma_start3A_19 : memref<640x48xf32, #tpu.memory_space<vmem_shared>>) target_semaphore(%arg13 : memref<!tpu.dma_semaphore, #tpu.memory_space<semaphore_mem>>)
    %dma_start3A_22 = arith.constant 0 : i32
    %dma_start3A_23 = tpu.memref_slice %arg12[%mul3A_2, %dma_start3A_22] : memref<10240x48xf32, #tpu.memory_space<vmem_shared>> -> memref<640x48xf32, #tpu.memory_space<vmem_shared>>
    %dma_start3A_24 = arith.constant 0 : i32
    %dma_start3A_25 = tpu.memref_slice %arg5[%mul3A_2, %dma_start3A_24] : memref<10240x48xf32, #tpu.memory_space<hbm>> -> memref<640x48xf32, #tpu.memory_space<hbm>>
    tpu.enqueue_dma source(%dma_start3A_25 : memref<640x48xf32, #tpu.memory_space<hbm>>) target(%dma_start3A_23 : memref<640x48xf32, #tpu.memory_space<vmem_shared>>) target_semaphore(%arg13 : memref<!tpu.dma_semaphore, #tpu.memory_space<semaphore_mem>>)
    %dma_wait3A = arith.constant 0 : i32
    %dma_wait3A_26 = arith.constant 0 : i32
    %dma_wait3A_27 = tpu.memref_slice %arg3[%add3A, %dma_wait3A, %dma_wait3A_26] : memref<32x80x128xi32, #tpu.memory_space<hbm>> -> memref<1x80x128xi32, #tpu.memory_space<hbm>>
    %dma_wait3A_28 = tpu.memref_squeeze %dma_wait3A_27 : memref<1x80x128xi32, #tpu.memory_space<hbm>> -> memref<80x128xi32, #tpu.memory_space<hbm>>
    %dma_wait3A_29 = arith.constant 0 : i32
    %dma_wait3A_30 = arith.constant 0 : i32
    %dma_wait3A_31 = tpu.memref_slice %arg3[%add3A, %dma_wait3A_29, %dma_wait3A_30] : memref<32x80x128xi32, #tpu.memory_space<hbm>> -> memref<1x80x128xi32, #tpu.memory_space<hbm>>
    %dma_wait3A_32 = tpu.memref_squeeze %dma_wait3A_31 : memref<1x80x128xi32, #tpu.memory_space<hbm>> -> memref<80x128xi32, #tpu.memory_space<hbm>>
    tpu.wait_dma2 semaphore(%arg13 : memref<!tpu.dma_semaphore, #tpu.memory_space<semaphore_mem>>) src(%dma_wait3A_32 : memref<80x128xi32, #tpu.memory_space<hbm>>) dst(%arg7 : memref<80x128xi32, #tpu.memory_space<vmem>>)
    %dma_wait3A_33 = arith.constant 0 : i32
    %dma_wait3A_34 = arith.constant 0 : i32
    %dma_wait3A_35 = tpu.memref_slice %arg4[%add3A, %dma_wait3A_33, %dma_wait3A_34] : memref<32x80x128xi32, #tpu.memory_space<hbm>> -> memref<1x80x128xi32, #tpu.memory_space<hbm>>
    %dma_wait3A_36 = tpu.memref_squeeze %dma_wait3A_35 : memref<1x80x128xi32, #tpu.memory_space<hbm>> -> memref<80x128xi32, #tpu.memory_space<hbm>>
    %dma_wait3A_37 = arith.constant 0 : i32
    %dma_wait3A_38 = arith.constant 0 : i32
    %dma_wait3A_39 = tpu.memref_slice %arg4[%add3A, %dma_wait3A_37, %dma_wait3A_38] : memref<32x80x128xi32, #tpu.memory_space<hbm>> -> memref<1x80x128xi32, #tpu.memory_space<hbm>>
    %dma_wait3A_40 = tpu.memref_squeeze %dma_wait3A_39 : memref<1x80x128xi32, #tpu.memory_space<hbm>> -> memref<80x128xi32, #tpu.memory_space<hbm>>
    tpu.wait_dma2 semaphore(%arg13 : memref<!tpu.dma_semaphore, #tpu.memory_space<semaphore_mem>>) src(%dma_wait3A_40 : memref<80x128xi32, #tpu.memory_space<hbm>>) dst(%arg8 : memref<80x128xi32, #tpu.memory_space<vmem>>)
    %dma_wait3A_41 = arith.constant 0 : i32
    %dma_wait3A_42 = tpu.memref_slice %arg11[%mul3A_2, %dma_wait3A_41] : memref<10240x48xf32, #tpu.memory_space<vmem_shared>> -> memref<640x48xf32, #tpu.memory_space<vmem_shared>>
    %dma_wait3A_43 = arith.constant 0 : i32
    %dma_wait3A_44 = tpu.memref_slice %arg2[%mul3A_2, %dma_wait3A_43] : memref<10240x48xf32, #tpu.memory_space<hbm>> -> memref<640x48xf32, #tpu.memory_space<hbm>>
    tpu.wait_dma2 semaphore(%arg13 : memref<!tpu.dma_semaphore, #tpu.memory_space<semaphore_mem>>) src(%dma_wait3A_44 : memref<640x48xf32, #tpu.memory_space<hbm>>) dst(%dma_wait3A_42 : memref<640x48xf32, #tpu.memory_space<vmem_shared>>)
    %dma_wait3A_45 = arith.constant 0 : i32
    %dma_wait3A_46 = tpu.memref_slice %arg12[%mul3A_2, %dma_wait3A_45] : memref<10240x48xf32, #tpu.memory_space<vmem_shared>> -> memref<640x48xf32, #tpu.memory_space<vmem_shared>>
    %dma_wait3A_47 = arith.constant 0 : i32
    %dma_wait3A_48 = tpu.memref_slice %arg5[%mul3A_2, %dma_wait3A_47] : memref<10240x48xf32, #tpu.memory_space<hbm>> -> memref<640x48xf32, #tpu.memory_space<hbm>>
    tpu.wait_dma2 semaphore(%arg13 : memref<!tpu.dma_semaphore, #tpu.memory_space<semaphore_mem>>) src(%dma_wait3A_48 : memref<640x48xf32, #tpu.memory_space<hbm>>) dst(%dma_wait3A_46 : memref<640x48xf32, #tpu.memory_space<vmem_shared>>)
    %barrier3A = arith.constant 0 : index
    tpu.barrier barrier_id(%barrier3A)
    %dma_start3A_49 = arith.constant 0 : i32
    %dma_start3A_50 = arith.constant 0 : i32
    %dma_start3A_51 = arith.constant 0 : i32
    %dma_start3A_52 = arith.constant 0 : i32
    %dma_start3A_53 = tpu.memref_slice %arg9[%dma_start3A_50, %dma_start3A_51, %dma_start3A_52] : memref<2x128x48xf32, #tpu.memory_space<vmem>> -> memref<1x128x48xf32, #tpu.memory_space<vmem>>
    %dma_start3A_54 = tpu.memref_squeeze %dma_start3A_53 : memref<1x128x48xf32, #tpu.memory_space<vmem>> -> memref<128x48xf32, #tpu.memory_space<vmem>>
    %dma_start3A_55 = arith.constant 0 : i32
    %dma_start3A_56 = tpu.memref_slice %arg7[%dma_start3A_49, %dma_start3A_55] : memref<80x128xi32, #tpu.memory_space<vmem>> -> memref<1x128xi32, #tpu.memory_space<vmem>>
    %dma_start3A_57 = tpu.memref_squeeze %dma_start3A_56 : memref<1x128xi32, #tpu.memory_space<vmem>> -> memref<128xi32, #tpu.memory_space<vmem>>
    %dma_start3A_58 = arith.constant 0 : i32
    %dma_start3A_59 = arith.constant 0 : i32
    %dma_start3A_60 = tpu.memref_slice %arg11[%dma_start3A_58, %dma_start3A_59] : memref<10240x48xf32, #tpu.memory_space<vmem_shared>> -> memref<10240x48xf32, #tpu.memory_space<vmem_shared>>
    tpu.enqueue_indirect_dma source(%dma_start3A_60 : memref<10240x48xf32, #tpu.memory_space<vmem_shared>>) target(%dma_start3A_54 : memref<128x48xf32, #tpu.memory_space<vmem>>) offsets(%dma_start3A_57 : memref<128xi32, #tpu.memory_space<vmem>>) semaphore(%arg14 : memref<!tpu.dma_semaphore, #tpu.memory_space<semaphore_mem>>)
    %dma_start3A_61 = arith.constant 1 : i32
    %dma_start3A_62 = arith.constant 1 : i32
    %dma_start3A_63 = arith.constant 0 : i32
    %dma_start3A_64 = arith.constant 0 : i32
    %dma_start3A_65 = tpu.memref_slice %arg9[%dma_start3A_62, %dma_start3A_63, %dma_start3A_64] : memref<2x128x48xf32, #tpu.memory_space<vmem>> -> memref<1x128x48xf32, #tpu.memory_space<vmem>>
    %dma_start3A_66 = tpu.memref_squeeze %dma_start3A_65 : memref<1x128x48xf32, #tpu.memory_space<vmem>> -> memref<128x48xf32, #tpu.memory_space<vmem>>
    %dma_start3A_67 = arith.constant 0 : i32
    %dma_start3A_68 = tpu.memref_slice %arg7[%dma_start3A_61, %dma_start3A_67] : memref<80x128xi32, #tpu.memory_space<vmem>> -> memref<1x128xi32, #tpu.memory_space<vmem>>
    %dma_start3A_69 = tpu.memref_squeeze %dma_start3A_68 : memref<1x128xi32, #tpu.memory_space<vmem>> -> memref<128xi32, #tpu.memory_space<vmem>>
    %dma_start3A_70 = arith.constant 0 : i32
    %dma_start3A_71 = arith.constant 0 : i32
    %dma_start3A_72 = tpu.memref_slice %arg11[%dma_start3A_70, %dma_start3A_71] : memref<10240x48xf32, #tpu.memory_space<vmem_shared>> -> memref<10240x48xf32, #tpu.memory_space<vmem_shared>>
    tpu.enqueue_indirect_dma source(%dma_start3A_72 : memref<10240x48xf32, #tpu.memory_space<vmem_shared>>) target(%dma_start3A_66 : memref<128x48xf32, #tpu.memory_space<vmem>>) offsets(%dma_start3A_69 : memref<128xi32, #tpu.memory_space<vmem>>) semaphore(%arg14 : memref<!tpu.dma_semaphore, #tpu.memory_space<semaphore_mem>>)
    %scan3A = arith.constant 0 : i32
    %scan3A_73 = arith.constant 0 : i32
    %scan3A_74 = arith.constant 20 : i32
    %scan3A_75 = arith.addi %scan3A_73, %scan3A_74 : i32
    %scan3A_76 = arith.constant 1 : i32
    scf.for %scan3A_79 = %scan3A_73 to %scan3A_75 step %scan3A_76  : i32 {
      %mul3A_80 = arith.constant 4 : i32
      %mul3A_81 = arith.muli %mul3A_80, %scan3A_79 : i32
      %add3A_82 = arith.constant 0 : i32
      %add3A_83 = arith.addi %mul3A_81, %add3A_82 : i32
      %dma_wait3A_84 = arith.constant 0 : i32
      %dma_wait3A_85 = arith.constant 0 : i32
      %dma_wait3A_86 = arith.constant 0 : i32
      %dma_wait3A_87 = tpu.memref_slice %arg9[%dma_wait3A_84, %dma_wait3A_85, %dma_wait3A_86] : memref<2x128x48xf32, #tpu.memory_space<vmem>> -> memref<1x128x48xf32, #tpu.memory_space<vmem>>
      %dma_wait3A_88 = tpu.memref_squeeze %dma_wait3A_87 : memref<1x128x48xf32, #tpu.memory_space<vmem>> -> memref<128x48xf32, #tpu.memory_space<vmem>>
      %dma_wait3A_89 = arith.constant 0 : i32
      %dma_wait3A_90 = tpu.memref_slice %arg7[%add3A_83, %dma_wait3A_89] : memref<80x128xi32, #tpu.memory_space<vmem>> -> memref<1x128xi32, #tpu.memory_space<vmem>>
      %dma_wait3A_91 = tpu.memref_squeeze %dma_wait3A_90 : memref<1x128xi32, #tpu.memory_space<vmem>> -> memref<128xi32, #tpu.memory_space<vmem>>
      %dma_wait3A_92 = arith.constant 0 : i32
      %dma_wait3A_93 = arith.constant 0 : i32
      %dma_wait3A_94 = tpu.memref_slice %arg11[%dma_wait3A_92, %dma_wait3A_93] : memref<10240x48xf32, #tpu.memory_space<vmem_shared>> -> memref<10240x48xf32, #tpu.memory_space<vmem_shared>>
      tpu.wait_indirect_dma semaphore(%arg14 : memref<!tpu.dma_semaphore, #tpu.memory_space<semaphore_mem>>) src(%dma_wait3A_94 : memref<10240x48xf32, #tpu.memory_space<vmem_shared>>) dst(%dma_wait3A_88 : memref<128x48xf32, #tpu.memory_space<vmem>>)
      %add3A_95 = arith.constant 0 : i32
      %add3A_96 = arith.addi %mul3A_81, %add3A_95 : i32
      %dma_start3A_97 = arith.constant 0 : i32
      %dma_start3A_98 = arith.constant 0 : i32
      %dma_start3A_99 = arith.constant 0 : i32
      %dma_start3A_100 = tpu.memref_slice %arg9[%dma_start3A_97, %dma_start3A_98, %dma_start3A_99] : memref<2x128x48xf32, #tpu.memory_space<vmem>> -> memref<1x128x48xf32, #tpu.memory_space<vmem>>
      %dma_start3A_101 = tpu.memref_squeeze %dma_start3A_100 : memref<1x128x48xf32, #tpu.memory_space<vmem>> -> memref<128x48xf32, #tpu.memory_space<vmem>>
      %dma_start3A_102 = arith.constant 0 : i32
      %dma_start3A_103 = tpu.memref_slice %arg8[%add3A_96, %dma_start3A_102] : memref<80x128xi32, #tpu.memory_space<vmem>> -> memref<1x128xi32, #tpu.memory_space<vmem>>
      %dma_start3A_104 = tpu.memref_squeeze %dma_start3A_103 : memref<1x128xi32, #tpu.memory_space<vmem>> -> memref<128xi32, #tpu.memory_space<vmem>>
      %dma_start3A_105 = arith.constant 0 : i32
      %dma_start3A_106 = arith.constant 0 : i32
      %dma_start3A_107 = tpu.memref_slice %arg12[%dma_start3A_105, %dma_start3A_106] : memref<10240x48xf32, #tpu.memory_space<vmem_shared>> -> memref<10240x48xf32, #tpu.memory_space<vmem_shared>>
      tpu.enqueue_indirect_dma source(%dma_start3A_101 : memref<128x48xf32, #tpu.memory_space<vmem>>) target(%dma_start3A_107 : memref<10240x48xf32, #tpu.memory_space<vmem_shared>>) offsets(%dma_start3A_104 : memref<128xi32, #tpu.memory_space<vmem>>) semaphore(%arg16 : memref<!tpu.dma_semaphore, #tpu.memory_space<semaphore_mem>>) {add = true}
      %add3A_108 = arith.constant 1 : i32
      %add3A_109 = arith.addi %mul3A_81, %add3A_108 : i32
      %dma_wait3A_110 = arith.constant 1 : i32
      %dma_wait3A_111 = arith.constant 0 : i32
      %dma_wait3A_112 = arith.constant 0 : i32
      %dma_wait3A_113 = tpu.memref_slice %arg9[%dma_wait3A_110, %dma_wait3A_111, %dma_wait3A_112] : memref<2x128x48xf32, #tpu.memory_space<vmem>> -> memref<1x128x48xf32, #tpu.memory_space<vmem>>
      %dma_wait3A_114 = tpu.memref_squeeze %dma_wait3A_113 : memref<1x128x48xf32, #tpu.memory_space<vmem>> -> memref<128x48xf32, #tpu.memory_space<vmem>>
      %dma_wait3A_115 = arith.constant 0 : i32
      %dma_wait3A_116 = tpu.memref_slice %arg7[%add3A_109, %dma_wait3A_115] : memref<80x128xi32, #tpu.memory_space<vmem>> -> memref<1x128xi32, #tpu.memory_space<vmem>>
      %dma_wait3A_117 = tpu.memref_squeeze %dma_wait3A_116 : memref<1x128xi32, #tpu.memory_space<vmem>> -> memref<128xi32, #tpu.memory_space<vmem>>
      %dma_wait3A_118 = arith.constant 0 : i32
      %dma_wait3A_119 = arith.constant 0 : i32
      %dma_wait3A_120 = tpu.memref_slice %arg11[%dma_wait3A_118, %dma_wait3A_119] : memref<10240x48xf32, #tpu.memory_space<vmem_shared>> -> memref<10240x48xf32, #tpu.memory_space<vmem_shared>>
      tpu.wait_indirect_dma semaphore(%arg14 : memref<!tpu.dma_semaphore, #tpu.memory_space<semaphore_mem>>) src(%dma_wait3A_120 : memref<10240x48xf32, #tpu.memory_space<vmem_shared>>) dst(%dma_wait3A_114 : memref<128x48xf32, #tpu.memory_space<vmem>>)
      %add3A_121 = arith.constant 1 : i32
      %add3A_122 = arith.addi %mul3A_81, %add3A_121 : i32
      %dma_start3A_123 = arith.constant 1 : i32
      %dma_start3A_124 = arith.constant 0 : i32
      %dma_start3A_125 = arith.constant 0 : i32
      %dma_start3A_126 = tpu.memref_slice %arg9[%dma_start3A_123, %dma_start3A_124, %dma_start3A_125] : memref<2x128x48xf32, #tpu.memory_space<vmem>> -> memref<1x128x48xf32, #tpu.memory_space<vmem>>
      %dma_start3A_127 = tpu.memref_squeeze %dma_start3A_126 : memref<1x128x48xf32, #tpu.memory_space<vmem>> -> memref<128x48xf32, #tpu.memory_space<vmem>>
      %dma_start3A_128 = arith.constant 0 : i32
      %dma_start3A_129 = tpu.memref_slice %arg8[%add3A_122, %dma_start3A_128] : memref<80x128xi32, #tpu.memory_space<vmem>> -> memref<1x128xi32, #tpu.memory_space<vmem>>
      %dma_start3A_130 = tpu.memref_squeeze %dma_start3A_129 : memref<1x128xi32, #tpu.memory_space<vmem>> -> memref<128xi32, #tpu.memory_space<vmem>>
      %dma_start3A_131 = arith.constant 0 : i32
      %dma_start3A_132 = arith.constant 0 : i32
      %dma_start3A_133 = tpu.memref_slice %arg12[%dma_start3A_131, %dma_start3A_132] : memref<10240x48xf32, #tpu.memory_space<vmem_shared>> -> memref<10240x48xf32, #tpu.memory_space<vmem_shared>>
      tpu.enqueue_indirect_dma source(%dma_start3A_127 : memref<128x48xf32, #tpu.memory_space<vmem>>) target(%dma_start3A_133 : memref<10240x48xf32, #tpu.memory_space<vmem_shared>>) offsets(%dma_start3A_130 : memref<128xi32, #tpu.memory_space<vmem>>) semaphore(%arg16 : memref<!tpu.dma_semaphore, #tpu.memory_space<semaphore_mem>>) {add = true}
      %add3A_134 = arith.constant 2 : i32
      %add3A_135 = arith.addi %mul3A_81, %add3A_134 : i32
      %add3A_136 = arith.constant 0 : i32
      %add3A_137 = arith.addi %add3A_135, %add3A_136 : i32
      %dma_start3A_138 = arith.constant 0 : i32
      %dma_start3A_139 = arith.constant 0 : i32
      %dma_start3A_140 = arith.constant 0 : i32
      %dma_start3A_141 = tpu.memref_slice %arg10[%dma_start3A_138, %dma_start3A_139, %dma_start3A_140] : memref<2x128x48xf32, #tpu.memory_space<vmem>> -> memref<1x128x48xf32, #tpu.memory_space<vmem>>
      %dma_start3A_142 = tpu.memref_squeeze %dma_start3A_141 : memref<1x128x48xf32, #tpu.memory_space<vmem>> -> memref<128x48xf32, #tpu.memory_space<vmem>>
      %dma_start3A_143 = arith.constant 0 : i32
      %dma_start3A_144 = tpu.memref_slice %arg7[%add3A_137, %dma_start3A_143] : memref<80x128xi32, #tpu.memory_space<vmem>> -> memref<1x128xi32, #tpu.memory_space<vmem>>
      %dma_start3A_145 = tpu.memref_squeeze %dma_start3A_144 : memref<1x128xi32, #tpu.memory_space<vmem>> -> memref<128xi32, #tpu.memory_space<vmem>>
      %dma_start3A_146 = arith.constant 0 : i32
      %dma_start3A_147 = arith.constant 0 : i32
      %dma_start3A_148 = tpu.memref_slice %arg11[%dma_start3A_146, %dma_start3A_147] : memref<10240x48xf32, #tpu.memory_space<vmem_shared>> -> memref<10240x48xf32, #tpu.memory_space<vmem_shared>>
      tpu.enqueue_indirect_dma source(%dma_start3A_148 : memref<10240x48xf32, #tpu.memory_space<vmem_shared>>) target(%dma_start3A_142 : memref<128x48xf32, #tpu.memory_space<vmem>>) offsets(%dma_start3A_145 : memref<128xi32, #tpu.memory_space<vmem>>) semaphore(%arg15 : memref<!tpu.dma_semaphore, #tpu.memory_space<semaphore_mem>>)
      %add3A_149 = arith.constant 2 : i32
      %add3A_150 = arith.addi %mul3A_81, %add3A_149 : i32
      %add3A_151 = arith.constant 1 : i32
      %add3A_152 = arith.addi %add3A_150, %add3A_151 : i32
      %dma_start3A_153 = arith.constant 1 : i32
      %dma_start3A_154 = arith.constant 0 : i32
      %dma_start3A_155 = arith.constant 0 : i32
      %dma_start3A_156 = tpu.memref_slice %arg10[%dma_start3A_153, %dma_start3A_154, %dma_start3A_155] : memref<2x128x48xf32, #tpu.memory_space<vmem>> -> memref<1x128x48xf32, #tpu.memory_space<vmem>>
      %dma_start3A_157 = tpu.memref_squeeze %dma_start3A_156 : memref<1x128x48xf32, #tpu.memory_space<vmem>> -> memref<128x48xf32, #tpu.memory_space<vmem>>
      %dma_start3A_158 = arith.constant 0 : i32
      %dma_start3A_159 = tpu.memref_slice %arg7[%add3A_152, %dma_start3A_158] : memref<80x128xi32, #tpu.memory_space<vmem>> -> memref<1x128xi32, #tpu.memory_space<vmem>>
      %dma_start3A_160 = tpu.memref_squeeze %dma_start3A_159 : memref<1x128xi32, #tpu.memory_space<vmem>> -> memref<128xi32, #tpu.memory_space<vmem>>
      %dma_start3A_161 = arith.constant 0 : i32
      %dma_start3A_162 = arith.constant 0 : i32
      %dma_start3A_163 = tpu.memref_slice %arg11[%dma_start3A_161, %dma_start3A_162] : memref<10240x48xf32, #tpu.memory_space<vmem_shared>> -> memref<10240x48xf32, #tpu.memory_space<vmem_shared>>
      tpu.enqueue_indirect_dma source(%dma_start3A_163 : memref<10240x48xf32, #tpu.memory_space<vmem_shared>>) target(%dma_start3A_157 : memref<128x48xf32, #tpu.memory_space<vmem>>) offsets(%dma_start3A_160 : memref<128xi32, #tpu.memory_space<vmem>>) semaphore(%arg15 : memref<!tpu.dma_semaphore, #tpu.memory_space<semaphore_mem>>)
      %add3A_164 = arith.constant 2 : i32
      %add3A_165 = arith.addi %mul3A_81, %add3A_164 : i32
      %add3A_166 = arith.constant 0 : i32
      %add3A_167 = arith.addi %add3A_165, %add3A_166 : i32
      %dma_wait3A_168 = arith.constant 0 : i32
      %dma_wait3A_169 = arith.constant 0 : i32
      %dma_wait3A_170 = arith.constant 0 : i32
      %dma_wait3A_171 = tpu.memref_slice %arg10[%dma_wait3A_168, %dma_wait3A_169, %dma_wait3A_170] : memref<2x128x48xf32, #tpu.memory_space<vmem>> -> memref<1x128x48xf32, #tpu.memory_space<vmem>>
      %dma_wait3A_172 = tpu.memref_squeeze %dma_wait3A_171 : memref<1x128x48xf32, #tpu.memory_space<vmem>> -> memref<128x48xf32, #tpu.memory_space<vmem>>
      %dma_wait3A_173 = arith.constant 0 : i32
      %dma_wait3A_174 = tpu.memref_slice %arg7[%add3A_167, %dma_wait3A_173] : memref<80x128xi32, #tpu.memory_space<vmem>> -> memref<1x128xi32, #tpu.memory_space<vmem>>
      %dma_wait3A_175 = tpu.memref_squeeze %dma_wait3A_174 : memref<1x128xi32, #tpu.memory_space<vmem>> -> memref<128xi32, #tpu.memory_space<vmem>>
      %dma_wait3A_176 = arith.constant 0 : i32
      %dma_wait3A_177 = arith.constant 0 : i32
      %dma_wait3A_178 = tpu.memref_slice %arg11[%dma_wait3A_176, %dma_wait3A_177] : memref<10240x48xf32, #tpu.memory_space<vmem_shared>> -> memref<10240x48xf32, #tpu.memory_space<vmem_shared>>
      tpu.wait_indirect_dma semaphore(%arg15 : memref<!tpu.dma_semaphore, #tpu.memory_space<semaphore_mem>>) src(%dma_wait3A_178 : memref<10240x48xf32, #tpu.memory_space<vmem_shared>>) dst(%dma_wait3A_172 : memref<128x48xf32, #tpu.memory_space<vmem>>)
      %add3A_179 = arith.constant 2 : i32
      %add3A_180 = arith.addi %mul3A_81, %add3A_179 : i32
      %add3A_181 = arith.constant 0 : i32
      %add3A_182 = arith.addi %add3A_180, %add3A_181 : i32
      %dma_start3A_183 = arith.constant 0 : i32
      %dma_start3A_184 = arith.constant 0 : i32
      %dma_start3A_185 = arith.constant 0 : i32
      %dma_start3A_186 = tpu.memref_slice %arg10[%dma_start3A_183, %dma_start3A_184, %dma_start3A_185] : memref<2x128x48xf32, #tpu.memory_space<vmem>> -> memref<1x128x48xf32, #tpu.memory_space<vmem>>
      %dma_start3A_187 = tpu.memref_squeeze %dma_start3A_186 : memref<1x128x48xf32, #tpu.memory_space<vmem>> -> memref<128x48xf32, #tpu.memory_space<vmem>>
      %dma_start3A_188 = arith.constant 0 : i32
      %dma_start3A_189 = tpu.memref_slice %arg8[%add3A_182, %dma_start3A_188] : memref<80x128xi32, #tpu.memory_space<vmem>> -> memref<1x128xi32, #tpu.memory_space<vmem>>
      %dma_start3A_190 = tpu.memref_squeeze %dma_start3A_189 : memref<1x128xi32, #tpu.memory_space<vmem>> -> memref<128xi32, #tpu.memory_space<vmem>>
      %dma_start3A_191 = arith.constant 0 : i32
      %dma_start3A_192 = arith.constant 0 : i32
      %dma_start3A_193 = tpu.memref_slice %arg12[%dma_start3A_191, %dma_start3A_192] : memref<10240x48xf32, #tpu.memory_space<vmem_shared>> -> memref<10240x48xf32, #tpu.memory_space<vmem_shared>>
      tpu.enqueue_indirect_dma source(%dma_start3A_187 : memref<128x48xf32, #tpu.memory_space<vmem>>) target(%dma_start3A_193 : memref<10240x48xf32, #tpu.memory_space<vmem_shared>>) offsets(%dma_start3A_190 : memref<128xi32, #tpu.memory_space<vmem>>) semaphore(%arg17 : memref<!tpu.dma_semaphore, #tpu.memory_space<semaphore_mem>>) {add = true}
      %add3A_194 = arith.constant 2 : i32
      %add3A_195 = arith.addi %mul3A_81, %add3A_194 : i32
      %add3A_196 = arith.constant 1 : i32
      %add3A_197 = arith.addi %add3A_195, %add3A_196 : i32
      %dma_wait3A_198 = arith.constant 1 : i32
      %dma_wait3A_199 = arith.constant 0 : i32
      %dma_wait3A_200 = arith.constant 0 : i32
      %dma_wait3A_201 = tpu.memref_slice %arg10[%dma_wait3A_198, %dma_wait3A_199, %dma_wait3A_200] : memref<2x128x48xf32, #tpu.memory_space<vmem>> -> memref<1x128x48xf32, #tpu.memory_space<vmem>>
      %dma_wait3A_202 = tpu.memref_squeeze %dma_wait3A_201 : memref<1x128x48xf32, #tpu.memory_space<vmem>> -> memref<128x48xf32, #tpu.memory_space<vmem>>
      %dma_wait3A_203 = arith.constant 0 : i32
      %dma_wait3A_204 = tpu.memref_slice %arg7[%add3A_197, %dma_wait3A_203] : memref<80x128xi32, #tpu.memory_space<vmem>> -> memref<1x128xi32, #tpu.memory_space<vmem>>
      %dma_wait3A_205 = tpu.memref_squeeze %dma_wait3A_204 : memref<1x128xi32, #tpu.memory_space<vmem>> -> memref<128xi32, #tpu.memory_space<vmem>>
      %dma_wait3A_206 = arith.constant 0 : i32
      %dma_wait3A_207 = arith.constant 0 : i32
      %dma_wait3A_208 = tpu.memref_slice %arg11[%dma_wait3A_206, %dma_wait3A_207] : memref<10240x48xf32, #tpu.memory_space<vmem_shared>> -> memref<10240x48xf32, #tpu.memory_space<vmem_shared>>
      tpu.wait_indirect_dma semaphore(%arg15 : memref<!tpu.dma_semaphore, #tpu.memory_space<semaphore_mem>>) src(%dma_wait3A_208 : memref<10240x48xf32, #tpu.memory_space<vmem_shared>>) dst(%dma_wait3A_202 : memref<128x48xf32, #tpu.memory_space<vmem>>)
      %add3A_209 = arith.constant 2 : i32
      %add3A_210 = arith.addi %mul3A_81, %add3A_209 : i32
      %add3A_211 = arith.constant 1 : i32
      %add3A_212 = arith.addi %add3A_210, %add3A_211 : i32
      %dma_start3A_213 = arith.constant 1 : i32
      %dma_start3A_214 = arith.constant 0 : i32
      %dma_start3A_215 = arith.constant 0 : i32
      %dma_start3A_216 = tpu.memref_slice %arg10[%dma_start3A_213, %dma_start3A_214, %dma_start3A_215] : memref<2x128x48xf32, #tpu.memory_space<vmem>> -> memref<1x128x48xf32, #tpu.memory_space<vmem>>
      %dma_start3A_217 = tpu.memref_squeeze %dma_start3A_216 : memref<1x128x48xf32, #tpu.memory_space<vmem>> -> memref<128x48xf32, #tpu.memory_space<vmem>>
      %dma_start3A_218 = arith.constant 0 : i32
      %dma_start3A_219 = tpu.memref_slice %arg8[%add3A_212, %dma_start3A_218] : memref<80x128xi32, #tpu.memory_space<vmem>> -> memref<1x128xi32, #tpu.memory_space<vmem>>
      %dma_start3A_220 = tpu.memref_squeeze %dma_start3A_219 : memref<1x128xi32, #tpu.memory_space<vmem>> -> memref<128xi32, #tpu.memory_space<vmem>>
      %dma_start3A_221 = arith.constant 0 : i32
      %dma_start3A_222 = arith.constant 0 : i32
      %dma_start3A_223 = tpu.memref_slice %arg12[%dma_start3A_221, %dma_start3A_222] : memref<10240x48xf32, #tpu.memory_space<vmem_shared>> -> memref<10240x48xf32, #tpu.memory_space<vmem_shared>>
      tpu.enqueue_indirect_dma source(%dma_start3A_217 : memref<128x48xf32, #tpu.memory_space<vmem>>) target(%dma_start3A_223 : memref<10240x48xf32, #tpu.memory_space<vmem_shared>>) offsets(%dma_start3A_220 : memref<128xi32, #tpu.memory_space<vmem>>) semaphore(%arg17 : memref<!tpu.dma_semaphore, #tpu.memory_space<semaphore_mem>>) {add = true}
      %add3A_224 = arith.constant 0 : i32
      %add3A_225 = arith.addi %mul3A_81, %add3A_224 : i32
      %dma_wait3A_226 = arith.constant 0 : i32
      %dma_wait3A_227 = arith.constant 0 : i32
      %dma_wait3A_228 = arith.constant 0 : i32
      %dma_wait3A_229 = tpu.memref_slice %arg9[%dma_wait3A_226, %dma_wait3A_227, %dma_wait3A_228] : memref<2x128x48xf32, #tpu.memory_space<vmem>> -> memref<1x128x48xf32, #tpu.memory_space<vmem>>
      %dma_wait3A_230 = tpu.memref_squeeze %dma_wait3A_229 : memref<1x128x48xf32, #tpu.memory_space<vmem>> -> memref<128x48xf32, #tpu.memory_space<vmem>>
      %dma_wait3A_231 = arith.constant 0 : i32
      %dma_wait3A_232 = tpu.memref_slice %arg8[%add3A_225, %dma_wait3A_231] : memref<80x128xi32, #tpu.memory_space<vmem>> -> memref<1x128xi32, #tpu.memory_space<vmem>>
      %dma_wait3A_233 = tpu.memref_squeeze %dma_wait3A_232 : memref<1x128xi32, #tpu.memory_space<vmem>> -> memref<128xi32, #tpu.memory_space<vmem>>
      %dma_wait3A_234 = arith.constant 0 : i32
      %dma_wait3A_235 = arith.constant 0 : i32
      %dma_wait3A_236 = tpu.memref_slice %arg12[%dma_wait3A_234, %dma_wait3A_235] : memref<10240x48xf32, #tpu.memory_space<vmem_shared>> -> memref<10240x48xf32, #tpu.memory_space<vmem_shared>>
      tpu.wait_indirect_dma semaphore(%arg16 : memref<!tpu.dma_semaphore, #tpu.memory_space<semaphore_mem>>) src(%dma_wait3A_230 : memref<128x48xf32, #tpu.memory_space<vmem>>) dst(%dma_wait3A_236 : memref<10240x48xf32, #tpu.memory_space<vmem_shared>>)
      %add3A_237 = arith.constant 1 : i32
      %add3A_238 = arith.addi %mul3A_81, %add3A_237 : i32
      %dma_wait3A_239 = arith.constant 1 : i32
      %dma_wait3A_240 = arith.constant 0 : i32
      %dma_wait3A_241 = arith.constant 0 : i32
      %dma_wait3A_242 = tpu.memref_slice %arg9[%dma_wait3A_239, %dma_wait3A_240, %dma_wait3A_241] : memref<2x128x48xf32, #tpu.memory_space<vmem>> -> memref<1x128x48xf32, #tpu.memory_space<vmem>>
      %dma_wait3A_243 = tpu.memref_squeeze %dma_wait3A_242 : memref<1x128x48xf32, #tpu.memory_space<vmem>> -> memref<128x48xf32, #tpu.memory_space<vmem>>
      %dma_wait3A_244 = arith.constant 0 : i32
      %dma_wait3A_245 = tpu.memref_slice %arg8[%add3A_238, %dma_wait3A_244] : memref<80x128xi32, #tpu.memory_space<vmem>> -> memref<1x128xi32, #tpu.memory_space<vmem>>
      %dma_wait3A_246 = tpu.memref_squeeze %dma_wait3A_245 : memref<1x128xi32, #tpu.memory_space<vmem>> -> memref<128xi32, #tpu.memory_space<vmem>>
      %dma_wait3A_247 = arith.constant 0 : i32
      %dma_wait3A_248 = arith.constant 0 : i32
      %dma_wait3A_249 = tpu.memref_slice %arg12[%dma_wait3A_247, %dma_wait3A_248] : memref<10240x48xf32, #tpu.memory_space<vmem_shared>> -> memref<10240x48xf32, #tpu.memory_space<vmem_shared>>
      tpu.wait_indirect_dma semaphore(%arg16 : memref<!tpu.dma_semaphore, #tpu.memory_space<semaphore_mem>>) src(%dma_wait3A_243 : memref<128x48xf32, #tpu.memory_space<vmem>>) dst(%dma_wait3A_249 : memref<10240x48xf32, #tpu.memory_space<vmem_shared>>)
      %add3A_250 = arith.constant 1 : i32
      %add3A_251 = arith.addi %scan3A_79, %add3A_250 : i32
      %lt3A = arith.constant 20 : i32
      %lt3A_252 = arith.cmpi slt, %add3A_251, %lt3A : i32
      %convert_element_type3A = arith.extui %lt3A_252 : i1 to i32
      %cond3A = arith.constant 0 : i32
      %cond3A_253 = arith.cmpi ne, %convert_element_type3A, %cond3A : i32
      scf.if %cond3A_253 {
        %add3A_284 = arith.constant 4 : i32
        %add3A_285 = arith.addi %mul3A_81, %add3A_284 : i32
        %add3A_286 = arith.constant 0 : i32
        %add3A_287 = arith.addi %add3A_285, %add3A_286 : i32
        %dma_start3A_288 = arith.constant 0 : i32
        %dma_start3A_289 = arith.constant 0 : i32
        %dma_start3A_290 = arith.constant 0 : i32
        %dma_start3A_291 = tpu.memref_slice %arg9[%dma_start3A_288, %dma_start3A_289, %dma_start3A_290] : memref<2x128x48xf32, #tpu.memory_space<vmem>> -> memref<1x128x48xf32, #tpu.memory_space<vmem>>
        %dma_start3A_292 = tpu.memref_squeeze %dma_start3A_291 : memref<1x128x48xf32, #tpu.memory_space<vmem>> -> memref<128x48xf32, #tpu.memory_space<vmem>>
        %dma_start3A_293 = arith.constant 0 : i32
        %dma_start3A_294 = tpu.memref_slice %arg7[%add3A_287, %dma_start3A_293] : memref<80x128xi32, #tpu.memory_space<vmem>> -> memref<1x128xi32, #tpu.memory_space<vmem>>
        %dma_start3A_295 = tpu.memref_squeeze %dma_start3A_294 : memref<1x128xi32, #tpu.memory_space<vmem>> -> memref<128xi32, #tpu.memory_space<vmem>>
        %dma_start3A_296 = arith.constant 0 : i32
        %dma_start3A_297 = arith.constant 0 : i32
        %dma_start3A_298 = tpu.memref_slice %arg11[%dma_start3A_296, %dma_start3A_297] : memref<10240x48xf32, #tpu.memory_space<vmem_shared>> -> memref<10240x48xf32, #tpu.memory_space<vmem_shared>>
        tpu.enqueue_indirect_dma source(%dma_start3A_298 : memref<10240x48xf32, #tpu.memory_space<vmem_shared>>) target(%dma_start3A_292 : memref<128x48xf32, #tpu.memory_space<vmem>>) offsets(%dma_start3A_295 : memref<128xi32, #tpu.memory_space<vmem>>) semaphore(%arg14 : memref<!tpu.dma_semaphore, #tpu.memory_space<semaphore_mem>>)
        %add3A_299 = arith.constant 4 : i32
        %add3A_300 = arith.addi %mul3A_81, %add3A_299 : i32
        %add3A_301 = arith.constant 1 : i32
        %add3A_302 = arith.addi %add3A_300, %add3A_301 : i32
        %dma_start3A_303 = arith.constant 1 : i32
        %dma_start3A_304 = arith.constant 0 : i32
        %dma_start3A_305 = arith.constant 0 : i32
        %dma_start3A_306 = tpu.memref_slice %arg9[%dma_start3A_303, %dma_start3A_304, %dma_start3A_305] : memref<2x128x48xf32, #tpu.memory_space<vmem>> -> memref<1x128x48xf32, #tpu.memory_space<vmem>>
        %dma_start3A_307 = tpu.memref_squeeze %dma_start3A_306 : memref<1x128x48xf32, #tpu.memory_space<vmem>> -> memref<128x48xf32, #tpu.memory_space<vmem>>
        %dma_start3A_308 = arith.constant 0 : i32
        %dma_start3A_309 = tpu.memref_slice %arg7[%add3A_302, %dma_start3A_308] : memref<80x128xi32, #tpu.memory_space<vmem>> -> memref<1x128xi32, #tpu.memory_space<vmem>>
        %dma_start3A_310 = tpu.memref_squeeze %dma_start3A_309 : memref<1x128xi32, #tpu.memory_space<vmem>> -> memref<128xi32, #tpu.memory_space<vmem>>
        %dma_start3A_311 = arith.constant 0 : i32
        %dma_start3A_312 = arith.constant 0 : i32
        %dma_start3A_313 = tpu.memref_slice %arg11[%dma_start3A_311, %dma_start3A_312] : memref<10240x48xf32, #tpu.memory_space<vmem_shared>> -> memref<10240x48xf32, #tpu.memory_space<vmem_shared>>
        tpu.enqueue_indirect_dma source(%dma_start3A_313 : memref<10240x48xf32, #tpu.memory_space<vmem_shared>>) target(%dma_start3A_307 : memref<128x48xf32, #tpu.memory_space<vmem>>) offsets(%dma_start3A_310 : memref<128xi32, #tpu.memory_space<vmem>>) semaphore(%arg14 : memref<!tpu.dma_semaphore, #tpu.memory_space<semaphore_mem>>)
      } else {
      }
      %add3A_254 = arith.constant 2 : i32
      %add3A_255 = arith.addi %mul3A_81, %add3A_254 : i32
      %add3A_256 = arith.constant 0 : i32
      %add3A_257 = arith.addi %add3A_255, %add3A_256 : i32
      %dma_wait3A_258 = arith.constant 0 : i32
      %dma_wait3A_259 = arith.constant 0 : i32
      %dma_wait3A_260 = arith.constant 0 : i32
      %dma_wait3A_261 = tpu.memref_slice %arg10[%dma_wait3A_258, %dma_wait3A_259, %dma_wait3A_260] : memref<2x128x48xf32, #tpu.memory_space<vmem>> -> memref<1x128x48xf32, #tpu.memory_space<vmem>>
      %dma_wait3A_262 = tpu.memref_squeeze %dma_wait3A_261 : memref<1x128x48xf32, #tpu.memory_space<vmem>> -> memref<128x48xf32, #tpu.memory_space<vmem>>
      %dma_wait3A_263 = arith.constant 0 : i32
      %dma_wait3A_264 = tpu.memref_slice %arg8[%add3A_257, %dma_wait3A_263] : memref<80x128xi32, #tpu.memory_space<vmem>> -> memref<1x128xi32, #tpu.memory_space<vmem>>
      %dma_wait3A_265 = tpu.memref_squeeze %dma_wait3A_264 : memref<1x128xi32, #tpu.memory_space<vmem>> -> memref<128xi32, #tpu.memory_space<vmem>>
      %dma_wait3A_266 = arith.constant 0 : i32
      %dma_wait3A_267 = arith.constant 0 : i32
      %dma_wait3A_268 = tpu.memref_slice %arg12[%dma_wait3A_266, %dma_wait3A_267] : memref<10240x48xf32, #tpu.memory_space<vmem_shared>> -> memref<10240x48xf32, #tpu.memory_space<vmem_shared>>
      tpu.wait_indirect_dma semaphore(%arg17 : memref<!tpu.dma_semaphore, #tpu.memory_space<semaphore_mem>>) src(%dma_wait3A_262 : memref<128x48xf32, #tpu.memory_space<vmem>>) dst(%dma_wait3A_268 : memref<10240x48xf32, #tpu.memory_space<vmem_shared>>)
      %add3A_269 = arith.constant 2 : i32
      %add3A_270 = arith.addi %mul3A_81, %add3A_269 : i32
      %add3A_271 = arith.constant 1 : i32
      %add3A_272 = arith.addi %add3A_270, %add3A_271 : i32
      %dma_wait3A_273 = arith.constant 1 : i32
      %dma_wait3A_274 = arith.constant 0 : i32
      %dma_wait3A_275 = arith.constant 0 : i32
      %dma_wait3A_276 = tpu.memref_slice %arg10[%dma_wait3A_273, %dma_wait3A_274, %dma_wait3A_275] : memref<2x128x48xf32, #tpu.memory_space<vmem>> -> memref<1x128x48xf32, #tpu.memory_space<vmem>>
      %dma_wait3A_277 = tpu.memref_squeeze %dma_wait3A_276 : memref<1x128x48xf32, #tpu.memory_space<vmem>> -> memref<128x48xf32, #tpu.memory_space<vmem>>
      %dma_wait3A_278 = arith.constant 0 : i32
      %dma_wait3A_279 = tpu.memref_slice %arg8[%add3A_272, %dma_wait3A_278] : memref<80x128xi32, #tpu.memory_space<vmem>> -> memref<1x128xi32, #tpu.memory_space<vmem>>
      %dma_wait3A_280 = tpu.memref_squeeze %dma_wait3A_279 : memref<1x128xi32, #tpu.memory_space<vmem>> -> memref<128xi32, #tpu.memory_space<vmem>>
      %dma_wait3A_281 = arith.constant 0 : i32
      %dma_wait3A_282 = arith.constant 0 : i32
      %dma_wait3A_283 = tpu.memref_slice %arg12[%dma_wait3A_281, %dma_wait3A_282] : memref<10240x48xf32, #tpu.memory_space<vmem_shared>> -> memref<10240x48xf32, #tpu.memory_space<vmem_shared>>
      tpu.wait_indirect_dma semaphore(%arg17 : memref<!tpu.dma_semaphore, #tpu.memory_space<semaphore_mem>>) src(%dma_wait3A_277 : memref<128x48xf32, #tpu.memory_space<vmem>>) dst(%dma_wait3A_283 : memref<10240x48xf32, #tpu.memory_space<vmem_shared>>)
    }
    %scan3A_77 = arith.constant 20 : i32
    %barrier3A_78 = arith.constant 0 : index
    tpu.barrier barrier_id(%barrier3A_78)
    "tpu.region"() ({
      %run_scoped3A = tpu.sem_alloc : memref<!tpu.dma_semaphore, #tpu.memory_space<semaphore_mem>>
      %dma_start3A_79 = arith.constant 0 : i32
      %dma_start3A_80 = tpu.memref_slice %arg6[%arg0, %mul3A_2, %dma_start3A_79] : memref<2x10240x48xf32, #tpu.memory_space<hbm>> -> memref<1x640x48xf32, #tpu.memory_space<hbm>>
      %dma_start3A_81 = tpu.memref_squeeze %dma_start3A_80 : memref<1x640x48xf32, #tpu.memory_space<hbm>> -> memref<640x48xf32, #tpu.memory_space<hbm>>
      %dma_start3A_82 = arith.constant 0 : i32
      %dma_start3A_83 = tpu.memref_slice %arg12[%mul3A_2, %dma_start3A_82] : memref<10240x48xf32, #tpu.memory_space<vmem_shared>> -> memref<640x48xf32, #tpu.memory_space<vmem_shared>>
      tpu.enqueue_dma source(%dma_start3A_83 : memref<640x48xf32, #tpu.memory_space<vmem_shared>>) target(%dma_start3A_81 : memref<640x48xf32, #tpu.memory_space<hbm>>) target_semaphore(%run_scoped3A : memref<!tpu.dma_semaphore, #tpu.memory_space<semaphore_mem>>)
      %dma_wait3A_84 = arith.constant 0 : i32
      %dma_wait3A_85 = tpu.memref_slice %arg6[%arg0, %mul3A_2, %dma_wait3A_84] : memref<2x10240x48xf32, #tpu.memory_space<hbm>> -> memref<1x640x48xf32, #tpu.memory_space<hbm>>
      %dma_wait3A_86 = tpu.memref_squeeze %dma_wait3A_85 : memref<1x640x48xf32, #tpu.memory_space<hbm>> -> memref<640x48xf32, #tpu.memory_space<hbm>>
      %dma_wait3A_87 = arith.constant 0 : i32
      %dma_wait3A_88 = tpu.memref_slice %arg12[%mul3A_2, %dma_wait3A_87] : memref<10240x48xf32, #tpu.memory_space<vmem_shared>> -> memref<640x48xf32, #tpu.memory_space<vmem_shared>>
      tpu.wait_dma2 semaphore(%run_scoped3A : memref<!tpu.dma_semaphore, #tpu.memory_space<semaphore_mem>>) src(%dma_wait3A_88 : memref<640x48xf32, #tpu.memory_space<vmem_shared>>) dst(%dma_wait3A_86 : memref<640x48xf32, #tpu.memory_space<hbm>>)
      tpu.yield
    }) : () -> ()
    return
  }
}

#map = affine_map<(d0, d1) -> (0, 0)>
#map1 = affine_map<(d0, d1) -> (0, 0, 0)>
module attributes {stable_mosaic.version = 14 : i64} {
  func.func @_sc_scatter_body(%arg0: i32, %arg1: i32, %arg2: memref<10240x48xf32, #tpu.memory_space<hbm>>, %arg3: memref<32x80x128xi32, #tpu.memory_space<hbm>>, %arg4: memref<32x80x128xi32, #tpu.memory_space<hbm>>, %arg5: memref<10240x48xf32, #tpu.memory_space<hbm>>, %arg6: memref<2x10240x48xf32, #tpu.memory_space<hbm>>, %arg7: memref<80x128xi32, #tpu.memory_space<vmem>>, %arg8: memref<80x128xi32, #tpu.memory_space<vmem>>, %arg9: memref<2x128x48xf32, #tpu.memory_space<vmem>>, %arg10: memref<2x128x48xf32, #tpu.memory_space<vmem>>, %arg11: memref<10240x48xf32, #tpu.memory_space<vmem_shared>>, %arg12: memref<10240x48xf32, #tpu.memory_space<vmem_shared>>, %arg13: memref<!tpu.dma_semaphore, #tpu.memory_space<semaphore_mem>>, %arg14: memref<!tpu.dma_semaphore, #tpu.memory_space<semaphore_mem>>, %arg15: memref<!tpu.dma_semaphore, #tpu.memory_space<semaphore_mem>>, %arg16: memref<!tpu.dma_semaphore, #tpu.memory_space<semaphore_mem>>, %arg17: memref<!tpu.dma_semaphore, #tpu.memory_space<semaphore_mem>>) attributes {dimension_semantics = [#tpu.dimension_semantics<core_parallel>, #tpu.dimension_semantics<subcore_parallel>], iteration_bounds = array<i64: 2, 16>, scalar_prefetch = 0 : i64, scratch_operands = 11 : i64, tpu.core_type = #tpu.core_type<sc_vector_subcore>, window_params = [{transform_indices = #map}, {transform_indices = #map1}, {transform_indices = #map1}, {transform_indices = #map}, {transform_indices = #map1}]} {
    %mul3A = arith.constant 2 : i32
    %mul3A_0 = arith.muli %arg1, %mul3A : i32
    %add3A = arith.addi %mul3A_0, %arg0 : i32
    %mul3A_1 = arith.constant 640 : i32
    %mul3A_2 = arith.muli %arg1, %mul3A_1 : i32
    %dma_start3A = arith.constant 0 : i32
    %dma_start3A_3 = arith.constant 0 : i32
    %dma_start3A_4 = tpu.memref_slice %arg3[%add3A, %dma_start3A, %dma_start3A_3] : memref<32x80x128xi32, #tpu.memory_space<hbm>> -> memref<1x80x128xi32, #tpu.memory_space<hbm>>
    %dma_start3A_5 = tpu.memref_squeeze %dma_start3A_4 : memref<1x80x128xi32, #tpu.memory_space<hbm>> -> memref<80x128xi32, #tpu.memory_space<hbm>>
    %dma_start3A_6 = arith.constant 0 : i32
    %dma_start3A_7 = arith.constant 0 : i32
    %dma_start3A_8 = tpu.memref_slice %arg3[%add3A, %dma_start3A_6, %dma_start3A_7] : memref<32x80x128xi32, #tpu.memory_space<hbm>> -> memref<1x80x128xi32, #tpu.memory_space<hbm>>
    %dma_start3A_9 = tpu.memref_squeeze %dma_start3A_8 : memref<1x80x128xi32, #tpu.memory_space<hbm>> -> memref<80x128xi32, #tpu.memory_space<hbm>>
    tpu.enqueue_dma source(%dma_start3A_9 : memref<80x128xi32, #tpu.memory_space<hbm>>) target(%arg7 : memref<80x128xi32, #tpu.memory_space<vmem>>) target_semaphore(%arg13 : memref<!tpu.dma_semaphore, #tpu.memory_space<semaphore_mem>>)
    %dma_start3A_10 = arith.constant 0 : i32
    %dma_start3A_11 = arith.constant 0 : i32
    %dma_start3A_12 = tpu.memref_slice %arg4[%add3A, %dma_start3A_10, %dma_start3A_11] : memref<32x80x128xi32, #tpu.memory_space<hbm>> -> memref<1x80x128xi32, #tpu.memory_space<hbm>>
    %dma_start3A_13 = tpu.memref_squeeze %dma_start3A_12 : memref<1x80x128xi32, #tpu.memory_space<hbm>> -> memref<80x128xi32, #tpu.memory_space<hbm>>
    %dma_start3A_14 = arith.constant 0 : i32
    %dma_start3A_15 = arith.constant 0 : i32
    %dma_start3A_16 = tpu.memref_slice %arg4[%add3A, %dma_start3A_14, %dma_start3A_15] : memref<32x80x128xi32, #tpu.memory_space<hbm>> -> memref<1x80x128xi32, #tpu.memory_space<hbm>>
    %dma_start3A_17 = tpu.memref_squeeze %dma_start3A_16 : memref<1x80x128xi32, #tpu.memory_space<hbm>> -> memref<80x128xi32, #tpu.memory_space<hbm>>
    tpu.enqueue_dma source(%dma_start3A_17 : memref<80x128xi32, #tpu.memory_space<hbm>>) target(%arg8 : memref<80x128xi32, #tpu.memory_space<vmem>>) target_semaphore(%arg13 : memref<!tpu.dma_semaphore, #tpu.memory_space<semaphore_mem>>)
    %dma_start3A_18 = arith.constant 0 : i32
    %dma_start3A_19 = tpu.memref_slice %arg11[%mul3A_2, %dma_start3A_18] : memref<10240x48xf32, #tpu.memory_space<vmem_shared>> -> memref<640x48xf32, #tpu.memory_space<vmem_shared>>
    %dma_start3A_20 = arith.constant 0 : i32
    %dma_start3A_21 = tpu.memref_slice %arg2[%mul3A_2, %dma_start3A_20] : memref<10240x48xf32, #tpu.memory_space<hbm>> -> memref<640x48xf32, #tpu.memory_space<hbm>>
    tpu.enqueue_dma source(%dma_start3A_21 : memref<640x48xf32, #tpu.memory_space<hbm>>) target(%dma_start3A_19 : memref<640x48xf32, #tpu.memory_space<vmem_shared>>) target_semaphore(%arg13 : memref<!tpu.dma_semaphore, #tpu.memory_space<semaphore_mem>>)
    %dma_start3A_22 = arith.constant 0 : i32
    %dma_start3A_23 = tpu.memref_slice %arg12[%mul3A_2, %dma_start3A_22] : memref<10240x48xf32, #tpu.memory_space<vmem_shared>> -> memref<640x48xf32, #tpu.memory_space<vmem_shared>>
    %dma_start3A_24 = arith.constant 0 : i32
    %dma_start3A_25 = tpu.memref_slice %arg5[%mul3A_2, %dma_start3A_24] : memref<10240x48xf32, #tpu.memory_space<hbm>> -> memref<640x48xf32, #tpu.memory_space<hbm>>
    tpu.enqueue_dma source(%dma_start3A_25 : memref<640x48xf32, #tpu.memory_space<hbm>>) target(%dma_start3A_23 : memref<640x48xf32, #tpu.memory_space<vmem_shared>>) target_semaphore(%arg13 : memref<!tpu.dma_semaphore, #tpu.memory_space<semaphore_mem>>)
    %dma_wait3A = arith.constant 0 : i32
    %dma_wait3A_26 = arith.constant 0 : i32
    %dma_wait3A_27 = tpu.memref_slice %arg3[%add3A, %dma_wait3A, %dma_wait3A_26] : memref<32x80x128xi32, #tpu.memory_space<hbm>> -> memref<1x80x128xi32, #tpu.memory_space<hbm>>
    %dma_wait3A_28 = tpu.memref_squeeze %dma_wait3A_27 : memref<1x80x128xi32, #tpu.memory_space<hbm>> -> memref<80x128xi32, #tpu.memory_space<hbm>>
    %dma_wait3A_29 = arith.constant 0 : i32
    %dma_wait3A_30 = arith.constant 0 : i32
    %dma_wait3A_31 = tpu.memref_slice %arg3[%add3A, %dma_wait3A_29, %dma_wait3A_30] : memref<32x80x128xi32, #tpu.memory_space<hbm>> -> memref<1x80x128xi32, #tpu.memory_space<hbm>>
    %dma_wait3A_32 = tpu.memref_squeeze %dma_wait3A_31 : memref<1x80x128xi32, #tpu.memory_space<hbm>> -> memref<80x128xi32, #tpu.memory_space<hbm>>
    tpu.wait_dma2 semaphore(%arg13 : memref<!tpu.dma_semaphore, #tpu.memory_space<semaphore_mem>>) src(%dma_wait3A_32 : memref<80x128xi32, #tpu.memory_space<hbm>>) dst(%arg7 : memref<80x128xi32, #tpu.memory_space<vmem>>)
    %dma_wait3A_33 = arith.constant 0 : i32
    %dma_wait3A_34 = arith.constant 0 : i32
    %dma_wait3A_35 = tpu.memref_slice %arg4[%add3A, %dma_wait3A_33, %dma_wait3A_34] : memref<32x80x128xi32, #tpu.memory_space<hbm>> -> memref<1x80x128xi32, #tpu.memory_space<hbm>>
    %dma_wait3A_36 = tpu.memref_squeeze %dma_wait3A_35 : memref<1x80x128xi32, #tpu.memory_space<hbm>> -> memref<80x128xi32, #tpu.memory_space<hbm>>
    %dma_wait3A_37 = arith.constant 0 : i32
    %dma_wait3A_38 = arith.constant 0 : i32
    %dma_wait3A_39 = tpu.memref_slice %arg4[%add3A, %dma_wait3A_37, %dma_wait3A_38] : memref<32x80x128xi32, #tpu.memory_space<hbm>> -> memref<1x80x128xi32, #tpu.memory_space<hbm>>
    %dma_wait3A_40 = tpu.memref_squeeze %dma_wait3A_39 : memref<1x80x128xi32, #tpu.memory_space<hbm>> -> memref<80x128xi32, #tpu.memory_space<hbm>>
    tpu.wait_dma2 semaphore(%arg13 : memref<!tpu.dma_semaphore, #tpu.memory_space<semaphore_mem>>) src(%dma_wait3A_40 : memref<80x128xi32, #tpu.memory_space<hbm>>) dst(%arg8 : memref<80x128xi32, #tpu.memory_space<vmem>>)
    %dma_wait3A_41 = arith.constant 0 : i32
    %dma_wait3A_42 = tpu.memref_slice %arg11[%mul3A_2, %dma_wait3A_41] : memref<10240x48xf32, #tpu.memory_space<vmem_shared>> -> memref<640x48xf32, #tpu.memory_space<vmem_shared>>
    %dma_wait3A_43 = arith.constant 0 : i32
    %dma_wait3A_44 = tpu.memref_slice %arg2[%mul3A_2, %dma_wait3A_43] : memref<10240x48xf32, #tpu.memory_space<hbm>> -> memref<640x48xf32, #tpu.memory_space<hbm>>
    tpu.wait_dma2 semaphore(%arg13 : memref<!tpu.dma_semaphore, #tpu.memory_space<semaphore_mem>>) src(%dma_wait3A_44 : memref<640x48xf32, #tpu.memory_space<hbm>>) dst(%dma_wait3A_42 : memref<640x48xf32, #tpu.memory_space<vmem_shared>>)
    %dma_wait3A_45 = arith.constant 0 : i32
    %dma_wait3A_46 = tpu.memref_slice %arg12[%mul3A_2, %dma_wait3A_45] : memref<10240x48xf32, #tpu.memory_space<vmem_shared>> -> memref<640x48xf32, #tpu.memory_space<vmem_shared>>
    %dma_wait3A_47 = arith.constant 0 : i32
    %dma_wait3A_48 = tpu.memref_slice %arg5[%mul3A_2, %dma_wait3A_47] : memref<10240x48xf32, #tpu.memory_space<hbm>> -> memref<640x48xf32, #tpu.memory_space<hbm>>
    tpu.wait_dma2 semaphore(%arg13 : memref<!tpu.dma_semaphore, #tpu.memory_space<semaphore_mem>>) src(%dma_wait3A_48 : memref<640x48xf32, #tpu.memory_space<hbm>>) dst(%dma_wait3A_46 : memref<640x48xf32, #tpu.memory_space<vmem_shared>>)
    %barrier3A = arith.constant 0 : index
    tpu.barrier barrier_id(%barrier3A)
    %dma_start3A_49 = arith.constant 0 : i32
    %dma_start3A_50 = arith.constant 0 : i32
    %dma_start3A_51 = arith.constant 0 : i32
    %dma_start3A_52 = arith.constant 0 : i32
    %dma_start3A_53 = tpu.memref_slice %arg9[%dma_start3A_50, %dma_start3A_51, %dma_start3A_52] : memref<2x128x48xf32, #tpu.memory_space<vmem>> -> memref<1x128x48xf32, #tpu.memory_space<vmem>>
    %dma_start3A_54 = tpu.memref_squeeze %dma_start3A_53 : memref<1x128x48xf32, #tpu.memory_space<vmem>> -> memref<128x48xf32, #tpu.memory_space<vmem>>
    %dma_start3A_55 = arith.constant 0 : i32
    %dma_start3A_56 = tpu.memref_slice %arg7[%dma_start3A_49, %dma_start3A_55] : memref<80x128xi32, #tpu.memory_space<vmem>> -> memref<1x128xi32, #tpu.memory_space<vmem>>
    %dma_start3A_57 = tpu.memref_squeeze %dma_start3A_56 : memref<1x128xi32, #tpu.memory_space<vmem>> -> memref<128xi32, #tpu.memory_space<vmem>>
    %dma_start3A_58 = arith.constant 0 : i32
    %dma_start3A_59 = arith.constant 0 : i32
    %dma_start3A_60 = tpu.memref_slice %arg11[%dma_start3A_58, %dma_start3A_59] : memref<10240x48xf32, #tpu.memory_space<vmem_shared>> -> memref<10240x48xf32, #tpu.memory_space<vmem_shared>>
    tpu.enqueue_indirect_dma source(%dma_start3A_60 : memref<10240x48xf32, #tpu.memory_space<vmem_shared>>) target(%dma_start3A_54 : memref<128x48xf32, #tpu.memory_space<vmem>>) offsets(%dma_start3A_57 : memref<128xi32, #tpu.memory_space<vmem>>) semaphore(%arg14 : memref<!tpu.dma_semaphore, #tpu.memory_space<semaphore_mem>>)
    %dma_start3A_61 = arith.constant 1 : i32
    %dma_start3A_62 = arith.constant 1 : i32
    %dma_start3A_63 = arith.constant 0 : i32
    %dma_start3A_64 = arith.constant 0 : i32
    %dma_start3A_65 = tpu.memref_slice %arg9[%dma_start3A_62, %dma_start3A_63, %dma_start3A_64] : memref<2x128x48xf32, #tpu.memory_space<vmem>> -> memref<1x128x48xf32, #tpu.memory_space<vmem>>
    %dma_start3A_66 = tpu.memref_squeeze %dma_start3A_65 : memref<1x128x48xf32, #tpu.memory_space<vmem>> -> memref<128x48xf32, #tpu.memory_space<vmem>>
    %dma_start3A_67 = arith.constant 0 : i32
    %dma_start3A_68 = tpu.memref_slice %arg7[%dma_start3A_61, %dma_start3A_67] : memref<80x128xi32, #tpu.memory_space<vmem>> -> memref<1x128xi32, #tpu.memory_space<vmem>>
    %dma_start3A_69 = tpu.memref_squeeze %dma_start3A_68 : memref<1x128xi32, #tpu.memory_space<vmem>> -> memref<128xi32, #tpu.memory_space<vmem>>
    %dma_start3A_70 = arith.constant 0 : i32
    %dma_start3A_71 = arith.constant 0 : i32
    %dma_start3A_72 = tpu.memref_slice %arg11[%dma_start3A_70, %dma_start3A_71] : memref<10240x48xf32, #tpu.memory_space<vmem_shared>> -> memref<10240x48xf32, #tpu.memory_space<vmem_shared>>
    tpu.enqueue_indirect_dma source(%dma_start3A_72 : memref<10240x48xf32, #tpu.memory_space<vmem_shared>>) target(%dma_start3A_66 : memref<128x48xf32, #tpu.memory_space<vmem>>) offsets(%dma_start3A_69 : memref<128xi32, #tpu.memory_space<vmem>>) semaphore(%arg14 : memref<!tpu.dma_semaphore, #tpu.memory_space<semaphore_mem>>)
    %scan3A = arith.constant 0 : i32
    %scan3A_73 = arith.constant 0 : i32
    %scan3A_74 = arith.constant 20 : i32
    %scan3A_75 = arith.addi %scan3A_73, %scan3A_74 : i32
    %scan3A_76 = arith.constant 1 : i32
    scf.for %scan3A_79 = %scan3A_73 to %scan3A_75 step %scan3A_76  : i32 {
      %mul3A_80 = arith.constant 4 : i32
      %mul3A_81 = arith.muli %mul3A_80, %scan3A_79 : i32
      %add3A_82 = arith.constant 0 : i32
      %add3A_83 = arith.addi %mul3A_81, %add3A_82 : i32
      %dma_wait3A_84 = arith.constant 0 : i32
      %dma_wait3A_85 = arith.constant 0 : i32
      %dma_wait3A_86 = arith.constant 0 : i32
      %dma_wait3A_87 = tpu.memref_slice %arg9[%dma_wait3A_84, %dma_wait3A_85, %dma_wait3A_86] : memref<2x128x48xf32, #tpu.memory_space<vmem>> -> memref<1x128x48xf32, #tpu.memory_space<vmem>>
      %dma_wait3A_88 = tpu.memref_squeeze %dma_wait3A_87 : memref<1x128x48xf32, #tpu.memory_space<vmem>> -> memref<128x48xf32, #tpu.memory_space<vmem>>
      %dma_wait3A_89 = arith.constant 0 : i32
      %dma_wait3A_90 = tpu.memref_slice %arg7[%add3A_83, %dma_wait3A_89] : memref<80x128xi32, #tpu.memory_space<vmem>> -> memref<1x128xi32, #tpu.memory_space<vmem>>
      %dma_wait3A_91 = tpu.memref_squeeze %dma_wait3A_90 : memref<1x128xi32, #tpu.memory_space<vmem>> -> memref<128xi32, #tpu.memory_space<vmem>>
      %dma_wait3A_92 = arith.constant 0 : i32
      %dma_wait3A_93 = arith.constant 0 : i32
      %dma_wait3A_94 = tpu.memref_slice %arg11[%dma_wait3A_92, %dma_wait3A_93] : memref<10240x48xf32, #tpu.memory_space<vmem_shared>> -> memref<10240x48xf32, #tpu.memory_space<vmem_shared>>
      tpu.wait_indirect_dma semaphore(%arg14 : memref<!tpu.dma_semaphore, #tpu.memory_space<semaphore_mem>>) src(%dma_wait3A_94 : memref<10240x48xf32, #tpu.memory_space<vmem_shared>>) dst(%dma_wait3A_88 : memref<128x48xf32, #tpu.memory_space<vmem>>)
      %add3A_95 = arith.constant 0 : i32
      %add3A_96 = arith.addi %mul3A_81, %add3A_95 : i32
      %dma_start3A_97 = arith.constant 0 : i32
      %dma_start3A_98 = arith.constant 0 : i32
      %dma_start3A_99 = arith.constant 0 : i32
      %dma_start3A_100 = tpu.memref_slice %arg9[%dma_start3A_97, %dma_start3A_98, %dma_start3A_99] : memref<2x128x48xf32, #tpu.memory_space<vmem>> -> memref<1x128x48xf32, #tpu.memory_space<vmem>>
      %dma_start3A_101 = tpu.memref_squeeze %dma_start3A_100 : memref<1x128x48xf32, #tpu.memory_space<vmem>> -> memref<128x48xf32, #tpu.memory_space<vmem>>
      %dma_start3A_102 = arith.constant 0 : i32
      %dma_start3A_103 = tpu.memref_slice %arg8[%add3A_96, %dma_start3A_102] : memref<80x128xi32, #tpu.memory_space<vmem>> -> memref<1x128xi32, #tpu.memory_space<vmem>>
      %dma_start3A_104 = tpu.memref_squeeze %dma_start3A_103 : memref<1x128xi32, #tpu.memory_space<vmem>> -> memref<128xi32, #tpu.memory_space<vmem>>
      %dma_start3A_105 = arith.constant 0 : i32
      %dma_start3A_106 = arith.constant 0 : i32
      %dma_start3A_107 = tpu.memref_slice %arg12[%dma_start3A_105, %dma_start3A_106] : memref<10240x48xf32, #tpu.memory_space<vmem_shared>> -> memref<10240x48xf32, #tpu.memory_space<vmem_shared>>
      tpu.enqueue_indirect_dma source(%dma_start3A_101 : memref<128x48xf32, #tpu.memory_space<vmem>>) target(%dma_start3A_107 : memref<10240x48xf32, #tpu.memory_space<vmem_shared>>) offsets(%dma_start3A_104 : memref<128xi32, #tpu.memory_space<vmem>>) semaphore(%arg16 : memref<!tpu.dma_semaphore, #tpu.memory_space<semaphore_mem>>) {add = true}
      %add3A_108 = arith.constant 1 : i32
      %add3A_109 = arith.addi %mul3A_81, %add3A_108 : i32
      %dma_wait3A_110 = arith.constant 1 : i32
      %dma_wait3A_111 = arith.constant 0 : i32
      %dma_wait3A_112 = arith.constant 0 : i32
      %dma_wait3A_113 = tpu.memref_slice %arg9[%dma_wait3A_110, %dma_wait3A_111, %dma_wait3A_112] : memref<2x128x48xf32, #tpu.memory_space<vmem>> -> memref<1x128x48xf32, #tpu.memory_space<vmem>>
      %dma_wait3A_114 = tpu.memref_squeeze %dma_wait3A_113 : memref<1x128x48xf32, #tpu.memory_space<vmem>> -> memref<128x48xf32, #tpu.memory_space<vmem>>
      %dma_wait3A_115 = arith.constant 0 : i32
      %dma_wait3A_116 = tpu.memref_slice %arg7[%add3A_109, %dma_wait3A_115] : memref<80x128xi32, #tpu.memory_space<vmem>> -> memref<1x128xi32, #tpu.memory_space<vmem>>
      %dma_wait3A_117 = tpu.memref_squeeze %dma_wait3A_116 : memref<1x128xi32, #tpu.memory_space<vmem>> -> memref<128xi32, #tpu.memory_space<vmem>>
      %dma_wait3A_118 = arith.constant 0 : i32
      %dma_wait3A_119 = arith.constant 0 : i32
      %dma_wait3A_120 = tpu.memref_slice %arg11[%dma_wait3A_118, %dma_wait3A_119] : memref<10240x48xf32, #tpu.memory_space<vmem_shared>> -> memref<10240x48xf32, #tpu.memory_space<vmem_shared>>
      tpu.wait_indirect_dma semaphore(%arg14 : memref<!tpu.dma_semaphore, #tpu.memory_space<semaphore_mem>>) src(%dma_wait3A_120 : memref<10240x48xf32, #tpu.memory_space<vmem_shared>>) dst(%dma_wait3A_114 : memref<128x48xf32, #tpu.memory_space<vmem>>)
      %add3A_121 = arith.constant 1 : i32
      %add3A_122 = arith.addi %mul3A_81, %add3A_121 : i32
      %dma_start3A_123 = arith.constant 1 : i32
      %dma_start3A_124 = arith.constant 0 : i32
      %dma_start3A_125 = arith.constant 0 : i32
      %dma_start3A_126 = tpu.memref_slice %arg9[%dma_start3A_123, %dma_start3A_124, %dma_start3A_125] : memref<2x128x48xf32, #tpu.memory_space<vmem>> -> memref<1x128x48xf32, #tpu.memory_space<vmem>>
      %dma_start3A_127 = tpu.memref_squeeze %dma_start3A_126 : memref<1x128x48xf32, #tpu.memory_space<vmem>> -> memref<128x48xf32, #tpu.memory_space<vmem>>
      %dma_start3A_128 = arith.constant 0 : i32
      %dma_start3A_129 = tpu.memref_slice %arg8[%add3A_122, %dma_start3A_128] : memref<80x128xi32, #tpu.memory_space<vmem>> -> memref<1x128xi32, #tpu.memory_space<vmem>>
      %dma_start3A_130 = tpu.memref_squeeze %dma_start3A_129 : memref<1x128xi32, #tpu.memory_space<vmem>> -> memref<128xi32, #tpu.memory_space<vmem>>
      %dma_start3A_131 = arith.constant 0 : i32
      %dma_start3A_132 = arith.constant 0 : i32
      %dma_start3A_133 = tpu.memref_slice %arg12[%dma_start3A_131, %dma_start3A_132] : memref<10240x48xf32, #tpu.memory_space<vmem_shared>> -> memref<10240x48xf32, #tpu.memory_space<vmem_shared>>
      tpu.enqueue_indirect_dma source(%dma_start3A_127 : memref<128x48xf32, #tpu.memory_space<vmem>>) target(%dma_start3A_133 : memref<10240x48xf32, #tpu.memory_space<vmem_shared>>) offsets(%dma_start3A_130 : memref<128xi32, #tpu.memory_space<vmem>>) semaphore(%arg16 : memref<!tpu.dma_semaphore, #tpu.memory_space<semaphore_mem>>) {add = true}
      %add3A_134 = arith.constant 2 : i32
      %add3A_135 = arith.addi %mul3A_81, %add3A_134 : i32
      %add3A_136 = arith.constant 0 : i32
      %add3A_137 = arith.addi %add3A_135, %add3A_136 : i32
      %dma_start3A_138 = arith.constant 0 : i32
      %dma_start3A_139 = arith.constant 0 : i32
      %dma_start3A_140 = arith.constant 0 : i32
      %dma_start3A_141 = tpu.memref_slice %arg10[%dma_start3A_138, %dma_start3A_139, %dma_start3A_140] : memref<2x128x48xf32, #tpu.memory_space<vmem>> -> memref<1x128x48xf32, #tpu.memory_space<vmem>>
      %dma_start3A_142 = tpu.memref_squeeze %dma_start3A_141 : memref<1x128x48xf32, #tpu.memory_space<vmem>> -> memref<128x48xf32, #tpu.memory_space<vmem>>
      %dma_start3A_143 = arith.constant 0 : i32
      %dma_start3A_144 = tpu.memref_slice %arg7[%add3A_137, %dma_start3A_143] : memref<80x128xi32, #tpu.memory_space<vmem>> -> memref<1x128xi32, #tpu.memory_space<vmem>>
      %dma_start3A_145 = tpu.memref_squeeze %dma_start3A_144 : memref<1x128xi32, #tpu.memory_space<vmem>> -> memref<128xi32, #tpu.memory_space<vmem>>
      %dma_start3A_146 = arith.constant 0 : i32
      %dma_start3A_147 = arith.constant 0 : i32
      %dma_start3A_148 = tpu.memref_slice %arg11[%dma_start3A_146, %dma_start3A_147] : memref<10240x48xf32, #tpu.memory_space<vmem_shared>> -> memref<10240x48xf32, #tpu.memory_space<vmem_shared>>
      tpu.enqueue_indirect_dma source(%dma_start3A_148 : memref<10240x48xf32, #tpu.memory_space<vmem_shared>>) target(%dma_start3A_142 : memref<128x48xf32, #tpu.memory_space<vmem>>) offsets(%dma_start3A_145 : memref<128xi32, #tpu.memory_space<vmem>>) semaphore(%arg15 : memref<!tpu.dma_semaphore, #tpu.memory_space<semaphore_mem>>)
      %add3A_149 = arith.constant 2 : i32
      %add3A_150 = arith.addi %mul3A_81, %add3A_149 : i32
      %add3A_151 = arith.constant 1 : i32
      %add3A_152 = arith.addi %add3A_150, %add3A_151 : i32
      %dma_start3A_153 = arith.constant 1 : i32
      %dma_start3A_154 = arith.constant 0 : i32
      %dma_start3A_155 = arith.constant 0 : i32
      %dma_start3A_156 = tpu.memref_slice %arg10[%dma_start3A_153, %dma_start3A_154, %dma_start3A_155] : memref<2x128x48xf32, #tpu.memory_space<vmem>> -> memref<1x128x48xf32, #tpu.memory_space<vmem>>
      %dma_start3A_157 = tpu.memref_squeeze %dma_start3A_156 : memref<1x128x48xf32, #tpu.memory_space<vmem>> -> memref<128x48xf32, #tpu.memory_space<vmem>>
      %dma_start3A_158 = arith.constant 0 : i32
      %dma_start3A_159 = tpu.memref_slice %arg7[%add3A_152, %dma_start3A_158] : memref<80x128xi32, #tpu.memory_space<vmem>> -> memref<1x128xi32, #tpu.memory_space<vmem>>
      %dma_start3A_160 = tpu.memref_squeeze %dma_start3A_159 : memref<1x128xi32, #tpu.memory_space<vmem>> -> memref<128xi32, #tpu.memory_space<vmem>>
      %dma_start3A_161 = arith.constant 0 : i32
      %dma_start3A_162 = arith.constant 0 : i32
      %dma_start3A_163 = tpu.memref_slice %arg11[%dma_start3A_161, %dma_start3A_162] : memref<10240x48xf32, #tpu.memory_space<vmem_shared>> -> memref<10240x48xf32, #tpu.memory_space<vmem_shared>>
      tpu.enqueue_indirect_dma source(%dma_start3A_163 : memref<10240x48xf32, #tpu.memory_space<vmem_shared>>) target(%dma_start3A_157 : memref<128x48xf32, #tpu.memory_space<vmem>>) offsets(%dma_start3A_160 : memref<128xi32, #tpu.memory_space<vmem>>) semaphore(%arg15 : memref<!tpu.dma_semaphore, #tpu.memory_space<semaphore_mem>>)
      %add3A_164 = arith.constant 2 : i32
      %add3A_165 = arith.addi %mul3A_81, %add3A_164 : i32
      %add3A_166 = arith.constant 0 : i32
      %add3A_167 = arith.addi %add3A_165, %add3A_166 : i32
      %dma_wait3A_168 = arith.constant 0 : i32
      %dma_wait3A_169 = arith.constant 0 : i32
      %dma_wait3A_170 = arith.constant 0 : i32
      %dma_wait3A_171 = tpu.memref_slice %arg10[%dma_wait3A_168, %dma_wait3A_169, %dma_wait3A_170] : memref<2x128x48xf32, #tpu.memory_space<vmem>> -> memref<1x128x48xf32, #tpu.memory_space<vmem>>
      %dma_wait3A_172 = tpu.memref_squeeze %dma_wait3A_171 : memref<1x128x48xf32, #tpu.memory_space<vmem>> -> memref<128x48xf32, #tpu.memory_space<vmem>>
      %dma_wait3A_173 = arith.constant 0 : i32
      %dma_wait3A_174 = tpu.memref_slice %arg7[%add3A_167, %dma_wait3A_173] : memref<80x128xi32, #tpu.memory_space<vmem>> -> memref<1x128xi32, #tpu.memory_space<vmem>>
      %dma_wait3A_175 = tpu.memref_squeeze %dma_wait3A_174 : memref<1x128xi32, #tpu.memory_space<vmem>> -> memref<128xi32, #tpu.memory_space<vmem>>
      %dma_wait3A_176 = arith.constant 0 : i32
      %dma_wait3A_177 = arith.constant 0 : i32
      %dma_wait3A_178 = tpu.memref_slice %arg11[%dma_wait3A_176, %dma_wait3A_177] : memref<10240x48xf32, #tpu.memory_space<vmem_shared>> -> memref<10240x48xf32, #tpu.memory_space<vmem_shared>>
      tpu.wait_indirect_dma semaphore(%arg15 : memref<!tpu.dma_semaphore, #tpu.memory_space<semaphore_mem>>) src(%dma_wait3A_178 : memref<10240x48xf32, #tpu.memory_space<vmem_shared>>) dst(%dma_wait3A_172 : memref<128x48xf32, #tpu.memory_space<vmem>>)
      %add3A_179 = arith.constant 2 : i32
      %add3A_180 = arith.addi %mul3A_81, %add3A_179 : i32
      %add3A_181 = arith.constant 0 : i32
      %add3A_182 = arith.addi %add3A_180, %add3A_181 : i32
      %dma_start3A_183 = arith.constant 0 : i32
      %dma_start3A_184 = arith.constant 0 : i32
      %dma_start3A_185 = arith.constant 0 : i32
      %dma_start3A_186 = tpu.memref_slice %arg10[%dma_start3A_183, %dma_start3A_184, %dma_start3A_185] : memref<2x128x48xf32, #tpu.memory_space<vmem>> -> memref<1x128x48xf32, #tpu.memory_space<vmem>>
      %dma_start3A_187 = tpu.memref_squeeze %dma_start3A_186 : memref<1x128x48xf32, #tpu.memory_space<vmem>> -> memref<128x48xf32, #tpu.memory_space<vmem>>
      %dma_start3A_188 = arith.constant 0 : i32
      %dma_start3A_189 = tpu.memref_slice %arg8[%add3A_182, %dma_start3A_188] : memref<80x128xi32, #tpu.memory_space<vmem>> -> memref<1x128xi32, #tpu.memory_space<vmem>>
      %dma_start3A_190 = tpu.memref_squeeze %dma_start3A_189 : memref<1x128xi32, #tpu.memory_space<vmem>> -> memref<128xi32, #tpu.memory_space<vmem>>
      %dma_start3A_191 = arith.constant 0 : i32
      %dma_start3A_192 = arith.constant 0 : i32
      %dma_start3A_193 = tpu.memref_slice %arg12[%dma_start3A_191, %dma_start3A_192] : memref<10240x48xf32, #tpu.memory_space<vmem_shared>> -> memref<10240x48xf32, #tpu.memory_space<vmem_shared>>
      tpu.enqueue_indirect_dma source(%dma_start3A_187 : memref<128x48xf32, #tpu.memory_space<vmem>>) target(%dma_start3A_193 : memref<10240x48xf32, #tpu.memory_space<vmem_shared>>) offsets(%dma_start3A_190 : memref<128xi32, #tpu.memory_space<vmem>>) semaphore(%arg17 : memref<!tpu.dma_semaphore, #tpu.memory_space<semaphore_mem>>) {add = true}
      %add3A_194 = arith.constant 2 : i32
      %add3A_195 = arith.addi %mul3A_81, %add3A_194 : i32
      %add3A_196 = arith.constant 1 : i32
      %add3A_197 = arith.addi %add3A_195, %add3A_196 : i32
      %dma_wait3A_198 = arith.constant 1 : i32
      %dma_wait3A_199 = arith.constant 0 : i32
      %dma_wait3A_200 = arith.constant 0 : i32
      %dma_wait3A_201 = tpu.memref_slice %arg10[%dma_wait3A_198, %dma_wait3A_199, %dma_wait3A_200] : memref<2x128x48xf32, #tpu.memory_space<vmem>> -> memref<1x128x48xf32, #tpu.memory_space<vmem>>
      %dma_wait3A_202 = tpu.memref_squeeze %dma_wait3A_201 : memref<1x128x48xf32, #tpu.memory_space<vmem>> -> memref<128x48xf32, #tpu.memory_space<vmem>>
      %dma_wait3A_203 = arith.constant 0 : i32
      %dma_wait3A_204 = tpu.memref_slice %arg7[%add3A_197, %dma_wait3A_203] : memref<80x128xi32, #tpu.memory_space<vmem>> -> memref<1x128xi32, #tpu.memory_space<vmem>>
      %dma_wait3A_205 = tpu.memref_squeeze %dma_wait3A_204 : memref<1x128xi32, #tpu.memory_space<vmem>> -> memref<128xi32, #tpu.memory_space<vmem>>
      %dma_wait3A_206 = arith.constant 0 : i32
      %dma_wait3A_207 = arith.constant 0 : i32
      %dma_wait3A_208 = tpu.memref_slice %arg11[%dma_wait3A_206, %dma_wait3A_207] : memref<10240x48xf32, #tpu.memory_space<vmem_shared>> -> memref<10240x48xf32, #tpu.memory_space<vmem_shared>>
      tpu.wait_indirect_dma semaphore(%arg15 : memref<!tpu.dma_semaphore, #tpu.memory_space<semaphore_mem>>) src(%dma_wait3A_208 : memref<10240x48xf32, #tpu.memory_space<vmem_shared>>) dst(%dma_wait3A_202 : memref<128x48xf32, #tpu.memory_space<vmem>>)
      %add3A_209 = arith.constant 2 : i32
      %add3A_210 = arith.addi %mul3A_81, %add3A_209 : i32
      %add3A_211 = arith.constant 1 : i32
      %add3A_212 = arith.addi %add3A_210, %add3A_211 : i32
      %dma_start3A_213 = arith.constant 1 : i32
      %dma_start3A_214 = arith.constant 0 : i32
      %dma_start3A_215 = arith.constant 0 : i32
      %dma_start3A_216 = tpu.memref_slice %arg10[%dma_start3A_213, %dma_start3A_214, %dma_start3A_215] : memref<2x128x48xf32, #tpu.memory_space<vmem>> -> memref<1x128x48xf32, #tpu.memory_space<vmem>>
      %dma_start3A_217 = tpu.memref_squeeze %dma_start3A_216 : memref<1x128x48xf32, #tpu.memory_space<vmem>> -> memref<128x48xf32, #tpu.memory_space<vmem>>
      %dma_start3A_218 = arith.constant 0 : i32
      %dma_start3A_219 = tpu.memref_slice %arg8[%add3A_212, %dma_start3A_218] : memref<80x128xi32, #tpu.memory_space<vmem>> -> memref<1x128xi32, #tpu.memory_space<vmem>>
      %dma_start3A_220 = tpu.memref_squeeze %dma_start3A_219 : memref<1x128xi32, #tpu.memory_space<vmem>> -> memref<128xi32, #tpu.memory_space<vmem>>
      %dma_start3A_221 = arith.constant 0 : i32
      %dma_start3A_222 = arith.constant 0 : i32
      %dma_start3A_223 = tpu.memref_slice %arg12[%dma_start3A_221, %dma_start3A_222] : memref<10240x48xf32, #tpu.memory_space<vmem_shared>> -> memref<10240x48xf32, #tpu.memory_space<vmem_shared>>
      tpu.enqueue_indirect_dma source(%dma_start3A_217 : memref<128x48xf32, #tpu.memory_space<vmem>>) target(%dma_start3A_223 : memref<10240x48xf32, #tpu.memory_space<vmem_shared>>) offsets(%dma_start3A_220 : memref<128xi32, #tpu.memory_space<vmem>>) semaphore(%arg17 : memref<!tpu.dma_semaphore, #tpu.memory_space<semaphore_mem>>) {add = true}
      %add3A_224 = arith.constant 0 : i32
      %add3A_225 = arith.addi %mul3A_81, %add3A_224 : i32
      %dma_wait3A_226 = arith.constant 0 : i32
      %dma_wait3A_227 = arith.constant 0 : i32
      %dma_wait3A_228 = arith.constant 0 : i32
      %dma_wait3A_229 = tpu.memref_slice %arg9[%dma_wait3A_226, %dma_wait3A_227, %dma_wait3A_228] : memref<2x128x48xf32, #tpu.memory_space<vmem>> -> memref<1x128x48xf32, #tpu.memory_space<vmem>>
      %dma_wait3A_230 = tpu.memref_squeeze %dma_wait3A_229 : memref<1x128x48xf32, #tpu.memory_space<vmem>> -> memref<128x48xf32, #tpu.memory_space<vmem>>
      %dma_wait3A_231 = arith.constant 0 : i32
      %dma_wait3A_232 = tpu.memref_slice %arg8[%add3A_225, %dma_wait3A_231] : memref<80x128xi32, #tpu.memory_space<vmem>> -> memref<1x128xi32, #tpu.memory_space<vmem>>
      %dma_wait3A_233 = tpu.memref_squeeze %dma_wait3A_232 : memref<1x128xi32, #tpu.memory_space<vmem>> -> memref<128xi32, #tpu.memory_space<vmem>>
      %dma_wait3A_234 = arith.constant 0 : i32
      %dma_wait3A_235 = arith.constant 0 : i32
      %dma_wait3A_236 = tpu.memref_slice %arg12[%dma_wait3A_234, %dma_wait3A_235] : memref<10240x48xf32, #tpu.memory_space<vmem_shared>> -> memref<10240x48xf32, #tpu.memory_space<vmem_shared>>
      tpu.wait_indirect_dma semaphore(%arg16 : memref<!tpu.dma_semaphore, #tpu.memory_space<semaphore_mem>>) src(%dma_wait3A_230 : memref<128x48xf32, #tpu.memory_space<vmem>>) dst(%dma_wait3A_236 : memref<10240x48xf32, #tpu.memory_space<vmem_shared>>)
      %add3A_237 = arith.constant 1 : i32
      %add3A_238 = arith.addi %mul3A_81, %add3A_237 : i32
      %dma_wait3A_239 = arith.constant 1 : i32
      %dma_wait3A_240 = arith.constant 0 : i32
      %dma_wait3A_241 = arith.constant 0 : i32
      %dma_wait3A_242 = tpu.memref_slice %arg9[%dma_wait3A_239, %dma_wait3A_240, %dma_wait3A_241] : memref<2x128x48xf32, #tpu.memory_space<vmem>> -> memref<1x128x48xf32, #tpu.memory_space<vmem>>
      %dma_wait3A_243 = tpu.memref_squeeze %dma_wait3A_242 : memref<1x128x48xf32, #tpu.memory_space<vmem>> -> memref<128x48xf32, #tpu.memory_space<vmem>>
      %dma_wait3A_244 = arith.constant 0 : i32
      %dma_wait3A_245 = tpu.memref_slice %arg8[%add3A_238, %dma_wait3A_244] : memref<80x128xi32, #tpu.memory_space<vmem>> -> memref<1x128xi32, #tpu.memory_space<vmem>>
      %dma_wait3A_246 = tpu.memref_squeeze %dma_wait3A_245 : memref<1x128xi32, #tpu.memory_space<vmem>> -> memref<128xi32, #tpu.memory_space<vmem>>
      %dma_wait3A_247 = arith.constant 0 : i32
      %dma_wait3A_248 = arith.constant 0 : i32
      %dma_wait3A_249 = tpu.memref_slice %arg12[%dma_wait3A_247, %dma_wait3A_248] : memref<10240x48xf32, #tpu.memory_space<vmem_shared>> -> memref<10240x48xf32, #tpu.memory_space<vmem_shared>>
      tpu.wait_indirect_dma semaphore(%arg16 : memref<!tpu.dma_semaphore, #tpu.memory_space<semaphore_mem>>) src(%dma_wait3A_243 : memref<128x48xf32, #tpu.memory_space<vmem>>) dst(%dma_wait3A_249 : memref<10240x48xf32, #tpu.memory_space<vmem_shared>>)
      %add3A_250 = arith.constant 1 : i32
      %add3A_251 = arith.addi %scan3A_79, %add3A_250 : i32
      %lt3A = arith.constant 20 : i32
      %lt3A_252 = arith.cmpi slt, %add3A_251, %lt3A : i32
      %convert_element_type3A = arith.extui %lt3A_252 : i1 to i32
      %cond3A = arith.constant 0 : i32
      %cond3A_253 = arith.cmpi ne, %convert_element_type3A, %cond3A : i32
      scf.if %cond3A_253 {
        %add3A_284 = arith.constant 4 : i32
        %add3A_285 = arith.addi %mul3A_81, %add3A_284 : i32
        %add3A_286 = arith.constant 0 : i32
        %add3A_287 = arith.addi %add3A_285, %add3A_286 : i32
        %dma_start3A_288 = arith.constant 0 : i32
        %dma_start3A_289 = arith.constant 0 : i32
        %dma_start3A_290 = arith.constant 0 : i32
        %dma_start3A_291 = tpu.memref_slice %arg9[%dma_start3A_288, %dma_start3A_289, %dma_start3A_290] : memref<2x128x48xf32, #tpu.memory_space<vmem>> -> memref<1x128x48xf32, #tpu.memory_space<vmem>>
        %dma_start3A_292 = tpu.memref_squeeze %dma_start3A_291 : memref<1x128x48xf32, #tpu.memory_space<vmem>> -> memref<128x48xf32, #tpu.memory_space<vmem>>
        %dma_start3A_293 = arith.constant 0 : i32
        %dma_start3A_294 = tpu.memref_slice %arg7[%add3A_287, %dma_start3A_293] : memref<80x128xi32, #tpu.memory_space<vmem>> -> memref<1x128xi32, #tpu.memory_space<vmem>>
        %dma_start3A_295 = tpu.memref_squeeze %dma_start3A_294 : memref<1x128xi32, #tpu.memory_space<vmem>> -> memref<128xi32, #tpu.memory_space<vmem>>
        %dma_start3A_296 = arith.constant 0 : i32
        %dma_start3A_297 = arith.constant 0 : i32
        %dma_start3A_298 = tpu.memref_slice %arg11[%dma_start3A_296, %dma_start3A_297] : memref<10240x48xf32, #tpu.memory_space<vmem_shared>> -> memref<10240x48xf32, #tpu.memory_space<vmem_shared>>
        tpu.enqueue_indirect_dma source(%dma_start3A_298 : memref<10240x48xf32, #tpu.memory_space<vmem_shared>>) target(%dma_start3A_292 : memref<128x48xf32, #tpu.memory_space<vmem>>) offsets(%dma_start3A_295 : memref<128xi32, #tpu.memory_space<vmem>>) semaphore(%arg14 : memref<!tpu.dma_semaphore, #tpu.memory_space<semaphore_mem>>)
        %add3A_299 = arith.constant 4 : i32
        %add3A_300 = arith.addi %mul3A_81, %add3A_299 : i32
        %add3A_301 = arith.constant 1 : i32
        %add3A_302 = arith.addi %add3A_300, %add3A_301 : i32
        %dma_start3A_303 = arith.constant 1 : i32
        %dma_start3A_304 = arith.constant 0 : i32
        %dma_start3A_305 = arith.constant 0 : i32
        %dma_start3A_306 = tpu.memref_slice %arg9[%dma_start3A_303, %dma_start3A_304, %dma_start3A_305] : memref<2x128x48xf32, #tpu.memory_space<vmem>> -> memref<1x128x48xf32, #tpu.memory_space<vmem>>
        %dma_start3A_307 = tpu.memref_squeeze %dma_start3A_306 : memref<1x128x48xf32, #tpu.memory_space<vmem>> -> memref<128x48xf32, #tpu.memory_space<vmem>>
        %dma_start3A_308 = arith.constant 0 : i32
        %dma_start3A_309 = tpu.memref_slice %arg7[%add3A_302, %dma_start3A_308] : memref<80x128xi32, #tpu.memory_space<vmem>> -> memref<1x128xi32, #tpu.memory_space<vmem>>
        %dma_start3A_310 = tpu.memref_squeeze %dma_start3A_309 : memref<1x128xi32, #tpu.memory_space<vmem>> -> memref<128xi32, #tpu.memory_space<vmem>>
        %dma_start3A_311 = arith.constant 0 : i32
        %dma_start3A_312 = arith.constant 0 : i32
        %dma_start3A_313 = tpu.memref_slice %arg11[%dma_start3A_311, %dma_start3A_312] : memref<10240x48xf32, #tpu.memory_space<vmem_shared>> -> memref<10240x48xf32, #tpu.memory_space<vmem_shared>>
        tpu.enqueue_indirect_dma source(%dma_start3A_313 : memref<10240x48xf32, #tpu.memory_space<vmem_shared>>) target(%dma_start3A_307 : memref<128x48xf32, #tpu.memory_space<vmem>>) offsets(%dma_start3A_310 : memref<128xi32, #tpu.memory_space<vmem>>) semaphore(%arg14 : memref<!tpu.dma_semaphore, #tpu.memory_space<semaphore_mem>>)
      } else {
      }
      %add3A_254 = arith.constant 2 : i32
      %add3A_255 = arith.addi %mul3A_81, %add3A_254 : i32
      %add3A_256 = arith.constant 0 : i32
      %add3A_257 = arith.addi %add3A_255, %add3A_256 : i32
      %dma_wait3A_258 = arith.constant 0 : i32
      %dma_wait3A_259 = arith.constant 0 : i32
      %dma_wait3A_260 = arith.constant 0 : i32
      %dma_wait3A_261 = tpu.memref_slice %arg10[%dma_wait3A_258, %dma_wait3A_259, %dma_wait3A_260] : memref<2x128x48xf32, #tpu.memory_space<vmem>> -> memref<1x128x48xf32, #tpu.memory_space<vmem>>
      %dma_wait3A_262 = tpu.memref_squeeze %dma_wait3A_261 : memref<1x128x48xf32, #tpu.memory_space<vmem>> -> memref<128x48xf32, #tpu.memory_space<vmem>>
      %dma_wait3A_263 = arith.constant 0 : i32
      %dma_wait3A_264 = tpu.memref_slice %arg8[%add3A_257, %dma_wait3A_263] : memref<80x128xi32, #tpu.memory_space<vmem>> -> memref<1x128xi32, #tpu.memory_space<vmem>>
      %dma_wait3A_265 = tpu.memref_squeeze %dma_wait3A_264 : memref<1x128xi32, #tpu.memory_space<vmem>> -> memref<128xi32, #tpu.memory_space<vmem>>
      %dma_wait3A_266 = arith.constant 0 : i32
      %dma_wait3A_267 = arith.constant 0 : i32
      %dma_wait3A_268 = tpu.memref_slice %arg12[%dma_wait3A_266, %dma_wait3A_267] : memref<10240x48xf32, #tpu.memory_space<vmem_shared>> -> memref<10240x48xf32, #tpu.memory_space<vmem_shared>>
      tpu.wait_indirect_dma semaphore(%arg17 : memref<!tpu.dma_semaphore, #tpu.memory_space<semaphore_mem>>) src(%dma_wait3A_262 : memref<128x48xf32, #tpu.memory_space<vmem>>) dst(%dma_wait3A_268 : memref<10240x48xf32, #tpu.memory_space<vmem_shared>>)
      %add3A_269 = arith.constant 2 : i32
      %add3A_270 = arith.addi %mul3A_81, %add3A_269 : i32
      %add3A_271 = arith.constant 1 : i32
      %add3A_272 = arith.addi %add3A_270, %add3A_271 : i32
      %dma_wait3A_273 = arith.constant 1 : i32
      %dma_wait3A_274 = arith.constant 0 : i32
      %dma_wait3A_275 = arith.constant 0 : i32
      %dma_wait3A_276 = tpu.memref_slice %arg10[%dma_wait3A_273, %dma_wait3A_274, %dma_wait3A_275] : memref<2x128x48xf32, #tpu.memory_space<vmem>> -> memref<1x128x48xf32, #tpu.memory_space<vmem>>
      %dma_wait3A_277 = tpu.memref_squeeze %dma_wait3A_276 : memref<1x128x48xf32, #tpu.memory_space<vmem>> -> memref<128x48xf32, #tpu.memory_space<vmem>>
      %dma_wait3A_278 = arith.constant 0 : i32
      %dma_wait3A_279 = tpu.memref_slice %arg8[%add3A_272, %dma_wait3A_278] : memref<80x128xi32, #tpu.memory_space<vmem>> -> memref<1x128xi32, #tpu.memory_space<vmem>>
      %dma_wait3A_280 = tpu.memref_squeeze %dma_wait3A_279 : memref<1x128xi32, #tpu.memory_space<vmem>> -> memref<128xi32, #tpu.memory_space<vmem>>
      %dma_wait3A_281 = arith.constant 0 : i32
      %dma_wait3A_282 = arith.constant 0 : i32
      %dma_wait3A_283 = tpu.memref_slice %arg12[%dma_wait3A_281, %dma_wait3A_282] : memref<10240x48xf32, #tpu.memory_space<vmem_shared>> -> memref<10240x48xf32, #tpu.memory_space<vmem_shared>>
      tpu.wait_indirect_dma semaphore(%arg17 : memref<!tpu.dma_semaphore, #tpu.memory_space<semaphore_mem>>) src(%dma_wait3A_277 : memref<128x48xf32, #tpu.memory_space<vmem>>) dst(%dma_wait3A_283 : memref<10240x48xf32, #tpu.memory_space<vmem_shared>>)
    }
    %scan3A_77 = arith.constant 20 : i32
    %barrier3A_78 = arith.constant 0 : index
    tpu.barrier barrier_id(%barrier3A_78)
    "tpu.region"() ({
      %run_scoped3A = tpu.sem_alloc : memref<!tpu.dma_semaphore, #tpu.memory_space<semaphore_mem>>
      %dma_start3A_79 = arith.constant 0 : i32
      %dma_start3A_80 = tpu.memref_slice %arg6[%arg0, %mul3A_2, %dma_start3A_79] : memref<2x10240x48xf32, #tpu.memory_space<hbm>> -> memref<1x640x48xf32, #tpu.memory_space<hbm>>
      %dma_start3A_81 = tpu.memref_squeeze %dma_start3A_80 : memref<1x640x48xf32, #tpu.memory_space<hbm>> -> memref<640x48xf32, #tpu.memory_space<hbm>>
      %dma_start3A_82 = arith.constant 0 : i32
      %dma_start3A_83 = tpu.memref_slice %arg12[%mul3A_2, %dma_start3A_82] : memref<10240x48xf32, #tpu.memory_space<vmem_shared>> -> memref<640x48xf32, #tpu.memory_space<vmem_shared>>
      tpu.enqueue_dma source(%dma_start3A_83 : memref<640x48xf32, #tpu.memory_space<vmem_shared>>) target(%dma_start3A_81 : memref<640x48xf32, #tpu.memory_space<hbm>>) target_semaphore(%run_scoped3A : memref<!tpu.dma_semaphore, #tpu.memory_space<semaphore_mem>>)
      %dma_wait3A_84 = arith.constant 0 : i32
      %dma_wait3A_85 = tpu.memref_slice %arg6[%arg0, %mul3A_2, %dma_wait3A_84] : memref<2x10240x48xf32, #tpu.memory_space<hbm>> -> memref<1x640x48xf32, #tpu.memory_space<hbm>>
      %dma_wait3A_86 = tpu.memref_squeeze %dma_wait3A_85 : memref<1x640x48xf32, #tpu.memory_space<hbm>> -> memref<640x48xf32, #tpu.memory_space<hbm>>
      %dma_wait3A_87 = arith.constant 0 : i32
      %dma_wait3A_88 = tpu.memref_slice %arg12[%mul3A_2, %dma_wait3A_87] : memref<10240x48xf32, #tpu.memory_space<vmem_shared>> -> memref<640x48xf32, #tpu.memory_space<vmem_shared>>
      tpu.wait_dma2 semaphore(%run_scoped3A : memref<!tpu.dma_semaphore, #tpu.memory_space<semaphore_mem>>) src(%dma_wait3A_88 : memref<640x48xf32, #tpu.memory_space<vmem_shared>>) dst(%dma_wait3A_86 : memref<640x48xf32, #tpu.memory_space<hbm>>)
      tpu.yield
    }) : () -> ()
    return
  }
}

module attributes {stable_mosaic.version = 14 : i64} {
  func.func @_tc_pre_body(%arg0: memref<10000x128xf32, #tpu.memory_space<vmem>>, %arg1: memref<128x48xf32, #tpu.memory_space<vmem>>, %arg2: memref<128x48xf32, #tpu.memory_space<vmem>>, %arg3: memref<10240x48xf32, #tpu.memory_space<vmem>>, %arg4: memref<10240x48xf32, #tpu.memory_space<vmem>>) attributes {dimension_semantics = [], scalar_prefetch = 0 : i64, scratch_operands = 0 : i64, tpu.core_type = #tpu.core_type<tc>} {
    %get3A = arith.constant 0 : index
    %get3A_0 = arith.constant 0 : index
    %get3A_1 = vector.load %arg0[%get3A, %get3A_0] : memref<10000x128xf32, #tpu.memory_space<vmem>>, vector<10000x128xf32>
    %broadcast_in_dim3A = arith.constant 0.000000e+00 : f32
    %broadcast_in_dim3A_2 = vector.broadcast %broadcast_in_dim3A : f32 to vector<240x48xf32>
    %get3A_3 = arith.constant 0 : index
    %get3A_4 = arith.constant 0 : index
    %get3A_5 = vector.load %arg1[%get3A_3, %get3A_4] : memref<128x48xf32, #tpu.memory_space<vmem>>, vector<128x48xf32>
    %dot_general3A = arith.constant dense<0.000000e+00> : vector<10000x48xf32>
    %dot_general3A_6 = tpu.matmul %get3A_1, %get3A_5, %dot_general3A {dimension_numbers = #tpu.dot_dimension_numbers<[1], [0], [0], [1], [0, 0, 1, 1], [], []>, transpose_lhs_hint = false} : vector<10000x128xf32>, vector<128x48xf32>, vector<10000x48xf32> -> vector<10000x48xf32>
    %swap3A = arith.constant 0 : index
    %swap3A_7 = arith.constant 0 : index
    %swap3A_8 = vector.load %arg3[%swap3A, %swap3A_7] : memref<10240x48xf32, #tpu.memory_space<vmem>>, vector<10000x48xf32>
    tpu.vector_store %arg3[%swap3A, %swap3A_7], %dot_general3A_6 {strides = array<i32>} : memref<10240x48xf32, #tpu.memory_space<vmem>>, vector<10000x48xf32>,
    %swap3A_9 = arith.constant 10000 : index
    %swap3A_10 = arith.constant 0 : index
    %swap3A_11 = vector.load %arg3[%swap3A_9, %swap3A_10] : memref<10240x48xf32, #tpu.memory_space<vmem>>, vector<240x48xf32>
    tpu.vector_store %arg3[%swap3A_9, %swap3A_10], %broadcast_in_dim3A_2 {strides = array<i32>} : memref<10240x48xf32, #tpu.memory_space<vmem>>, vector<240x48xf32>,
    %get3A_12 = arith.constant 0 : index
    %get3A_13 = arith.constant 0 : index
    %get3A_14 = vector.load %arg2[%get3A_12, %get3A_13] : memref<128x48xf32, #tpu.memory_space<vmem>>, vector<128x48xf32>
    %dot_general3A_15 = arith.constant dense<0.000000e+00> : vector<10000x48xf32>
    %dot_general3A_16 = tpu.matmul %get3A_1, %get3A_14, %dot_general3A_15 {dimension_numbers = #tpu.dot_dimension_numbers<[1], [0], [0], [1], [0, 0, 1, 1], [], []>, transpose_lhs_hint = false} : vector<10000x128xf32>, vector<128x48xf32>, vector<10000x48xf32> -> vector<10000x48xf32>
    %swap3A_17 = arith.constant 0 : index
    %swap3A_18 = arith.constant 0 : index
    %swap3A_19 = vector.load %arg4[%swap3A_17, %swap3A_18] : memref<10240x48xf32, #tpu.memory_space<vmem>>, vector<10000x48xf32>
    tpu.vector_store %arg4[%swap3A_17, %swap3A_18], %dot_general3A_16 {strides = array<i32>} : memref<10240x48xf32, #tpu.memory_space<vmem>>, vector<10000x48xf32>,
    %swap3A_20 = arith.constant 10000 : index
    %swap3A_21 = arith.constant 0 : index
    %swap3A_22 = vector.load %arg4[%swap3A_20, %swap3A_21] : memref<10240x48xf32, #tpu.memory_space<vmem>>, vector<240x48xf32>
    tpu.vector_store %arg4[%swap3A_20, %swap3A_21], %broadcast_in_dim3A_2 {strides = array<i32>} : memref<10240x48xf32, #tpu.memory_space<vmem>>, vector<240x48xf32>,
    return
  }
}

module attributes {stable_mosaic.version = 14 : i64} {
  func.func @_tc_mid_body(%arg0: memref<2x10240x48xf32, #tpu.memory_space<vmem>>, %arg1: memref<10240x48xf32, #tpu.memory_space<vmem>>, %arg2: memref<1x48xf32, #tpu.memory_space<vmem>>, %arg3: memref<1x48xf32, #tpu.memory_space<vmem>>, %arg4: memref<1x48xf32, #tpu.memory_space<vmem>>, %arg5: memref<48x48xf32, #tpu.memory_space<vmem>>, %arg6: memref<48x48xf32, #tpu.memory_space<vmem>>, %arg7: memref<10240x48xf32, #tpu.memory_space<vmem>>, %arg8: memref<10240x48xf32, #tpu.memory_space<vmem>>) attributes {dimension_semantics = [], scalar_prefetch = 0 : i64, scratch_operands = 0 : i64, tpu.core_type = #tpu.core_type<tc>} {
    %get3A = arith.constant 0 : index
    %get3A_0 = arith.constant 0 : index
    %get3A_1 = arith.constant 0 : index
    %get3A_2 = vector.load %arg0[%get3A, %get3A_0, %get3A_1] : memref<2x10240x48xf32, #tpu.memory_space<vmem>>, vector<2x10240x48xf32>
    %get3A_3 = arith.constant 0 : index
    %get3A_4 = arith.constant 0 : index
    %get3A_5 = vector.load %arg1[%get3A_3, %get3A_4] : memref<10240x48xf32, #tpu.memory_space<vmem>>, vector<10240x48xf32>
    %get3A_6 = arith.constant 0 : index
    %get3A_7 = arith.constant 0 : index
    %get3A_8 = vector.load %arg2[%get3A_6, %get3A_7] : memref<1x48xf32, #tpu.memory_space<vmem>>, vector<1x48xf32>
    %get3A_9 = arith.constant 0 : index
    %get3A_10 = arith.constant 0 : index
    %get3A_11 = vector.load %arg3[%get3A_9, %get3A_10] : memref<1x48xf32, #tpu.memory_space<vmem>>, vector<1x48xf32>
    %get3A_12 = arith.constant 0 : index
    %get3A_13 = arith.constant 0 : index
    %get3A_14 = vector.load %arg4[%get3A_12, %get3A_13] : memref<1x48xf32, #tpu.memory_space<vmem>>, vector<1x48xf32>
    %slice3A = vector.extract_strided_slice %get3A_2 {offsets = [0, 0, 0], sizes = [1, 10240, 48], strides = [1, 1, 1]} : vector<2x10240x48xf32> to vector<1x10240x48xf32>
    %squeeze3A = vector.shape_cast %slice3A : vector<1x10240x48xf32> to vector<10240x48xf32>
    %slice3A_15 = vector.extract_strided_slice %get3A_2 {offsets = [1, 0, 0], sizes = [1, 10240, 48], strides = [1, 1, 1]} : vector<2x10240x48xf32> to vector<1x10240x48xf32>
    %squeeze3A_16 = vector.shape_cast %slice3A_15 : vector<1x10240x48xf32> to vector<10240x48xf32>
    %add3A = arith.addf %squeeze3A, %squeeze3A_16 : vector<10240x48xf32>
    %add3A_17 = arith.addf %add3A, %get3A_5 : vector<10240x48xf32>
    %add3A_18 = vector.broadcast %get3A_8 : vector<1x48xf32> to vector<10240x48xf32>
    %add3A_19 = arith.addf %add3A_17, %add3A_18 : vector<10240x48xf32>
    %max3A = arith.constant 0.000000e+00 : f32
    %max3A_20 = vector.broadcast %max3A : f32 to vector<10240x48xf32>
    %max3A_21 = arith.maximumf %add3A_19, %max3A_20 : vector<10240x48xf32>
    %slice3A_22 = vector.extract_strided_slice %max3A_21 {offsets = [0, 0], sizes = [10000, 48], strides = [1, 1]} : vector<10240x48xf32> to vector<10000x48xf32>
    %reduce_sum3A = arith.constant dense<0.000000e+00> : vector<48xf32>
    %reduce_sum3A_23 = vector.multi_reduction <add>, %slice3A_22, %reduce_sum3A [0] : vector<10000x48xf32> to vector<48xf32>
    %broadcast_in_dim3A = vector.shape_cast %reduce_sum3A_23 : vector<48xf32> to vector<1x48xf32>
    %div3A = arith.constant 1.000000e+04 : f32
    %div3A_24 = vector.broadcast %div3A : f32 to vector<1x48xf32>
    %div3A_25 = arith.divf %broadcast_in_dim3A, %div3A_24 : vector<1x48xf32>
    %sub3A = vector.broadcast %div3A_25 : vector<1x48xf32> to vector<10000x48xf32>
    %sub3A_26 = arith.subf %slice3A_22, %sub3A : vector<10000x48xf32>
    %mul3A = arith.mulf %sub3A_26, %sub3A_26 : vector<10000x48xf32>
    %reduce_sum3A_27 = arith.constant dense<0.000000e+00> : vector<48xf32>
    %reduce_sum3A_28 = vector.multi_reduction <add>, %mul3A, %reduce_sum3A_27 [0] : vector<10000x48xf32> to vector<48xf32>
    %broadcast_in_dim3A_29 = vector.shape_cast %reduce_sum3A_28 : vector<48xf32> to vector<1x48xf32>
    %div3A_30 = arith.constant 1.000000e+04 : f32
    %div3A_31 = vector.broadcast %div3A_30 : f32 to vector<1x48xf32>
    %div3A_32 = arith.divf %broadcast_in_dim3A_29, %div3A_31 : vector<1x48xf32>
    %add3A_33 = arith.constant 9.99999974E-6 : f32
    %add3A_34 = vector.broadcast %add3A_33 : f32 to vector<1x48xf32>
    %add3A_35 = arith.addf %div3A_32, %add3A_34 : vector<1x48xf32>
    %sqrt3A = math.sqrt %add3A_35 : vector<1x48xf32>
    %div3A_36 = arith.divf %get3A_11, %sqrt3A : vector<1x48xf32>
    %sub3A_37 = vector.broadcast %div3A_25 : vector<1x48xf32> to vector<10240x48xf32>
    %sub3A_38 = arith.subf %max3A_21, %sub3A_37 : vector<10240x48xf32>
    %mul3A_39 = vector.broadcast %div3A_36 : vector<1x48xf32> to vector<10240x48xf32>
    %mul3A_40 = arith.mulf %sub3A_38, %mul3A_39 : vector<10240x48xf32>
    %add3A_41 = vector.broadcast %get3A_14 : vector<1x48xf32> to vector<10240x48xf32>
    %add3A_42 = arith.addf %mul3A_40, %add3A_41 : vector<10240x48xf32>
    %get3A_43 = arith.constant 0 : index
    %get3A_44 = arith.constant 0 : index
    %get3A_45 = vector.load %arg5[%get3A_43, %get3A_44] : memref<48x48xf32, #tpu.memory_space<vmem>>, vector<48x48xf32>
    %dot_general3A = arith.constant dense<0.000000e+00> : vector<10240x48xf32>
    %dot_general3A_46 = tpu.matmul %add3A_42, %get3A_45, %dot_general3A {dimension_numbers = #tpu.dot_dimension_numbers<[1], [0], [0], [1], [0, 0, 1, 1], [], []>, transpose_lhs_hint = false} : vector<10240x48xf32>, vector<48x48xf32>, vector<10240x48xf32> -> vector<10240x48xf32>
    %swap3A = arith.constant 0 : index
    %swap3A_47 = arith.constant 0 : index
    %swap3A_48 = vector.load %arg7[%swap3A, %swap3A_47] : memref<10240x48xf32, #tpu.memory_space<vmem>>, vector<10240x48xf32>
    tpu.vector_store %arg7[%swap3A, %swap3A_47], %dot_general3A_46 {strides = array<i32>} : memref<10240x48xf32, #tpu.memory_space<vmem>>, vector<10240x48xf32>,
    %get3A_49 = arith.constant 0 : index
    %get3A_50 = arith.constant 0 : index
    %get3A_51 = vector.load %arg6[%get3A_49, %get3A_50] : memref<48x48xf32, #tpu.memory_space<vmem>>, vector<48x48xf32>
    %dot_general3A_52 = arith.constant dense<0.000000e+00> : vector<10240x48xf32>
    %dot_general3A_53 = tpu.matmul %add3A_42, %get3A_51, %dot_general3A_52 {dimension_numbers = #tpu.dot_dimension_numbers<[1], [0], [0], [1], [0, 0, 1, 1], [], []>, transpose_lhs_hint = false} : vector<10240x48xf32>, vector<48x48xf32>, vector<10240x48xf32> -> vector<10240x48xf32>
    %swap3A_54 = arith.constant 0 : index
    %swap3A_55 = arith.constant 0 : index
    %swap3A_56 = vector.load %arg8[%swap3A_54, %swap3A_55] : memref<10240x48xf32, #tpu.memory_space<vmem>>, vector<10240x48xf32>
    tpu.vector_store %arg8[%swap3A_54, %swap3A_55], %dot_general3A_53 {strides = array<i32>} : memref<10240x48xf32, #tpu.memory_space<vmem>>, vector<10240x48xf32>,
    return
  }
}

module attributes {stable_mosaic.version = 14 : i64} {
  func.func @_tc_final_body(%arg0: memref<2x10240x48xf32, #tpu.memory_space<vmem>>, %arg1: memref<10240x48xf32, #tpu.memory_space<vmem>>, %arg2: memref<1x48xf32, #tpu.memory_space<vmem>>, %arg3: memref<1x48xf32, #tpu.memory_space<vmem>>, %arg4: memref<1x48xf32, #tpu.memory_space<vmem>>, %arg5: memref<10000x1xi32, #tpu.memory_space<vmem>>, %arg6: memref<48x128xf32, #tpu.memory_space<vmem>>, %arg7: memref<1x128xf32, #tpu.memory_space<vmem>>, %arg8: memref<128x128xf32, #tpu.memory_space<vmem>>, %arg9: memref<1x128xf32, #tpu.memory_space<vmem>>, %arg10: memref<64x1xf32, #tpu.memory_space<vmem>>) attributes {dimension_semantics = [], scalar_prefetch = 0 : i64, scratch_operands = 0 : i64, tpu.core_type = #tpu.core_type<tc>} {
    %get3A = arith.constant 0 : index
    %get3A_0 = arith.constant 0 : index
    %get3A_1 = arith.constant 0 : index
    %get3A_2 = vector.load %arg0[%get3A, %get3A_0, %get3A_1] : memref<2x10240x48xf32, #tpu.memory_space<vmem>>, vector<2x10240x48xf32>
    %get3A_3 = arith.constant 0 : index
    %get3A_4 = arith.constant 0 : index
    %get3A_5 = vector.load %arg1[%get3A_3, %get3A_4] : memref<10240x48xf32, #tpu.memory_space<vmem>>, vector<10240x48xf32>
    %get3A_6 = arith.constant 0 : index
    %get3A_7 = arith.constant 0 : index
    %get3A_8 = vector.load %arg2[%get3A_6, %get3A_7] : memref<1x48xf32, #tpu.memory_space<vmem>>, vector<1x48xf32>
    %get3A_9 = arith.constant 0 : index
    %get3A_10 = arith.constant 0 : index
    %get3A_11 = vector.load %arg3[%get3A_9, %get3A_10] : memref<1x48xf32, #tpu.memory_space<vmem>>, vector<1x48xf32>
    %get3A_12 = arith.constant 0 : index
    %get3A_13 = arith.constant 0 : index
    %get3A_14 = vector.load %arg4[%get3A_12, %get3A_13] : memref<1x48xf32, #tpu.memory_space<vmem>>, vector<1x48xf32>
    %slice3A = vector.extract_strided_slice %get3A_2 {offsets = [0, 0, 0], sizes = [1, 10240, 48], strides = [1, 1, 1]} : vector<2x10240x48xf32> to vector<1x10240x48xf32>
    %squeeze3A = vector.shape_cast %slice3A : vector<1x10240x48xf32> to vector<10240x48xf32>
    %slice3A_15 = vector.extract_strided_slice %get3A_2 {offsets = [1, 0, 0], sizes = [1, 10240, 48], strides = [1, 1, 1]} : vector<2x10240x48xf32> to vector<1x10240x48xf32>
    %squeeze3A_16 = vector.shape_cast %slice3A_15 : vector<1x10240x48xf32> to vector<10240x48xf32>
    %add3A = arith.addf %squeeze3A, %squeeze3A_16 : vector<10240x48xf32>
    %add3A_17 = arith.addf %add3A, %get3A_5 : vector<10240x48xf32>
    %add3A_18 = vector.broadcast %get3A_8 : vector<1x48xf32> to vector<10240x48xf32>
    %add3A_19 = arith.addf %add3A_17, %add3A_18 : vector<10240x48xf32>
    %slice3A_20 = vector.extract_strided_slice %add3A_19 {offsets = [0, 0], sizes = [10000, 48], strides = [1, 1]} : vector<10240x48xf32> to vector<10000x48xf32>
    %reduce_sum3A = arith.constant dense<0.000000e+00> : vector<48xf32>
    %reduce_sum3A_21 = vector.multi_reduction <add>, %slice3A_20, %reduce_sum3A [0] : vector<10000x48xf32> to vector<48xf32>
    %broadcast_in_dim3A = vector.shape_cast %reduce_sum3A_21 : vector<48xf32> to vector<1x48xf32>
    %div3A = arith.constant 1.000000e+04 : f32
    %div3A_22 = vector.broadcast %div3A : f32 to vector<1x48xf32>
    %div3A_23 = arith.divf %broadcast_in_dim3A, %div3A_22 : vector<1x48xf32>
    %sub3A = vector.broadcast %div3A_23 : vector<1x48xf32> to vector<10000x48xf32>
    %sub3A_24 = arith.subf %slice3A_20, %sub3A : vector<10000x48xf32>
    %mul3A = arith.mulf %sub3A_24, %sub3A_24 : vector<10000x48xf32>
    %reduce_sum3A_25 = arith.constant dense<0.000000e+00> : vector<48xf32>
    %reduce_sum3A_26 = vector.multi_reduction <add>, %mul3A, %reduce_sum3A_25 [0] : vector<10000x48xf32> to vector<48xf32>
    %broadcast_in_dim3A_27 = vector.shape_cast %reduce_sum3A_26 : vector<48xf32> to vector<1x48xf32>
    %div3A_28 = arith.constant 1.000000e+04 : f32
    %div3A_29 = vector.broadcast %div3A_28 : f32 to vector<1x48xf32>
    %div3A_30 = arith.divf %broadcast_in_dim3A_27, %div3A_29 : vector<1x48xf32>
    %add3A_31 = arith.constant 9.99999974E-6 : f32
    %add3A_32 = vector.broadcast %add3A_31 : f32 to vector<1x48xf32>
    %add3A_33 = arith.addf %div3A_30, %add3A_32 : vector<1x48xf32>
    %sqrt3A = math.sqrt %add3A_33 : vector<1x48xf32>
    %div3A_34 = arith.divf %get3A_11, %sqrt3A : vector<1x48xf32>
    %sub3A_35 = vector.broadcast %div3A_23 : vector<1x48xf32> to vector<10240x48xf32>
    %sub3A_36 = arith.subf %add3A_19, %sub3A_35 : vector<10240x48xf32>
    %mul3A_37 = vector.broadcast %div3A_34 : vector<1x48xf32> to vector<10240x48xf32>
    %mul3A_38 = arith.mulf %sub3A_36, %mul3A_37 : vector<10240x48xf32>
    %add3A_39 = vector.broadcast %get3A_14 : vector<1x48xf32> to vector<10240x48xf32>
    %add3A_40 = arith.addf %mul3A_38, %add3A_39 : vector<10240x48xf32>
    %slice3A_41 = vector.extract_strided_slice %add3A_40 {offsets = [0, 0], sizes = [10000, 48], strides = [1, 1]} : vector<10240x48xf32> to vector<10000x48xf32>
    %get3A_42 = arith.constant 0 : index
    %get3A_43 = arith.constant 0 : index
    %get3A_44 = vector.load %arg5[%get3A_42, %get3A_43] : memref<10000x1xi32, #tpu.memory_space<vmem>>, vector<10000x1xi32>
    %iota3A = tpu.iota {dimensions = array<i32: 0>} : vector<64x1xi32>
    %broadcast_in_dim3A_45 = arith.constant 0xFF800000 : f32
    %broadcast_in_dim3A_46 = vector.broadcast %broadcast_in_dim3A_45 : f32 to vector<64x48xf32>
    %scan3A = arith.constant 0xFF800000 : f32
    %scan3A_47 = arith.constant 0 : i32
    %scan3A_48 = arith.constant 64 : i32
    %scan3A_49 = arith.addi %scan3A_47, %scan3A_48 : i32
    %scan3A_50 = arith.constant 1 : i32
    %scan3A_51 = scf.for %scan3A_85 = %scan3A_47 to %scan3A_49 step %scan3A_50 iter_args(%scan3A_86 = %broadcast_in_dim3A_46) -> (vector<64x48xf32>)  : i32 {
      %eq3A = vector.broadcast %scan3A_85 : i32 to vector<10000x1xi32>
      %eq3A_87 = arith.cmpi eq, %get3A_44, %eq3A : vector<10000x1xi32>
      %broadcast_in_dim3A_88 = vector.shape_cast %eq3A_87 : vector<10000x1xi1> to vector<10000x1xi1>
      %broadcast_in_dim3A_89 = vector.broadcast %broadcast_in_dim3A_88 : vector<10000x1xi1> to vector<10000x48xi1>
      %broadcast_in_dim3A_90 = vector.broadcast %scan3A : f32 to vector<10000x48xf32>
      %select_n3A = arith.select %broadcast_in_dim3A_89, %slice3A_41, %broadcast_in_dim3A_90 : vector<10000x48xi1>, vector<10000x48xf32>
      %reduce_max3A = arith.constant dense<0xFF800000> : vector<48xf32>
      %reduce_max3A_91 = vector.multi_reduction <maximumf>, %select_n3A, %reduce_max3A [0] : vector<10000x48xf32> to vector<48xf32>
      %broadcast_in_dim3A_92 = vector.shape_cast %reduce_max3A_91 : vector<48xf32> to vector<1x48xf32>
      %eq3A_93 = vector.broadcast %scan3A_85 : i32 to vector<64x1xi32>
      %eq3A_94 = arith.cmpi eq, %iota3A, %eq3A_93 : vector<64x1xi32>
      %broadcast_in_dim3A_95 = vector.shape_cast %eq3A_94 : vector<64x1xi1> to vector<64x1xi1>
      %broadcast_in_dim3A_96 = vector.broadcast %broadcast_in_dim3A_95 : vector<64x1xi1> to vector<64x48xi1>
      %broadcast_in_dim3A_97 = vector.shape_cast %broadcast_in_dim3A_92 : vector<1x48xf32> to vector<1x48xf32>
      %broadcast_in_dim3A_98 = vector.broadcast %broadcast_in_dim3A_97 : vector<1x48xf32> to vector<64x48xf32>
      %select_n3A_99 = arith.select %broadcast_in_dim3A_96, %broadcast_in_dim3A_98, %scan3A_86 : vector<64x48xi1>, vector<64x48xf32>
      scf.yield %select_n3A_99 : vector<64x48xf32>
    }
    %scan3A_52 = arith.constant 64 : i32
    %get3A_53 = arith.constant 0 : index
    %get3A_54 = arith.constant 0 : index
    %get3A_55 = vector.load %arg6[%get3A_53, %get3A_54] : memref<48x128xf32, #tpu.memory_space<vmem>>, vector<48x128xf32>
    %dot_general3A = arith.constant dense<0.000000e+00> : vector<64x128xf32>
    %dot_general3A_56 = tpu.matmul %scan3A_51, %get3A_55, %dot_general3A {dimension_numbers = #tpu.dot_dimension_numbers<[1], [0], [0], [1], [0, 0, 1, 1], [], []>, transpose_lhs_hint = false} : vector<64x48xf32>, vector<48x128xf32>, vector<64x128xf32> -> vector<64x128xf32>
    %get3A_57 = arith.constant 0 : index
    %get3A_58 = arith.constant 0 : index
    %get3A_59 = vector.load %arg7[%get3A_57, %get3A_58] : memref<1x128xf32, #tpu.memory_space<vmem>>, vector<1x128xf32>
    %add3A_60 = vector.broadcast %get3A_59 : vector<1x128xf32> to vector<64x128xf32>
    %add3A_61 = arith.addf %dot_general3A_56, %add3A_60 : vector<64x128xf32>
    %max3A = arith.constant 0.000000e+00 : f32
    %max3A_62 = vector.broadcast %max3A : f32 to vector<64x128xf32>
    %max3A_63 = arith.maximumf %add3A_61, %max3A_62 : vector<64x128xf32>
    %get3A_64 = arith.constant 0 : index
    %get3A_65 = arith.constant 0 : index
    %get3A_66 = vector.load %arg8[%get3A_64, %get3A_65] : memref<128x128xf32, #tpu.memory_space<vmem>>, vector<128x128xf32>
    %dot_general3A_67 = arith.constant dense<0.000000e+00> : vector<64x128xf32>
    %dot_general3A_68 = tpu.matmul %max3A_63, %get3A_66, %dot_general3A_67 {dimension_numbers = #tpu.dot_dimension_numbers<[1], [0], [0], [1], [0, 0, 1, 1], [], []>, transpose_lhs_hint = false} : vector<64x128xf32>, vector<128x128xf32>, vector<64x128xf32> -> vector<64x128xf32>
    %get3A_69 = arith.constant 0 : index
    %get3A_70 = arith.constant 0 : index
    %get3A_71 = vector.load %arg9[%get3A_69, %get3A_70] : memref<1x128xf32, #tpu.memory_space<vmem>>, vector<1x128xf32>
    %add3A_72 = vector.broadcast %get3A_71 : vector<1x128xf32> to vector<64x128xf32>
    %add3A_73 = arith.addf %dot_general3A_68, %add3A_72 : vector<64x128xf32>
    %slice3A_74 = vector.extract_strided_slice %add3A_73 {offsets = [0, 0], sizes = [64, 1], strides = [1, 1]} : vector<64x128xf32> to vector<64x1xf32>
    %neg3A = arith.constant 0.000000e+00 : f32
    %neg3A_75 = vector.broadcast %neg3A : f32 to vector<64x1xf32>
    %neg3A_76 = arith.subf %neg3A_75, %slice3A_74 : vector<64x1xf32>
    %exp3A = math.exp %neg3A_76 : vector<64x1xf32>
    %add3A_77 = arith.constant 1.000000e+00 : f32
    %add3A_78 = vector.broadcast %add3A_77 : f32 to vector<64x1xf32>
    %add3A_79 = arith.addf %add3A_78, %exp3A : vector<64x1xf32>
    %div3A_80 = arith.constant 1.000000e+00 : f32
    %div3A_81 = vector.broadcast %div3A_80 : f32 to vector<64x1xf32>
    %div3A_82 = arith.divf %div3A_81, %add3A_79 : vector<64x1xf32>
    %swap3A = arith.constant 0 : index
    %swap3A_83 = arith.constant 0 : index
    %swap3A_84 = vector.load %arg10[%swap3A, %swap3A_83] : memref<64x1xf32, #tpu.memory_space<vmem>>, vector<64x1xf32>
    tpu.vector_store %arg10[%swap3A, %swap3A_83], %div3A_82 {strides = array<i32>} : memref<64x1xf32, #tpu.memory_space<vmem>>, vector<64x1xf32>,
    return
  }
}

</mosaic_0001>

<sc_bundles>
// kernel: kernel.12.cloned.1.call-start
scs
__scs_entry_jumppad:
0x0: {  	(pc) =	sbr.rel $0x88, $3  }
0x1: {  	(tag) =	ssettag $0x0;
	lr =	simm.s32 $0x1  }
0x2: {  	[smem:$0x3F8B] =	sst lr;
	_ =	strace $0xD0000000  }
0x3: {  	_ = 	snop  }
0x4: {  	_ = 	snop  }
0x5: {  	_ = 	snop  }
0x6: {  	_ = 	snop  }
0x7: {  	_ = 	snop  }
__scs_overlays_trampoline_lowered:
0x8: {  	[smem:$0x3F9A] =	sst s0  }
0x9: {  	[smem:$0x3F9B] =	sst s1  }
0xa: {  	[smem:$0x3F9C] =	sst s2  }
0xb: {  	[smem:$0x3F9D] =	sst s3  }
0xc: {  	[smem:$0x3F9E] =	sst s4  }
0xd: {  	[smem:$0x3F9F] =	sst s5  }
0xe: {  	[smem:$0x3FA0] =	sst s6  }
0xf: {  	[smem:$0x3FA1] =	sst s7  }
0x10: {  	[smem:$0x3FA2] =	sst s8  }
0x11: {  	[smem:$0x3FA3] =	sst s9;
	s0 =	simm.s32 @!p0 $0x0  }
0x12: {  	s1 =	sld [smem:$0x3F89];
	s0 =	simm.s32 @p0 $0x1  }
0x13: {  	[smem:$0x3FA4] =	sst s0;
	s0 =	simm.s32 @!p1 $0x0  }
0x14: {  	s2 =	sld [smem:$0x3F88];
	s0 =	simm.s32 @p1 $0x1  }
0x15: {  	[smem:$0x3FA5] =	sst s0;
	s0 =	simm.s32 @!p2 $0x0  }
0x16: {  	s3 =	sld [smem:$0x3FDB];
	s0 =	simm.s32 @p2 $0x1  }
0x17: {  	s4 =	simm.s32 $0x1BF5;
	[smem:$0x3FA7] =	sst s0  }
0x18: {  	s0 =	sld [smem:$0x3F8A];
	_ =	swait.ge [sflag:s4], $0x0  }
0x19: {  	s7 =	sld [smem:$0x3F8B]  }
0x1a: {  	s8 =	sadd.s32 $0xFFFFE003, lr  }
0x1b: {  	s9 =	sadd.s32 $0xFFFFFEF7, lr;
	s5 =	simm.s32 $0xFFFFFFFF;
	p2 =	slt.u32 s8, $0xFFFFF086  }
0x1c: {  	p1 =	slt.u32 s9, $0xF7A;
	s5 =	simm.s32 @!p2 $0x0  }
0x1d: {  	s5 =	simm.s32 @p1 $0x1;
	p0 =	seq.s32 s7, s2  }
0x1e: {  	s7 =	smul.u32 @!p0 $0xF7A, s2;
	p2 =	seq.s32 @!p0 s5, $0x0  }
0x1f: {  	s9 =	smul.u32 $0xF7A, s1;
	s8 =	simm.s32 @!p0 $0x1BF5;
	p2 =	por !p2, p0  }
0x20: {  	[sflag:s8] =	ssyncset.s32 @!p0 $0xFFFFF086;
	s6 =	sadd.s32 @!p0 s3, s7;
	s7 =	simm.s32 @!p0 $0x108  }
0x21: {  	s3 =	sadd.s32 s3, s9;
	s6 =	sadd.s32 @!p0 $0x88, s6;
	s7 =	simm.s32 @p2 $0x1082  }
0x22: {  	[simem:s7], [sflag:s8] =	dma.local @!p0 [hbm:s6], $0xF7A  }
0x23: {  	s9 =	sor.u32 $0xD0000000, s2;
	s6 =	simm.s32 $0x108;
	_ =	swait.ge @!p0 [sflag:s8], $0x0  }
0x24: {  	s3 =	sadd.s32 $0x88, s3;
	s6 =	simm.s32 @!p1 $0x1082;
	[sflag:s4] =	ssyncset.s32 $0xFFFFF086  }
0x25: {  	[simem:s6], [sflag:s4] =	dma.local [hbm:s3], $0xF7A  }
0x26: {  	[smem:$0x3F8B] =	sst s1;
	(tag) =	ssettag s2;
	_ =	strace s9  }
0x27: {  	s1 =	sld [smem:$0x3F9B]  }
0x28: {  	s2 =	sld [smem:$0x3F9C]  }
0x29: {  	s4 =	sld [smem:$0x3F9E]  }
0x2a: {  	p0 =	seq.s32 s5, $0x0;
	s5 =	sld [smem:$0x3F9F]  }
0x2b: {  	s6 =	sld [smem:$0x3FA0]  }
0x2c: {  	s7 =	sld [smem:$0x3FA1]  }
0x2d: {  	s3 =	simm.s32 $0x108;
	s8 =	sld [smem:$0x3FA2]  }
0x2e: {  	s3 =	simm.s32 @!p0 $0x1082;
	s9 =	sld [smem:$0x3FA3]  }
0x2f: {  	lr =	sadd.s32 s0, s3;
	s0 =	sld [smem:$0x3F9A]  }
0x30: {  	s3 =	sld [smem:$0x3F9D]  }
0x31: {  	[smem:$0x3FA6] =	sst s10  }
0x32: {  	s10 =	sld [smem:$0x3FA4];
	_ =	sdelay $0x3  }
0x33: {  	p0 =	seq.s32 s10, $0x1;
	s10 =	sld [smem:$0x3FA6];
	_ =	sdelay $0x3  }
0x34: {  	[smem:$0x3FA6] =	sst s10  }
0x35: {  	s10 =	sld [smem:$0x3FA5];
	_ =	sdelay $0x3  }
0x36: {  	p1 =	seq.s32 s10, $0x1;
	s10 =	sld [smem:$0x3FA6];
	_ =	sdelay $0x3  }
0x37: {  	[smem:$0x3FA6] =	sst s10  }
0x38: {  	s10 =	sld [smem:$0x3FA7]  }
0x39: {  	_ = 	snop;
	(pc) =	sbr.ind lr, $3  }
0x3a: {  	_ = 	snop  }
0x3b: {  	_ = 	snop  }
0x3c: {  	p2 =	seq.s32 s10, $0x1;
	s10 =	sld [smem:$0x3FA6]  }
0x3d: {  	_ =	shalt  }
0x3e: {  	_ =	shalt  }
0x3f: {  	_ =	shalt  }
0x40: {  	_ =	shalt  }
0x41: {  	_ =	shalt  }
0x42: {  	_ =	shalt  }
0x43: {  	_ =	shalt  }
0x44: {  	_ =	shalt  }
0x45: {  	_ =	shalt  }
0x46: {  	_ =	shalt  }
0x47: {  	_ =	shalt  }
0x48: {  	_ =	shalt  }
0x49: {  	_ =	shalt  }
0x4a: {  	_ =	shalt  }
0x4b: {  	_ =	shalt  }
0x4c: {  	_ =	shalt  }
0x4d: {  	_ =	shalt  }
0x4e: {  	_ =	shalt  }
0x4f: {  	_ =	shalt  }
0x50: {  	_ =	shalt  }
0x51: {  	_ =	shalt  }
0x52: {  	_ =	shalt  }
0x53: {  	_ =	shalt  }
0x54: {  	_ =	shalt  }
0x55: {  	_ =	shalt  }
0x56: {  	_ =	shalt  }
0x57: {  	_ =	shalt  }
0x58: {  	_ =	shalt  }
0x59: {  	_ =	shalt  }
0x5a: {  	_ =	shalt  }
0x5b: {  	_ =	shalt  }
0x5c: {  	_ =	shalt  }
0x5d: {  	_ =	shalt  }
0x5e: {  	_ =	shalt  }
0x5f: {  	_ =	shalt  }
0x60: {  	_ =	shalt  }
0x61: {  	_ =	shalt  }
0x62: {  	_ =	shalt  }
0x63: {  	_ =	shalt  }
0x64: {  	_ =	shalt  }
0x65: {  	_ =	shalt  }
0x66: {  	_ =	shalt  }
0x67: {  	_ =	shalt  }
0x68: {  	_ =	shalt  }
0x69: {  	_ =	shalt  }
0x6a: {  	_ =	shalt  }
0x6b: {  	_ =	shalt  }
0x6c: {  	_ =	shalt  }
0x6d: {  	_ =	shalt  }
0x6e: {  	_ =	shalt  }
0x6f: {  	_ =	shalt  }
0x70: {  	_ =	shalt  }
0x71: {  	_ =	shalt  }
0x72: {  	_ =	shalt  }
0x73: {  	_ =	shalt  }
0x74: {  	_ =	shalt  }
0x75: {  	_ =	shalt  }
0x76: {  	_ =	shalt  }
0x77: {  	_ =	shalt  }
0x78: {  	_ =	shalt  }
0x79: {  	_ =	shalt  }
0x7a: {  	_ =	shalt  }
0x7b: {  	_ =	shalt  }
0x7c: {  	_ =	shalt  }
0x7d: {  	_ =	shalt  }
0x7e: {  	_ =	shalt  }
0x7f: {  	_ =	shalt  }
0x80: {  	_ =	shalt  }
0x81: {  	_ =	shalt  }
0x82: {  	_ =	shalt  }
0x83: {  	_ =	shalt  }
0x84: {  	_ =	shalt  }
0x85: {  	_ =	shalt  }
0x86: {  	_ =	shalt  }
0x87: {  	_ =	shalt  }
.Lfunc_end0:
.L_simem_size_0:
called_computation.1_lowered:
.L_overlay_start_0:
0x88: {  	s2 =	sld [smem:$0x3FD9]  }
0x89: {  	s3 =	sld [smem:$0x3FFE];
	_ =	sdelay $0x1  }
0x8a: {  	s1 =	srdreg.scid  }
0x8b: {  	s0 =	sand.u32 $0x1, s1  }
0x8c: {  	s16 =	sshll.u32 s0, $0xA;
	s2 =	sadd.s32 s3, s2  }
0x8d: {  	s2 =	sadd.s32 s2, s16  }
0x8e: {  	[smem:$0x3FB2] =	sst s2  }
0x8f: {  	_ = 	snop  }
0x90: {  	(tm) =	ssettm $0x1  }
0x91: {  	s17 =	sld [smem:$0x3FFB];
	_ =	sdelay $0x3  }
0x92: {  	_ =	strace s17  }
0x93: {  	s2 =	sld [smem:$0x3FFC];
	_ =	sdelay $0x3  }
0x94: {  	_ =	strace s2  }
0x95: {  	s2 =	sld [smem:$0x3FFD];
	_ =	sdelay $0x3  }
0x96: {  	_ =	strace s2  }
0x97: {  	_ =	strace $0x8FFFFFFF  }
0x98: {  	s18 =	sld [smem:$0x3FDB];
	_ =	sdelay $0x1  }
0x99: {  	s19 =	simm.s32 $_scs_section_size  }
0x9a: {  	s4 =	simm.s32 $_size__tile_overlayer_lowered;
	s5 =	simm.s32 $_tile_overlayer_lowered  }
0x9b: {  	s22 =	simm.s32 $0x1BFF;
	s21 =	sshll.u32 s5, $0x1;
	s2 =	sadd.s32 s19, s18  }
0x9c: {  	s6 =	simm.s32 $0x0;
	s20 =	sshll.u32 s4, $0x1;
	s4 =	sadd.s32 s21, s2  }
0x9d: {  	[timem:s6], [sflag:s22] =	dma.local [hbm:s4], s20  }
0x9e: {  	_ =	swait.ge [sflag:s22], s20  }
0x9f: {  	s3 =	ssub.s32 $0x0, s20;
	[sflag:s22] =	ssyncset.done $0x0  }
0xa0: {  	[sflag:s22] =	ssyncadd.s32 s3;
	_ =	sdelay $0x1  }
0xa1: {  	s23 =	simm.s32 $0x1B8B  }
0xa2: {  	_ =	swait.ge [sflag:s23], $0x1  }
0xa3: {  	[sflag:s23] =	ssyncset.done $0x0  }
0xa4: {  	s25 =	simm.s32 $0x1B8E;
	s24 =	sld [smem:$0x3FFE];
	[sflag:s23] =	ssyncadd.s32 $0xFFFFFFFF  }
0xa5: {  	s26 =	simm.s32 $execute0_lowered;
	[smem:$0x3FD2] =	sst s25  }
0xa6: {  	s4 =	sshll.u32 s26, $0x1;
	_ =	strace $0x80000049;
	[dreg:$0x1] =	wrdreg $0xFFFFFFFF  }
0xa7: {  	s28 =	simm.s32 $_size_execute0_lowered;
	s2 =	sadd.s32 s2, s4;
	[dreg:$0x0] =	wrdreg $0x0  }
0xa8: {  	s4 =	sshll.u32 s28, $0x1;
	[dreg:$0x2] =	wrdreg s2  }
0xa9: {  	[dreg:$0x3] =	wrdreg s4  }
0xaa: {  	[dreg:$0x4] =	wrdreg $0xC0  }
0xab: {  	_ =	task [dreg:s6], $0x5FFFF  }
0xac: {  	[dreg:$0x1] =	wrdreg $0xFFFFFFFF  }
0xad: {  	[dreg:$0x0] =	wrdreg $0x60  }
0xae: {  	[dreg:$0x2] =	wrdreg s24  }
0xaf: {  	[dreg:$0x3] =	wrdreg $0xB0000  }
0xb0: {  	[dreg:$0x4] =	wrdreg $0x128000  }
0xb1: {  	[dreg:$0x5] =	wrdreg $0x9  }
0xb2: {  	_ =	task.clear_ibuf [dreg:s6], $0x6FFFF;
	_ =	strace $0x90000049  }
0xb3: {  	s29 =	simm.s32 $0x9;
	_ =	strace $0x8000004B  }
0xb4: {  	_ =	swait.ge [sflag:s29], $0x1  }
0xb5: {  	[sflag:s29] =	ssyncadd.s32 $0xFFFFFFFF  }
0xb6: {  	_ =	strace $0x9000004B  }
0xb7: {  	_ =	sfence  }
0xb8: {  	s30 =	sld [smem:$0x0];
	_ =	sdelay $0x2  }
0xb9: {  	s31 =	sshll.u32 s1, $0xD;
	s1 =	sshrl.u32 s1, $0x2  }
0xba: {  	s3 =	sand.u32 $0x4000, s31;
	s1 =	sadd.s32 s1, s30  }
0xbb: {  	s0 =	sor.u32 s3, s0;
	s1 =	sshll.u32 s1, $0x11  }
0xbc: {  	s0 =	sor.u32 s1, s0  }
0xbd: {  	s0 =	sadd.s32 $0x8F2B, s0  }
0xbe: {  	[sflag:s0] =	ssyncadd.remote.s32 $0x1  }
0xbf: {  	_ =	sfence.sel $0xFFFF  }
0xc0: {  	[dreg:$0x0] =	wrdreg $0xFFFFFFFF;
	(pc) =	sbr.abs _section_cstart, $3  }
0xc1: {  	[dreg:$0x1] =	wrdreg $0xFFFFFFFF  }
0xc2: {  	_ =	task.clear_ibuf [dreg:s6], $0x2FFFF;
	_ =	strace $0x9FFFFFFF  }
0xc3: {  	(tm) =	ssettm $0x7FFFFFFF  }
tec
execute0_lowered:
.L_overlay_start_1:
0x0: {  	(tag) =	ssettag $0x1  }
0x1: {  	s0 =	srdreg.scid;
	s1 =	rddreg [dreg:$0x0]  }
0x2: {  	s8 =	stileid.u32;
	s2 =	rddreg [dreg:$0x1];
	s16 =	simm.s32 $0x1  }
0x3: {  	s17 =	simm.s32 $0x80;
	s18 =	simm.s32 $0x5000;
	s19 =	simm.s32 $0x6800  }
0x4: {  	s20 =	simm.s32 $0x2;
	s21 =	simm.s32 $0x8000;
	s22 =	simm.s32 $0x9800  }
0x5: {  	s23 =	simm.s32 $0x3;
	s24 =	simm.s32 $0x4;
	s25 =	simm.s32 $0x5  }
0x6: {  	s30 =	simm.s32 $0x2780;
	s0 =	sand.u32 $0x1, s0;
	s3 =	sshll.u32 s8, $0x1  }
0x7: {  	s31 =	simm.s32 $0x4F00;
	s10 =	smul.u32 $0x7800, s8;
	s4 =	sor.u32 s0, s3  }
0x8: {  	s3 =	rddreg [dreg:$0x2];
	s6 =	smul.u32 $0x78000, s0;
	s0 =	ssub.s32 $0x2, s0  }
0x9: {  	s5 =	smul.u32 $0x500, s4;
	s4 =	simm.s32 $0x0;
	s26 =	sshrl.u32 s10, $0x3  }
0xa: {  	s29 =	sshrl.u32 s0, $0x1;
	s13 =	sadd.s32 s10, s2;
	s15 =	sadd.s32 s10, s3  }
0xb: {  	[smem:$0x7FF] =	sst s4;
	s6 =	sadd.s32 s10, s6;
	s11 =	sadd.s32 s26, s1  }
0xc: {  	s0 =	ssub.s32 s0, s29;
	s14 =	sshrl.u32 s13, $0x3;
	s15 =	sshrl.u32 s15, $0x3  }
0xd: {  	s13 =	simm.s32 $0x0;
	_ =	strace $0x8000004A;
	s7 =	sadd.s32 s5, s1  }
0xe: {  	s28 =	sshrl.u32 s6, $0x3;
	s10 =	sadd.s32 $0x25800, s11;
	s12 =	smax.u32 s0, $0x1  }
0xf: {  	s0 =	simm.s32 $0x6;
	s1 =	sadd.s32 s28, s1;
	s5 =	sadd.s32 $0x1B800, s7  }
0x10: {  	s6 =	sadd.s32 $0x11800, s7;
	s7 =	sshll.u32 s8, $0x6;
	s8 =	sadd.s32 $0x2800, s11  }
0x11: {  	s9 =	sor.u32 $0x1C01, s7;
	s11 =	sadd.s32 $0x34800, s1;
	s1 =	simm.s32 $0x4F80  }
.LBB2_1:
0x12: {  	[tilespmem:s4], [sflag:$0x1] =	stream.linear.gather [hbm4b:s5+s4], $0x2800, $0x38;
	[tilespmem:$0x1A000] =	vst v63  }
0x13: {  	s26 =	simm.s32 $0x2800  }
0x14: {  	[tilespmem:s26], [sflag:$0x1] =	stream.linear.gather [hbm4b:s6+s4], $0x2800, $0x38;
	[tilespmem:$0x1A000] =	vst v63  }
0x15: {  	[spmem:s14], [sflag:s9] =	dma.local [hbm:s8], $0xF00  }
0x16: {  	[spmem:s15], [sflag:s9] =	dma.local [hbm:s10], $0xF00  }
0x17: {  	_ =	swait.ge [sflag:s16], $0x2800  }
0x18: {  	[sflag:s16] =	ssyncset.done $0x0  }
0x19: {  	[sflag:s16] =	ssyncadd.s32 $0xFFFFD800  }
0x1a: {  	_ =	swait.ge [sflag:s16], $0x2800  }
0x1b: {  	[sflag:s16] =	ssyncset.done $0x0  }
0x1c: {  	[sflag:s16] =	ssyncadd.s32 $0xFFFFD800  }
0x1d: {  	_ =	swait.ge [sflag:s16], $0xF00  }
0x1e: {  	[sflag:s16] =	ssyncset.done $0x0  }
0x1f: {  	[sflag:s16] =	ssyncadd.s32 $0xFFFFF100  }
0x20: {  	_ =	swait.ge [sflag:s16], $0xF00  }
0x21: {  	[sflag:s16] =	ssyncset.done $0x0  }
0x22: {  	[sflag:s16] =	ssyncadd.s32 $0xFFFFF100  }
0x23: {  	[bflag:$0x0] =	sbarrier.arrive $0xFFFF  }
0x24: {  	[tilespmem:s18], [sflag:$0x2] =	stream.indirect.gather [spmem:s2], $0x30, s4, s17, $0xb8;
	[tilespmem:$0x1A000] =	vst v63  }
0x25: {  	_ = 	snop  }
0x26: {  	[tilespmem:s19], [sflag:$0x2] =	stream.indirect.gather [spmem:s2], $0x30, s17, s17, $0xb8;
	[tilespmem:$0x1A000] =	vst v63  }
0x27: {  	_ =	swait.ge [sflag:s20], $0x1800  }
0x28: {  	[sflag:s20] =	ssyncset.done $0x0  }
0x29: {  	s28 =	simm.s32 $0x2800;
	[sflag:s20] =	ssyncadd.s32 $0xFFFFE800  }
0x2a: {  	[spmem:s3] =	stream.indirect.scatter.add.f32 [tilespmem:s18], [sflag:$0x4], $0x30, s28, s17, $0xb8;
	[tilespmem:$0x1A000] =	vst v63  }
0x2b: {  	_ =	swait.ge [sflag:s20], $0x1800  }
0x2c: {  	[sflag:s20] =	ssyncset.done $0x0  }
0x2d: {  	s29 =	simm.s32 $0x2880;
	[sflag:s20] =	ssyncadd.s32 $0xFFFFE800  }
0x2e: {  	[spmem:s3] =	stream.indirect.scatter.add.f32 [tilespmem:s19], [sflag:$0x4], $0x30, s29, s17, $0xb8;
	[tilespmem:$0x1A000] =	vst v63  }
0x2f: {  	s28 =	simm.s32 $0x100  }
0x30: {  	[tilespmem:s21], [sflag:$0x3] =	stream.indirect.gather [spmem:s2], $0x30, s28, s17, $0xb8;
	[tilespmem:$0x1A000] =	vst v63  }
0x31: {  	s29 =	simm.s32 $0x180  }
0x32: {  	[tilespmem:s22], [sflag:$0x3] =	stream.indirect.gather [spmem:s2], $0x30, s29, s17, $0xb8;
	[tilespmem:$0x1A000] =	vst v63  }
0x33: {  	_ =	swait.ge [sflag:s23], $0x1800  }
0x34: {  	[sflag:s23] =	ssyncset.done $0x0  }
0x35: {  	s28 =	simm.s32 $0x2900;
	[sflag:s23] =	ssyncadd.s32 $0xFFFFE800  }
0x36: {  	[spmem:s3] =	stream.indirect.scatter.add.f32 [tilespmem:s21], [sflag:$0x5], $0x30, s28, s17, $0xb8;
	[tilespmem:$0x1A000] =	vst v63  }
0x37: {  	_ =	swait.ge [sflag:s23], $0x1800  }
0x38: {  	[sflag:s23] =	ssyncset.done $0x0  }
0x39: {  	s29 =	simm.s32 $0x2980;
	[sflag:s23] =	ssyncadd.s32 $0xFFFFE800  }
0x3a: {  	[spmem:s3] =	stream.indirect.scatter.add.f32 [tilespmem:s22], [sflag:$0x5], $0x30, s29, s17, $0xb8;
	[tilespmem:$0x1A000] =	vst v63  }
0x3b: {  	_ =	swait.ge [sflag:s24], $0x1800  }
0x3c: {  	[sflag:s24] =	ssyncset.done $0x0  }
0x3d: {  	[sflag:s24] =	ssyncadd.s32 $0xFFFFE800  }
0x3e: {  	_ =	swait.ge [sflag:s24], $0x1800  }
0x3f: {  	[sflag:s24] =	ssyncset.done $0x0  }
0x40: {  	s28 =	simm.s32 $0x200;
	[sflag:s24] =	ssyncadd.s32 $0xFFFFE800  }
0x41: {  	[tilespmem:s18], [sflag:$0x2] =	stream.indirect.gather [spmem:s2], $0x30, s28, s17, $0xb8;
	[tilespmem:$0x1A000] =	vst v63  }
0x42: {  	s29 =	simm.s32 $0x280  }
0x43: {  	[tilespmem:s19], [sflag:$0x2] =	stream.indirect.gather [spmem:s2], $0x30, s29, s17, $0xb8;
	[tilespmem:$0x1A000] =	vst v63  }
0x44: {  	_ =	swait.ge [sflag:s25], $0x1800  }
0x45: {  	[sflag:s25] =	ssyncset.done $0x0  }
0x46: {  	[sflag:s25] =	ssyncadd.s32 $0xFFFFE800  }
0x47: {  	_ =	swait.ge [sflag:s25], $0x1800  }
0x48: {  	s26 =	simm.s32 $0x800;
	[sflag:s25] =	ssyncset.done $0x0  }
.LBB2_2:
0x49: {  	p0 =	sne.s32 s26, $0x9000  }
0x4a: {  	[sflag:s25] =	ssyncadd.s32 $0xFFFFE800;
	s28 =	smov.u32 s26;
	s26 =	sadd.s32 $0x800, s26  }
0x4b: {  	_ =	swait.ge [sflag:s20], $0x1800  }
0x4c: {  	s28 =	sshra.s32 s28, $0x2;
	[sflag:s20] =	ssyncset.done $0x0  }
0x4d: {  	s29 =	sadd.s32 $0x2800, s28;
	[sflag:s20] =	ssyncadd.s32 $0xFFFFE800  }
0x4e: {  	[spmem:s3] =	stream.indirect.scatter.add.f32 [tilespmem:s18], [sflag:$0x4], $0x30, s29, s17, $0xb8;
	[tilespmem:$0x1A000] =	vst v63  }
0x4f: {  	_ =	swait.ge [sflag:s20], $0x1800  }
0x50: {  	[sflag:s20] =	ssyncset.done $0x0  }
0x51: {  	s29 =	sadd.s32 $0x2880, s28;
	[sflag:s20] =	ssyncadd.s32 $0xFFFFE800  }
0x52: {  	[spmem:s3] =	stream.indirect.scatter.add.f32 [tilespmem:s19], [sflag:$0x4], $0x30, s29, s17, $0xb8;
	[tilespmem:$0x1A000] =	vst v63  }
0x53: {  	s29 =	sadd.s32 $0x100, s28  }
0x54: {  	[tilespmem:s21], [sflag:$0x3] =	stream.indirect.gather [spmem:s2], $0x30, s29, s17, $0xb8;
	[tilespmem:$0x1A000] =	vst v63  }
0x55: {  	s29 =	sadd.s32 $0x180, s28  }
0x56: {  	[tilespmem:s22], [sflag:$0x3] =	stream.indirect.gather [spmem:s2], $0x30, s29, s17, $0xb8;
	[tilespmem:$0x1A000] =	vst v63  }
0x57: {  	_ =	swait.ge [sflag:s23], $0x1800  }
0x58: {  	[sflag:s23] =	ssyncset.done $0x0  }
0x59: {  	s29 =	sadd.s32 $0x2900, s28;
	[sflag:s23] =	ssyncadd.s32 $0xFFFFE800  }
0x5a: {  	[spmem:s3] =	stream.indirect.scatter.add.f32 [tilespmem:s21], [sflag:$0x5], $0x30, s29, s17, $0xb8;
	[tilespmem:$0x1A000] =	vst v63  }
0x5b: {  	_ =	swait.ge [sflag:s23], $0x1800  }
0x5c: {  	[sflag:s23] =	ssyncset.done $0x0  }
0x5d: {  	s29 =	sadd.s32 $0x2980, s28;
	[sflag:s23] =	ssyncadd.s32 $0xFFFFE800  }
0x5e: {  	[spmem:s3] =	stream.indirect.scatter.add.f32 [tilespmem:s22], [sflag:$0x5], $0x30, s29, s17, $0xb8;
	[tilespmem:$0x1A000] =	vst v63  }
0x5f: {  	_ =	swait.ge [sflag:s24], $0x1800  }
0x60: {  	[sflag:s24] =	ssyncset.done $0x0  }
0x61: {  	[sflag:s24] =	ssyncadd.s32 $0xFFFFE800  }
0x62: {  	_ =	swait.ge [sflag:s24], $0x1800  }
0x63: {  	[sflag:s24] =	ssyncset.done $0x0  }
0x64: {  	s29 =	sadd.s32 $0x200, s28;
	[sflag:s24] =	ssyncadd.s32 $0xFFFFE800  }
0x65: {  	[tilespmem:s18], [sflag:$0x2] =	stream.indirect.gather [spmem:s2], $0x30, s29, s17, $0xb8;
	[tilespmem:$0x1A000] =	vst v63  }
0x66: {  	s28 =	sadd.s32 $0x280, s28  }
0x67: {  	[tilespmem:s19], [sflag:$0x2] =	stream.indirect.gather [spmem:s2], $0x30, s28, s17, $0xb8;
	[tilespmem:$0x1A000] =	vst v63  }
.Ltmp0:
0x68: {  	_ =	swait.ge [sflag:s25], $0x1800;
	(pc) =	sbr.rel @p0 .LBB2_2-.Ltmp0, $4  }
0x69: {  	[sflag:s25] =	ssyncset.done $0x0  }
0x6a: {  	[sflag:s25] =	ssyncadd.s32 $0xFFFFE800  }
0x6b: {  	_ =	swait.ge [sflag:s25], $0x1800  }
0x6c: {  	[sflag:s25] =	ssyncset.done $0x0  }
0x6d: {  	[sflag:s25] =	ssyncadd.s32 $0xFFFFE800  }
0x6e: {  	_ =	swait.ge [sflag:s20], $0x1800  }
0x6f: {  	[sflag:s20] =	ssyncset.done $0x0  }
0x70: {  	s26 =	simm.s32 $0x4E00;
	[sflag:s20] =	ssyncadd.s32 $0xFFFFE800  }
0x71: {  	[spmem:s3] =	stream.indirect.scatter.add.f32 [tilespmem:s18], [sflag:$0x4], $0x30, s26, s17, $0xb8;
	[tilespmem:$0x1A000] =	vst v63  }
0x72: {  	_ =	swait.ge [sflag:s20], $0x1800  }
0x73: {  	[sflag:s20] =	ssyncset.done $0x0  }
0x74: {  	s29 =	simm.s32 $0x4E80;
	[sflag:s20] =	ssyncadd.s32 $0xFFFFE800  }
0x75: {  	[spmem:s3] =	stream.indirect.scatter.add.f32 [tilespmem:s19], [sflag:$0x4], $0x30, s29, s17, $0xb8;
	[tilespmem:$0x1A000] =	vst v63  }
0x76: {  	s28 =	simm.s32 $0x2700  }
0x77: {  	[tilespmem:s21], [sflag:$0x3] =	stream.indirect.gather [spmem:s2], $0x30, s28, s17, $0xb8;
	[tilespmem:$0x1A000] =	vst v63  }
0x78: {  	_ = 	snop  }
0x79: {  	[tilespmem:s22], [sflag:$0x3] =	stream.indirect.gather [spmem:s2], $0x30, s30, s17, $0xb8;
	[tilespmem:$0x1A000] =	vst v63  }
0x7a: {  	_ =	swait.ge [sflag:s23], $0x1800  }
0x7b: {  	[sflag:s23] =	ssyncset.done $0x0  }
0x7c: {  	[sflag:s23] =	ssyncadd.s32 $0xFFFFE800  }
0x7d: {  	[spmem:s3] =	stream.indirect.scatter.add.f32 [tilespmem:s21], [sflag:$0x5], $0x30, s31, s17, $0xb8;
	[tilespmem:$0x1A000] =	vst v63  }
0x7e: {  	_ =	swait.ge [sflag:s23], $0x1800  }
0x7f: {  	[sflag:s23] =	ssyncset.done $0x0  }
0x80: {  	[sflag:s23] =	ssyncadd.s32 $0xFFFFE800  }
0x81: {  	[spmem:s3] =	stream.indirect.scatter.add.f32 [tilespmem:s22], [sflag:$0x5], $0x30, s1, s17, $0xb8;
	[tilespmem:$0x1A000] =	vst v63  }
0x82: {  	_ =	swait.ge [sflag:s24], $0x1800  }
0x83: {  	[sflag:s24] =	ssyncset.done $0x0  }
0x84: {  	[sflag:s24] =	ssyncadd.s32 $0xFFFFE800  }
0x85: {  	_ =	swait.ge [sflag:s24], $0x1800  }
0x86: {  	[sflag:s24] =	ssyncset.done $0x0  }
0x87: {  	[sflag:s24] =	ssyncadd.s32 $0xFFFFE800  }
0x88: {  	_ =	swait.ge [sflag:s25], $0x1800  }
0x89: {  	[sflag:s25] =	ssyncset.done $0x0  }
0x8a: {  	[sflag:s25] =	ssyncadd.s32 $0xFFFFE800  }
0x8b: {  	_ =	swait.ge [sflag:s25], $0x1800  }
0x8c: {  	s13 =	sadd.s32 $0x1, s13;
	[sflag:s25] =	ssyncset.done $0x0  }
0x8d: {  	p0 =	sne.s32 s13, s12;
	[sflag:s25] =	ssyncadd.s32 $0xFFFFE800  }
.Ltmp1:
0x8e: {  	s29 =	sor.u32 $0x1C06, s7;
	[bflag:$0x0] =	sbarrier.arrive $0xFFFF;
	(pc) =	sbr.rel @p0 .LBB2_1-.Ltmp1, $4  }
0x8f: {  	[hbm:s11], [sflag:s29] =	dma.local [spmem:s15], $0xF00  }
0x90: {  	_ =	swait.ge [sflag:s0], $0xF00  }
0x91: {  	[sflag:s0] =	ssyncset.done $0x0  }
0x92: {  	[sflag:s0] =	ssyncadd.s32 $0xFFFFF100  }
0x93: {  	_ =	sfence.sel $0x180000  }
0x94: {  	[bflag:$0x0] =	sbarrier.arrive $0xFFFF  }
0x95: {  	_ =	strace $0x9000004A  }
0x96: {  	s0 =	stileid.u32;
	[bflag:$0x2] =	sbarrier.arrive $0xFFFF  }
0x97: {  	p0 =	sne.s32 s0, $0x0;
	s0 =	rddreg [dreg:$0x3]  }
0x98: {  	s0 =	sadd.s32 @!p0 $0x100000, s0  }
0x99: {  	[sflag:s0] =	ssyncadd.tile.s32 @!p0 $0x1;
	_ =	shalt  }
.Lfunc_end2:
_tile_overlayer_lowered:
.L_overlay_start_2:
0x9a: {  	(tag) =	ssettag $0x2  }
0x9b: {  	s0 =	rddreg [dreg:$0x0];
	s2 =	stileid.u32  }
0x9c: {  	s1 =	rddreg [dreg:$0x1];
	p0 =	sne.s32 s2, $0x0  }
0x9d: {  	s3 =	rddreg [dreg:$0x2];
	[bflag:$0x3] =	sbarrier.arrive $0xFFFF;
	s2 =	simm.s32 @!p0 $0x1C06  }
0x9e: {  	[timem:s3], [sflag:s2] =	dma.local @!p0 [hbm:s0], s1  }
0x9f: {  	s0 =	simm.s32 @!p0 $0x6  }
0xa0: {  	_ =	swait.ge @!p0 [sflag:s0], s1  }
0xa1: {  	s1 =	ssub.s32 @!p0 $0x0, s1;
	[sflag:s0] =	ssyncset.done @!p0 $0x0  }
0xa2: {  	[sflag:s0] =	ssyncadd.s32 @!p0 s1  }
0xa3: {  	[bflag:$0x3] =	sbarrier.arrive $0xFFFF  }
0xa4: {  	_ =	shalt  }

// kernel: kernel.15.cloned.1.call-start
scs
__scs_entry_jumppad:
0x0: {  	(pc) =	sbr.rel $0x88, $3  }
0x1: {  	(tag) =	ssettag $0x0;
	lr =	simm.s32 $0x1  }
0x2: {  	[smem:$0x3F8B] =	sst lr;
	_ =	strace $0xD0000000  }
0x3: {  	_ = 	snop  }
0x4: {  	_ = 	snop  }
0x5: {  	_ = 	snop  }
0x6: {  	_ = 	snop  }
0x7: {  	_ = 	snop  }
__scs_overlays_trampoline_lowered:
0x8: {  	[smem:$0x3F9A] =	sst s0  }
0x9: {  	[smem:$0x3F9B] =	sst s1  }
0xa: {  	[smem:$0x3F9C] =	sst s2  }
0xb: {  	[smem:$0x3F9D] =	sst s3  }
0xc: {  	[smem:$0x3F9E] =	sst s4  }
0xd: {  	[smem:$0x3F9F] =	sst s5  }
0xe: {  	[smem:$0x3FA0] =	sst s6  }
0xf: {  	[smem:$0x3FA1] =	sst s7  }
0x10: {  	[smem:$0x3FA2] =	sst s8  }
0x11: {  	[smem:$0x3FA3] =	sst s9;
	s0 =	simm.s32 @!p0 $0x0  }
0x12: {  	s1 =	sld [smem:$0x3F89];
	s0 =	simm.s32 @p0 $0x1  }
0x13: {  	[smem:$0x3FA4] =	sst s0;
	s0 =	simm.s32 @!p1 $0x0  }
0x14: {  	s2 =	sld [smem:$0x3F88];
	s0 =	simm.s32 @p1 $0x1  }
0x15: {  	[smem:$0x3FA5] =	sst s0;
	s0 =	simm.s32 @!p2 $0x0  }
0x16: {  	s3 =	sld [smem:$0x3FDB];
	s0 =	simm.s32 @p2 $0x1  }
0x17: {  	s4 =	simm.s32 $0x1BF5;
	[smem:$0x3FA7] =	sst s0  }
0x18: {  	s0 =	sld [smem:$0x3F8A];
	_ =	swait.ge [sflag:s4], $0x0  }
0x19: {  	s7 =	sld [smem:$0x3F8B]  }
0x1a: {  	s8 =	sadd.s32 $0xFFFFE003, lr  }
0x1b: {  	s9 =	sadd.s32 $0xFFFFFEF7, lr;
	s5 =	simm.s32 $0xFFFFFFFF;
	p2 =	slt.u32 s8, $0xFFFFF086  }
0x1c: {  	p1 =	slt.u32 s9, $0xF7A;
	s5 =	simm.s32 @!p2 $0x0  }
0x1d: {  	s5 =	simm.s32 @p1 $0x1;
	p0 =	seq.s32 s7, s2  }
0x1e: {  	s7 =	smul.u32 @!p0 $0xF7A, s2;
	p2 =	seq.s32 @!p0 s5, $0x0  }
0x1f: {  	s9 =	smul.u32 $0xF7A, s1;
	s8 =	simm.s32 @!p0 $0x1BF5;
	p2 =	por !p2, p0  }
0x20: {  	[sflag:s8] =	ssyncset.s32 @!p0 $0xFFFFF086;
	s6 =	sadd.s32 @!p0 s3, s7;
	s7 =	simm.s32 @!p0 $0x108  }
0x21: {  	s3 =	sadd.s32 s3, s9;
	s6 =	sadd.s32 @!p0 $0x88, s6;
	s7 =	simm.s32 @p2 $0x1082  }
0x22: {  	[simem:s7], [sflag:s8] =	dma.local @!p0 [hbm:s6], $0xF7A  }
0x23: {  	s9 =	sor.u32 $0xD0000000, s2;
	s6 =	simm.s32 $0x108;
	_ =	swait.ge @!p0 [sflag:s8], $0x0  }
0x24: {  	s3 =	sadd.s32 $0x88, s3;
	s6 =	simm.s32 @!p1 $0x1082;
	[sflag:s4] =	ssyncset.s32 $0xFFFFF086  }
0x25: {  	[simem:s6], [sflag:s4] =	dma.local [hbm:s3], $0xF7A  }
0x26: {  	[smem:$0x3F8B] =	sst s1;
	(tag) =	ssettag s2;
	_ =	strace s9  }
0x27: {  	s1 =	sld [smem:$0x3F9B]  }
0x28: {  	s2 =	sld [smem:$0x3F9C]  }
0x29: {  	s4 =	sld [smem:$0x3F9E]  }
0x2a: {  	p0 =	seq.s32 s5, $0x0;
	s5 =	sld [smem:$0x3F9F]  }
0x2b: {  	s6 =	sld [smem:$0x3FA0]  }
0x2c: {  	s7 =	sld [smem:$0x3FA1]  }
0x2d: {  	s3 =	simm.s32 $0x108;
	s8 =	sld [smem:$0x3FA2]  }
0x2e: {  	s3 =	simm.s32 @!p0 $0x1082;
	s9 =	sld [smem:$0x3FA3]  }
0x2f: {  	lr =	sadd.s32 s0, s3;
	s0 =	sld [smem:$0x3F9A]  }
0x30: {  	s3 =	sld [smem:$0x3F9D]  }
0x31: {  	[smem:$0x3FA6] =	sst s10  }
0x32: {  	s10 =	sld [smem:$0x3FA4];
	_ =	sdelay $0x3  }
0x33: {  	p0 =	seq.s32 s10, $0x1;
	s10 =	sld [smem:$0x3FA6];
	_ =	sdelay $0x3  }
0x34: {  	[smem:$0x3FA6] =	sst s10  }
0x35: {  	s10 =	sld [smem:$0x3FA5];
	_ =	sdelay $0x3  }
0x36: {  	p1 =	seq.s32 s10, $0x1;
	s10 =	sld [smem:$0x3FA6];
	_ =	sdelay $0x3  }
0x37: {  	[smem:$0x3FA6] =	sst s10  }
0x38: {  	s10 =	sld [smem:$0x3FA7]  }
0x39: {  	_ = 	snop;
	(pc) =	sbr.ind lr, $3  }
0x3a: {  	_ = 	snop  }
0x3b: {  	_ = 	snop  }
0x3c: {  	p2 =	seq.s32 s10, $0x1;
	s10 =	sld [smem:$0x3FA6]  }
0x3d: {  	_ =	shalt  }
0x3e: {  	_ =	shalt  }
0x3f: {  	_ =	shalt  }
0x40: {  	_ =	shalt  }
0x41: {  	_ =	shalt  }
0x42: {  	_ =	shalt  }
0x43: {  	_ =	shalt  }
0x44: {  	_ =	shalt  }
0x45: {  	_ =	shalt  }
0x46: {  	_ =	shalt  }
0x47: {  	_ =	shalt  }
0x48: {  	_ =	shalt  }
0x49: {  	_ =	shalt  }
0x4a: {  	_ =	shalt  }
0x4b: {  	_ =	shalt  }
0x4c: {  	_ =	shalt  }
0x4d: {  	_ =	shalt  }
0x4e: {  	_ =	shalt  }
0x4f: {  	_ =	shalt  }
0x50: {  	_ =	shalt  }
0x51: {  	_ =	shalt  }
0x52: {  	_ =	shalt  }
0x53: {  	_ =	shalt  }
0x54: {  	_ =	shalt  }
0x55: {  	_ =	shalt  }
0x56: {  	_ =	shalt  }
0x57: {  	_ =	shalt  }
0x58: {  	_ =	shalt  }
0x59: {  	_ =	shalt  }
0x5a: {  	_ =	shalt  }
0x5b: {  	_ =	shalt  }
0x5c: {  	_ =	shalt  }
0x5d: {  	_ =	shalt  }
0x5e: {  	_ =	shalt  }
0x5f: {  	_ =	shalt  }
0x60: {  	_ =	shalt  }
0x61: {  	_ =	shalt  }
0x62: {  	_ =	shalt  }
0x63: {  	_ =	shalt  }
0x64: {  	_ =	shalt  }
0x65: {  	_ =	shalt  }
0x66: {  	_ =	shalt  }
0x67: {  	_ =	shalt  }
0x68: {  	_ =	shalt  }
0x69: {  	_ =	shalt  }
0x6a: {  	_ =	shalt  }
0x6b: {  	_ =	shalt  }
0x6c: {  	_ =	shalt  }
0x6d: {  	_ =	shalt  }
0x6e: {  	_ =	shalt  }
0x6f: {  	_ =	shalt  }
0x70: {  	_ =	shalt  }
0x71: {  	_ =	shalt  }
0x72: {  	_ =	shalt  }
0x73: {  	_ =	shalt  }
0x74: {  	_ =	shalt  }
0x75: {  	_ =	shalt  }
0x76: {  	_ =	shalt  }
0x77: {  	_ =	shalt  }
0x78: {  	_ =	shalt  }
0x79: {  	_ =	shalt  }
0x7a: {  	_ =	shalt  }
0x7b: {  	_ =	shalt  }
0x7c: {  	_ =	shalt  }
0x7d: {  	_ =	shalt  }
0x7e: {  	_ =	shalt  }
0x7f: {  	_ =	shalt  }
0x80: {  	_ =	shalt  }
0x81: {  	_ =	shalt  }
0x82: {  	_ =	shalt  }
0x83: {  	_ =	shalt  }
0x84: {  	_ =	shalt  }
0x85: {  	_ =	shalt  }
0x86: {  	_ =	shalt  }
0x87: {  	_ =	shalt  }
.Lfunc_end0:
.L_simem_size_0:
called_computation.2_lowered:
.L_overlay_start_0:
0x88: {  	s2 =	sld [smem:$0x3FD9]  }
0x89: {  	s3 =	sld [smem:$0x3FFE];
	_ =	sdelay $0x1  }
0x8a: {  	s1 =	srdreg.scid  }
0x8b: {  	s0 =	sand.u32 $0x1, s1  }
0x8c: {  	s16 =	sshll.u32 s0, $0xA;
	s2 =	sadd.s32 s3, s2  }
0x8d: {  	s2 =	sadd.s32 s2, s16  }
0x8e: {  	[smem:$0x3FB2] =	sst s2  }
0x8f: {  	_ = 	snop  }
0x90: {  	(tm) =	ssettm $0x1  }
0x91: {  	s17 =	sld [smem:$0x3FFB];
	_ =	sdelay $0x3  }
0x92: {  	_ =	strace s17  }
0x93: {  	s2 =	sld [smem:$0x3FFC];
	_ =	sdelay $0x3  }
0x94: {  	_ =	strace s2  }
0x95: {  	s2 =	sld [smem:$0x3FFD];
	_ =	sdelay $0x3  }
0x96: {  	_ =	strace s2  }
0x97: {  	_ =	strace $0x8FFFFFFF  }
0x98: {  	s18 =	sld [smem:$0x3FDB];
	_ =	sdelay $0x1  }
0x99: {  	s19 =	simm.s32 $_scs_section_size  }
0x9a: {  	s4 =	simm.s32 $_size__tile_overlayer_lowered;
	s5 =	simm.s32 $_tile_overlayer_lowered  }
0x9b: {  	s22 =	simm.s32 $0x1BFF;
	s21 =	sshll.u32 s5, $0x1;
	s2 =	sadd.s32 s19, s18  }
0x9c: {  	s6 =	simm.s32 $0x0;
	s20 =	sshll.u32 s4, $0x1;
	s4 =	sadd.s32 s21, s2  }
0x9d: {  	[timem:s6], [sflag:s22] =	dma.local [hbm:s4], s20  }
0x9e: {  	_ =	swait.ge [sflag:s22], s20  }
0x9f: {  	s3 =	ssub.s32 $0x0, s20;
	[sflag:s22] =	ssyncset.done $0x0  }
0xa0: {  	[sflag:s22] =	ssyncadd.s32 s3;
	_ =	sdelay $0x1  }
0xa1: {  	s23 =	simm.s32 $0x1B8B  }
0xa2: {  	_ =	swait.ge [sflag:s23], $0x1  }
0xa3: {  	[sflag:s23] =	ssyncset.done $0x0  }
0xa4: {  	s25 =	simm.s32 $0x1B8E;
	s24 =	sld [smem:$0x3FFE];
	[sflag:s23] =	ssyncadd.s32 $0xFFFFFFFF  }
0xa5: {  	s26 =	simm.s32 $execute0_lowered;
	[smem:$0x3FD2] =	sst s25  }
0xa6: {  	s4 =	sshll.u32 s26, $0x1;
	_ =	strace $0x8000004C;
	[dreg:$0x1] =	wrdreg $0xFFFFFFFF  }
0xa7: {  	s28 =	simm.s32 $_size_execute0_lowered;
	s2 =	sadd.s32 s2, s4;
	[dreg:$0x0] =	wrdreg $0x0  }
0xa8: {  	s4 =	sshll.u32 s28, $0x1;
	[dreg:$0x2] =	wrdreg s2  }
0xa9: {  	[dreg:$0x3] =	wrdreg s4  }
0xaa: {  	[dreg:$0x4] =	wrdreg $0xC0  }
0xab: {  	_ =	task [dreg:s6], $0x5FFFF  }
0xac: {  	[dreg:$0x1] =	wrdreg $0xFFFFFFFF  }
0xad: {  	[dreg:$0x0] =	wrdreg $0x60  }
0xae: {  	[dreg:$0x2] =	wrdreg s24  }
0xaf: {  	[dreg:$0x3] =	wrdreg $0xB0000  }
0xb0: {  	[dreg:$0x4] =	wrdreg $0x128000  }
0xb1: {  	[dreg:$0x5] =	wrdreg $0x9  }
0xb2: {  	_ =	task.clear_ibuf [dreg:s6], $0x6FFFF;
	_ =	strace $0x9000004C  }
0xb3: {  	s29 =	simm.s32 $0x9;
	_ =	strace $0x8000004E  }
0xb4: {  	_ =	swait.ge [sflag:s29], $0x1  }
0xb5: {  	[sflag:s29] =	ssyncadd.s32 $0xFFFFFFFF  }
0xb6: {  	_ =	strace $0x9000004E  }
0xb7: {  	_ =	sfence  }
0xb8: {  	s30 =	sld [smem:$0x0];
	_ =	sdelay $0x2  }
0xb9: {  	s31 =	sshll.u32 s1, $0xD;
	s1 =	sshrl.u32 s1, $0x2  }
0xba: {  	s3 =	sand.u32 $0x4000, s31;
	s1 =	sadd.s32 s1, s30  }
0xbb: {  	s0 =	sor.u32 s3, s0;
	s1 =	sshll.u32 s1, $0x11  }
0xbc: {  	s0 =	sor.u32 s1, s0  }
0xbd: {  	s0 =	sadd.s32 $0x8F2B, s0  }
0xbe: {  	[sflag:s0] =	ssyncadd.remote.s32 $0x1  }
0xbf: {  	_ =	sfence.sel $0xFFFF  }
0xc0: {  	[dreg:$0x0] =	wrdreg $0xFFFFFFFF;
	(pc) =	sbr.abs _section_cstart, $3  }
0xc1: {  	[dreg:$0x1] =	wrdreg $0xFFFFFFFF  }
0xc2: {  	_ =	task.clear_ibuf [dreg:s6], $0x2FFFF;
	_ =	strace $0x9FFFFFFF  }
0xc3: {  	(tm) =	ssettm $0x7FFFFFFF  }
tec
execute0_lowered:
.L_overlay_start_1:
0x0: {  	(tag) =	ssettag $0x1  }
0x1: {  	s0 =	srdreg.scid;
	s1 =	rddreg [dreg:$0x0]  }
0x2: {  	s8 =	stileid.u32;
	s2 =	rddreg [dreg:$0x1];
	s16 =	simm.s32 $0x1  }
0x3: {  	s17 =	simm.s32 $0x80;
	s18 =	simm.s32 $0x5000;
	s19 =	simm.s32 $0x6800  }
0x4: {  	s20 =	simm.s32 $0x2;
	s21 =	simm.s32 $0x8000;
	s22 =	simm.s32 $0x9800  }
0x5: {  	s23 =	simm.s32 $0x3;
	s24 =	simm.s32 $0x4;
	s25 =	simm.s32 $0x5  }
0x6: {  	s30 =	simm.s32 $0x2780;
	s0 =	sand.u32 $0x1, s0;
	s3 =	sshll.u32 s8, $0x1  }
0x7: {  	s31 =	simm.s32 $0x4F00;
	s10 =	smul.u32 $0x7800, s8;
	s4 =	sor.u32 s0, s3  }
0x8: {  	s3 =	rddreg [dreg:$0x2];
	s6 =	smul.u32 $0x78000, s0;
	s0 =	ssub.s32 $0x2, s0  }
0x9: {  	s5 =	smul.u32 $0x500, s4;
	s4 =	simm.s32 $0x0;
	s26 =	sshrl.u32 s10, $0x3  }
0xa: {  	s29 =	sshrl.u32 s0, $0x1;
	s13 =	sadd.s32 s10, s2;
	s15 =	sadd.s32 s10, s3  }
0xb: {  	[smem:$0x7FF] =	sst s4;
	s6 =	sadd.s32 s10, s6;
	s11 =	sadd.s32 s26, s1  }
0xc: {  	s0 =	ssub.s32 s0, s29;
	s14 =	sshrl.u32 s13, $0x3;
	s15 =	sshrl.u32 s15, $0x3  }
0xd: {  	s13 =	simm.s32 $0x0;
	_ =	strace $0x8000004D;
	s7 =	sadd.s32 s5, s1  }
0xe: {  	s28 =	sshrl.u32 s6, $0x3;
	s10 =	sadd.s32 $0x25800, s11;
	s12 =	smax.u32 s0, $0x1  }
0xf: {  	s0 =	simm.s32 $0x6;
	s1 =	sadd.s32 s28, s1;
	s5 =	sadd.s32 $0x1B800, s7  }
0x10: {  	s6 =	sadd.s32 $0x11800, s7;
	s7 =	sshll.u32 s8, $0x6;
	s8 =	sadd.s32 $0x2800, s11  }
0x11: {  	s9 =	sor.u32 $0x1C01, s7;
	s11 =	sadd.s32 $0x34800, s1;
	s1 =	simm.s32 $0x4F80  }
.LBB2_1:
0x12: {  	[tilespmem:s4], [sflag:$0x1] =	stream.linear.gather [hbm4b:s5+s4], $0x2800, $0x38;
	[tilespmem:$0x1A000] =	vst v63  }
0x13: {  	s26 =	simm.s32 $0x2800  }
0x14: {  	[tilespmem:s26], [sflag:$0x1] =	stream.linear.gather [hbm4b:s6+s4], $0x2800, $0x38;
	[tilespmem:$0x1A000] =	vst v63  }
0x15: {  	[spmem:s14], [sflag:s9] =	dma.local [hbm:s8], $0xF00  }
0x16: {  	[spmem:s15], [sflag:s9] =	dma.local [hbm:s10], $0xF00  }
0x17: {  	_ =	swait.ge [sflag:s16], $0x2800  }
0x18: {  	[sflag:s16] =	ssyncset.done $0x0  }
0x19: {  	[sflag:s16] =	ssyncadd.s32 $0xFFFFD800  }
0x1a: {  	_ =	swait.ge [sflag:s16], $0x2800  }
0x1b: {  	[sflag:s16] =	ssyncset.done $0x0  }
0x1c: {  	[sflag:s16] =	ssyncadd.s32 $0xFFFFD800  }
0x1d: {  	_ =	swait.ge [sflag:s16], $0xF00  }
0x1e: {  	[sflag:s16] =	ssyncset.done $0x0  }
0x1f: {  	[sflag:s16] =	ssyncadd.s32 $0xFFFFF100  }
0x20: {  	_ =	swait.ge [sflag:s16], $0xF00  }
0x21: {  	[sflag:s16] =	ssyncset.done $0x0  }
0x22: {  	[sflag:s16] =	ssyncadd.s32 $0xFFFFF100  }
0x23: {  	[bflag:$0x0] =	sbarrier.arrive $0xFFFF  }
0x24: {  	[tilespmem:s18], [sflag:$0x2] =	stream.indirect.gather [spmem:s2], $0x30, s4, s17, $0xb8;
	[tilespmem:$0x1A000] =	vst v63  }
0x25: {  	_ = 	snop  }
0x26: {  	[tilespmem:s19], [sflag:$0x2] =	stream.indirect.gather [spmem:s2], $0x30, s17, s17, $0xb8;
	[tilespmem:$0x1A000] =	vst v63  }
0x27: {  	_ =	swait.ge [sflag:s20], $0x1800  }
0x28: {  	[sflag:s20] =	ssyncset.done $0x0  }
0x29: {  	s28 =	simm.s32 $0x2800;
	[sflag:s20] =	ssyncadd.s32 $0xFFFFE800  }
0x2a: {  	[spmem:s3] =	stream.indirect.scatter.add.f32 [tilespmem:s18], [sflag:$0x4], $0x30, s28, s17, $0xb8;
	[tilespmem:$0x1A000] =	vst v63  }
0x2b: {  	_ =	swait.ge [sflag:s20], $0x1800  }
0x2c: {  	[sflag:s20] =	ssyncset.done $0x0  }
0x2d: {  	s29 =	simm.s32 $0x2880;
	[sflag:s20] =	ssyncadd.s32 $0xFFFFE800  }
0x2e: {  	[spmem:s3] =	stream.indirect.scatter.add.f32 [tilespmem:s19], [sflag:$0x4], $0x30, s29, s17, $0xb8;
	[tilespmem:$0x1A000] =	vst v63  }
0x2f: {  	s28 =	simm.s32 $0x100  }
0x30: {  	[tilespmem:s21], [sflag:$0x3] =	stream.indirect.gather [spmem:s2], $0x30, s28, s17, $0xb8;
	[tilespmem:$0x1A000] =	vst v63  }
0x31: {  	s29 =	simm.s32 $0x180  }
0x32: {  	[tilespmem:s22], [sflag:$0x3] =	stream.indirect.gather [spmem:s2], $0x30, s29, s17, $0xb8;
	[tilespmem:$0x1A000] =	vst v63  }
0x33: {  	_ =	swait.ge [sflag:s23], $0x1800  }
0x34: {  	[sflag:s23] =	ssyncset.done $0x0  }
0x35: {  	s28 =	simm.s32 $0x2900;
	[sflag:s23] =	ssyncadd.s32 $0xFFFFE800  }
0x36: {  	[spmem:s3] =	stream.indirect.scatter.add.f32 [tilespmem:s21], [sflag:$0x5], $0x30, s28, s17, $0xb8;
	[tilespmem:$0x1A000] =	vst v63  }
0x37: {  	_ =	swait.ge [sflag:s23], $0x1800  }
0x38: {  	[sflag:s23] =	ssyncset.done $0x0  }
0x39: {  	s29 =	simm.s32 $0x2980;
	[sflag:s23] =	ssyncadd.s32 $0xFFFFE800  }
0x3a: {  	[spmem:s3] =	stream.indirect.scatter.add.f32 [tilespmem:s22], [sflag:$0x5], $0x30, s29, s17, $0xb8;
	[tilespmem:$0x1A000] =	vst v63  }
0x3b: {  	_ =	swait.ge [sflag:s24], $0x1800  }
0x3c: {  	[sflag:s24] =	ssyncset.done $0x0  }
0x3d: {  	[sflag:s24] =	ssyncadd.s32 $0xFFFFE800  }
0x3e: {  	_ =	swait.ge [sflag:s24], $0x1800  }
0x3f: {  	[sflag:s24] =	ssyncset.done $0x0  }
0x40: {  	s28 =	simm.s32 $0x200;
	[sflag:s24] =	ssyncadd.s32 $0xFFFFE800  }
0x41: {  	[tilespmem:s18], [sflag:$0x2] =	stream.indirect.gather [spmem:s2], $0x30, s28, s17, $0xb8;
	[tilespmem:$0x1A000] =	vst v63  }
0x42: {  	s29 =	simm.s32 $0x280  }
0x43: {  	[tilespmem:s19], [sflag:$0x2] =	stream.indirect.gather [spmem:s2], $0x30, s29, s17, $0xb8;
	[tilespmem:$0x1A000] =	vst v63  }
0x44: {  	_ =	swait.ge [sflag:s25], $0x1800  }
0x45: {  	[sflag:s25] =	ssyncset.done $0x0  }
0x46: {  	[sflag:s25] =	ssyncadd.s32 $0xFFFFE800  }
0x47: {  	_ =	swait.ge [sflag:s25], $0x1800  }
0x48: {  	s26 =	simm.s32 $0x800;
	[sflag:s25] =	ssyncset.done $0x0  }
.LBB2_2:
0x49: {  	p0 =	sne.s32 s26, $0x9000  }
0x4a: {  	[sflag:s25] =	ssyncadd.s32 $0xFFFFE800;
	s28 =	smov.u32 s26;
	s26 =	sadd.s32 $0x800, s26  }
0x4b: {  	_ =	swait.ge [sflag:s20], $0x1800  }
0x4c: {  	s28 =	sshra.s32 s28, $0x2;
	[sflag:s20] =	ssyncset.done $0x0  }
0x4d: {  	s29 =	sadd.s32 $0x2800, s28;
	[sflag:s20] =	ssyncadd.s32 $0xFFFFE800  }
0x4e: {  	[spmem:s3] =	stream.indirect.scatter.add.f32 [tilespmem:s18], [sflag:$0x4], $0x30, s29, s17, $0xb8;
	[tilespmem:$0x1A000] =	vst v63  }
0x4f: {  	_ =	swait.ge [sflag:s20], $0x1800  }
0x50: {  	[sflag:s20] =	ssyncset.done $0x0  }
0x51: {  	s29 =	sadd.s32 $0x2880, s28;
	[sflag:s20] =	ssyncadd.s32 $0xFFFFE800  }
0x52: {  	[spmem:s3] =	stream.indirect.scatter.add.f32 [tilespmem:s19], [sflag:$0x4], $0x30, s29, s17, $0xb8;
	[tilespmem:$0x1A000] =	vst v63  }
0x53: {  	s29 =	sadd.s32 $0x100, s28  }
0x54: {  	[tilespmem:s21], [sflag:$0x3] =	stream.indirect.gather [spmem:s2], $0x30, s29, s17, $0xb8;
	[tilespmem:$0x1A000] =	vst v63  }
0x55: {  	s29 =	sadd.s32 $0x180, s28  }
0x56: {  	[tilespmem:s22], [sflag:$0x3] =	stream.indirect.gather [spmem:s2], $0x30, s29, s17, $0xb8;
	[tilespmem:$0x1A000] =	vst v63  }
0x57: {  	_ =	swait.ge [sflag:s23], $0x1800  }
0x58: {  	[sflag:s23] =	ssyncset.done $0x0  }
0x59: {  	s29 =	sadd.s32 $0x2900, s28;
	[sflag:s23] =	ssyncadd.s32 $0xFFFFE800  }
0x5a: {  	[spmem:s3] =	stream.indirect.scatter.add.f32 [tilespmem:s21], [sflag:$0x5], $0x30, s29, s17, $0xb8;
	[tilespmem:$0x1A000] =	vst v63  }
0x5b: {  	_ =	swait.ge [sflag:s23], $0x1800  }
0x5c: {  	[sflag:s23] =	ssyncset.done $0x0  }
0x5d: {  	s29 =	sadd.s32 $0x2980, s28;
	[sflag:s23] =	ssyncadd.s32 $0xFFFFE800  }
0x5e: {  	[spmem:s3] =	stream.indirect.scatter.add.f32 [tilespmem:s22], [sflag:$0x5], $0x30, s29, s17, $0xb8;
	[tilespmem:$0x1A000] =	vst v63  }
0x5f: {  	_ =	swait.ge [sflag:s24], $0x1800  }
0x60: {  	[sflag:s24] =	ssyncset.done $0x0  }
0x61: {  	[sflag:s24] =	ssyncadd.s32 $0xFFFFE800  }
0x62: {  	_ =	swait.ge [sflag:s24], $0x1800  }
0x63: {  	[sflag:s24] =	ssyncset.done $0x0  }
0x64: {  	s29 =	sadd.s32 $0x200, s28;
	[sflag:s24] =	ssyncadd.s32 $0xFFFFE800  }
0x65: {  	[tilespmem:s18], [sflag:$0x2] =	stream.indirect.gather [spmem:s2], $0x30, s29, s17, $0xb8;
	[tilespmem:$0x1A000] =	vst v63  }
0x66: {  	s28 =	sadd.s32 $0x280, s28  }
0x67: {  	[tilespmem:s19], [sflag:$0x2] =	stream.indirect.gather [spmem:s2], $0x30, s28, s17, $0xb8;
	[tilespmem:$0x1A000] =	vst v63  }
.Ltmp0:
0x68: {  	_ =	swait.ge [sflag:s25], $0x1800;
	(pc) =	sbr.rel @p0 .LBB2_2-.Ltmp0, $4  }
0x69: {  	[sflag:s25] =	ssyncset.done $0x0  }
0x6a: {  	[sflag:s25] =	ssyncadd.s32 $0xFFFFE800  }
0x6b: {  	_ =	swait.ge [sflag:s25], $0x1800  }
0x6c: {  	[sflag:s25] =	ssyncset.done $0x0  }
0x6d: {  	[sflag:s25] =	ssyncadd.s32 $0xFFFFE800  }
0x6e: {  	_ =	swait.ge [sflag:s20], $0x1800  }
0x6f: {  	[sflag:s20] =	ssyncset.done $0x0  }
0x70: {  	s26 =	simm.s32 $0x4E00;
	[sflag:s20] =	ssyncadd.s32 $0xFFFFE800  }
0x71: {  	[spmem:s3] =	stream.indirect.scatter.add.f32 [tilespmem:s18], [sflag:$0x4], $0x30, s26, s17, $0xb8;
	[tilespmem:$0x1A000] =	vst v63  }
0x72: {  	_ =	swait.ge [sflag:s20], $0x1800  }
0x73: {  	[sflag:s20] =	ssyncset.done $0x0  }
0x74: {  	s29 =	simm.s32 $0x4E80;
	[sflag:s20] =	ssyncadd.s32 $0xFFFFE800  }
0x75: {  	[spmem:s3] =	stream.indirect.scatter.add.f32 [tilespmem:s19], [sflag:$0x4], $0x30, s29, s17, $0xb8;
	[tilespmem:$0x1A000] =	vst v63  }
0x76: {  	s28 =	simm.s32 $0x2700  }
0x77: {  	[tilespmem:s21], [sflag:$0x3] =	stream.indirect.gather [spmem:s2], $0x30, s28, s17, $0xb8;
	[tilespmem:$0x1A000] =	vst v63  }
0x78: {  	_ = 	snop  }
0x79: {  	[tilespmem:s22], [sflag:$0x3] =	stream.indirect.gather [spmem:s2], $0x30, s30, s17, $0xb8;
	[tilespmem:$0x1A000] =	vst v63  }
0x7a: {  	_ =	swait.ge [sflag:s23], $0x1800  }
0x7b: {  	[sflag:s23] =	ssyncset.done $0x0  }
0x7c: {  	[sflag:s23] =	ssyncadd.s32 $0xFFFFE800  }
0x7d: {  	[spmem:s3] =	stream.indirect.scatter.add.f32 [tilespmem:s21], [sflag:$0x5], $0x30, s31, s17, $0xb8;
	[tilespmem:$0x1A000] =	vst v63  }
0x7e: {  	_ =	swait.ge [sflag:s23], $0x1800  }
0x7f: {  	[sflag:s23] =	ssyncset.done $0x0  }
0x80: {  	[sflag:s23] =	ssyncadd.s32 $0xFFFFE800  }
0x81: {  	[spmem:s3] =	stream.indirect.scatter.add.f32 [tilespmem:s22], [sflag:$0x5], $0x30, s1, s17, $0xb8;
	[tilespmem:$0x1A000] =	vst v63  }
0x82: {  	_ =	swait.ge [sflag:s24], $0x1800  }
0x83: {  	[sflag:s24] =	ssyncset.done $0x0  }
0x84: {  	[sflag:s24] =	ssyncadd.s32 $0xFFFFE800  }
0x85: {  	_ =	swait.ge [sflag:s24], $0x1800  }
0x86: {  	[sflag:s24] =	ssyncset.done $0x0  }
0x87: {  	[sflag:s24] =	ssyncadd.s32 $0xFFFFE800  }
0x88: {  	_ =	swait.ge [sflag:s25], $0x1800  }
0x89: {  	[sflag:s25] =	ssyncset.done $0x0  }
0x8a: {  	[sflag:s25] =	ssyncadd.s32 $0xFFFFE800  }
0x8b: {  	_ =	swait.ge [sflag:s25], $0x1800  }
0x8c: {  	s13 =	sadd.s32 $0x1, s13;
	[sflag:s25] =	ssyncset.done $0x0  }
0x8d: {  	p0 =	sne.s32 s13, s12;
	[sflag:s25] =	ssyncadd.s32 $0xFFFFE800  }
.Ltmp1:
0x8e: {  	s29 =	sor.u32 $0x1C06, s7;
	[bflag:$0x0] =	sbarrier.arrive $0xFFFF;
	(pc) =	sbr.rel @p0 .LBB2_1-.Ltmp1, $4  }
0x8f: {  	[hbm:s11], [sflag:s29] =	dma.local [spmem:s15], $0xF00  }
0x90: {  	_ =	swait.ge [sflag:s0], $0xF00  }
0x91: {  	[sflag:s0] =	ssyncset.done $0x0  }
0x92: {  	[sflag:s0] =	ssyncadd.s32 $0xFFFFF100  }
0x93: {  	_ =	sfence.sel $0x180000  }
0x94: {  	[bflag:$0x0] =	sbarrier.arrive $0xFFFF  }
0x95: {  	_ =	strace $0x9000004D  }
0x96: {  	s0 =	stileid.u32;
	[bflag:$0x2] =	sbarrier.arrive $0xFFFF  }
0x97: {  	p0 =	sne.s32 s0, $0x0;
	s0 =	rddreg [dreg:$0x3]  }
0x98: {  	s0 =	sadd.s32 @!p0 $0x100000, s0  }
0x99: {  	[sflag:s0] =	ssyncadd.tile.s32 @!p0 $0x1;
	_ =	shalt  }
.Lfunc_end2:
_tile_overlayer_lowered:
.L_overlay_start_2:
0x9a: {  	(tag) =	ssettag $0x2  }
0x9b: {  	s0 =	rddreg [dreg:$0x0];
	s2 =	stileid.u32  }
0x9c: {  	s1 =	rddreg [dreg:$0x1];
	p0 =	sne.s32 s2, $0x0  }
0x9d: {  	s3 =	rddreg [dreg:$0x2];
	[bflag:$0x3] =	sbarrier.arrive $0xFFFF;
	s2 =	simm.s32 @!p0 $0x1C06  }
0x9e: {  	[timem:s3], [sflag:s2] =	dma.local @!p0 [hbm:s0], s1  }
0x9f: {  	s0 =	simm.s32 @!p0 $0x6  }
0xa0: {  	_ =	swait.ge @!p0 [sflag:s0], s1  }
0xa1: {  	s1 =	ssub.s32 @!p0 $0x0, s1;
	[sflag:s0] =	ssyncset.done @!p0 $0x0  }
0xa2: {  	[sflag:s0] =	ssyncadd.s32 @!p0 s1  }
0xa3: {  	[bflag:$0x3] =	sbarrier.arrive $0xFFFF  }
0xa4: {  	_ =	shalt  }

// kernel: kernel.9.cloned.1.call-start
scs
__scs_entry_jumppad:
0x0: {  	(pc) =	sbr.rel $0x88, $3  }
0x1: {  	(tag) =	ssettag $0x0;
	lr =	simm.s32 $0x1  }
0x2: {  	[smem:$0x3F8B] =	sst lr;
	_ =	strace $0xD0000000  }
0x3: {  	_ = 	snop  }
0x4: {  	_ = 	snop  }
0x5: {  	_ = 	snop  }
0x6: {  	_ = 	snop  }
0x7: {  	_ = 	snop  }
__scs_overlays_trampoline_lowered:
0x8: {  	[smem:$0x3F9A] =	sst s0  }
0x9: {  	[smem:$0x3F9B] =	sst s1  }
0xa: {  	[smem:$0x3F9C] =	sst s2  }
0xb: {  	[smem:$0x3F9D] =	sst s3  }
0xc: {  	[smem:$0x3F9E] =	sst s4  }
0xd: {  	[smem:$0x3F9F] =	sst s5  }
0xe: {  	[smem:$0x3FA0] =	sst s6  }
0xf: {  	[smem:$0x3FA1] =	sst s7  }
0x10: {  	[smem:$0x3FA2] =	sst s8  }
0x11: {  	[smem:$0x3FA3] =	sst s9;
	s0 =	simm.s32 @!p0 $0x0  }
0x12: {  	s1 =	sld [smem:$0x3F89];
	s0 =	simm.s32 @p0 $0x1  }
0x13: {  	[smem:$0x3FA4] =	sst s0;
	s0 =	simm.s32 @!p1 $0x0  }
0x14: {  	s2 =	sld [smem:$0x3F88];
	s0 =	simm.s32 @p1 $0x1  }
0x15: {  	[smem:$0x3FA5] =	sst s0;
	s0 =	simm.s32 @!p2 $0x0  }
0x16: {  	s3 =	sld [smem:$0x3FDB];
	s0 =	simm.s32 @p2 $0x1  }
0x17: {  	s4 =	simm.s32 $0x1BF5;
	[smem:$0x3FA7] =	sst s0  }
0x18: {  	s0 =	sld [smem:$0x3F8A];
	_ =	swait.ge [sflag:s4], $0x0  }
0x19: {  	s7 =	sld [smem:$0x3F8B]  }
0x1a: {  	s8 =	sadd.s32 $0xFFFFE003, lr  }
0x1b: {  	s9 =	sadd.s32 $0xFFFFFEF7, lr;
	s5 =	simm.s32 $0xFFFFFFFF;
	p2 =	slt.u32 s8, $0xFFFFF086  }
0x1c: {  	p1 =	slt.u32 s9, $0xF7A;
	s5 =	simm.s32 @!p2 $0x0  }
0x1d: {  	s5 =	simm.s32 @p1 $0x1;
	p0 =	seq.s32 s7, s2  }
0x1e: {  	s7 =	smul.u32 @!p0 $0xF7A, s2;
	p2 =	seq.s32 @!p0 s5, $0x0  }
0x1f: {  	s9 =	smul.u32 $0xF7A, s1;
	s8 =	simm.s32 @!p0 $0x1BF5;
	p2 =	por !p2, p0  }
0x20: {  	[sflag:s8] =	ssyncset.s32 @!p0 $0xFFFFF086;
	s6 =	sadd.s32 @!p0 s3, s7;
	s7 =	simm.s32 @!p0 $0x108  }
0x21: {  	s3 =	sadd.s32 s3, s9;
	s6 =	sadd.s32 @!p0 $0x88, s6;
	s7 =	simm.s32 @p2 $0x1082  }
0x22: {  	[simem:s7], [sflag:s8] =	dma.local @!p0 [hbm:s6], $0xF7A  }
0x23: {  	s9 =	sor.u32 $0xD0000000, s2;
	s6 =	simm.s32 $0x108;
	_ =	swait.ge @!p0 [sflag:s8], $0x0  }
0x24: {  	s3 =	sadd.s32 $0x88, s3;
	s6 =	simm.s32 @!p1 $0x1082;
	[sflag:s4] =	ssyncset.s32 $0xFFFFF086  }
0x25: {  	[simem:s6], [sflag:s4] =	dma.local [hbm:s3], $0xF7A  }
0x26: {  	[smem:$0x3F8B] =	sst s1;
	(tag) =	ssettag s2;
	_ =	strace s9  }
0x27: {  	s1 =	sld [smem:$0x3F9B]  }
0x28: {  	s2 =	sld [smem:$0x3F9C]  }
0x29: {  	s4 =	sld [smem:$0x3F9E]  }
0x2a: {  	p0 =	seq.s32 s5, $0x0;
	s5 =	sld [smem:$0x3F9F]  }
0x2b: {  	s6 =	sld [smem:$0x3FA0]  }
0x2c: {  	s7 =	sld [smem:$0x3FA1]  }
0x2d: {  	s3 =	simm.s32 $0x108;
	s8 =	sld [smem:$0x3FA2]  }
0x2e: {  	s3 =	simm.s32 @!p0 $0x1082;
	s9 =	sld [smem:$0x3FA3]  }
0x2f: {  	lr =	sadd.s32 s0, s3;
	s0 =	sld [smem:$0x3F9A]  }
0x30: {  	s3 =	sld [smem:$0x3F9D]  }
0x31: {  	[smem:$0x3FA6] =	sst s10  }
0x32: {  	s10 =	sld [smem:$0x3FA4];
	_ =	sdelay $0x3  }
0x33: {  	p0 =	seq.s32 s10, $0x1;
	s10 =	sld [smem:$0x3FA6];
	_ =	sdelay $0x3  }
0x34: {  	[smem:$0x3FA6] =	sst s10  }
0x35: {  	s10 =	sld [smem:$0x3FA5];
	_ =	sdelay $0x3  }
0x36: {  	p1 =	seq.s32 s10, $0x1;
	s10 =	sld [smem:$0x3FA6];
	_ =	sdelay $0x3  }
0x37: {  	[smem:$0x3FA6] =	sst s10  }
0x38: {  	s10 =	sld [smem:$0x3FA7]  }
0x39: {  	_ = 	snop;
	(pc) =	sbr.ind lr, $3  }
0x3a: {  	_ = 	snop  }
0x3b: {  	_ = 	snop  }
0x3c: {  	p2 =	seq.s32 s10, $0x1;
	s10 =	sld [smem:$0x3FA6]  }
0x3d: {  	_ =	shalt  }
0x3e: {  	_ =	shalt  }
0x3f: {  	_ =	shalt  }
0x40: {  	_ =	shalt  }
0x41: {  	_ =	shalt  }
0x42: {  	_ =	shalt  }
0x43: {  	_ =	shalt  }
0x44: {  	_ =	shalt  }
0x45: {  	_ =	shalt  }
0x46: {  	_ =	shalt  }
0x47: {  	_ =	shalt  }
0x48: {  	_ =	shalt  }
0x49: {  	_ =	shalt  }
0x4a: {  	_ =	shalt  }
0x4b: {  	_ =	shalt  }
0x4c: {  	_ =	shalt  }
0x4d: {  	_ =	shalt  }
0x4e: {  	_ =	shalt  }
0x4f: {  	_ =	shalt  }
0x50: {  	_ =	shalt  }
0x51: {  	_ =	shalt  }
0x52: {  	_ =	shalt  }
0x53: {  	_ =	shalt  }
0x54: {  	_ =	shalt  }
0x55: {  	_ =	shalt  }
0x56: {  	_ =	shalt  }
0x57: {  	_ =	shalt  }
0x58: {  	_ =	shalt  }
0x59: {  	_ =	shalt  }
0x5a: {  	_ =	shalt  }
0x5b: {  	_ =	shalt  }
0x5c: {  	_ =	shalt  }
0x5d: {  	_ =	shalt  }
0x5e: {  	_ =	shalt  }
0x5f: {  	_ =	shalt  }
0x60: {  	_ =	shalt  }
0x61: {  	_ =	shalt  }
0x62: {  	_ =	shalt  }
0x63: {  	_ =	shalt  }
0x64: {  	_ =	shalt  }
0x65: {  	_ =	shalt  }
0x66: {  	_ =	shalt  }
0x67: {  	_ =	shalt  }
0x68: {  	_ =	shalt  }
0x69: {  	_ =	shalt  }
0x6a: {  	_ =	shalt  }
0x6b: {  	_ =	shalt  }
0x6c: {  	_ =	shalt  }
0x6d: {  	_ =	shalt  }
0x6e: {  	_ =	shalt  }
0x6f: {  	_ =	shalt  }
0x70: {  	_ =	shalt  }
0x71: {  	_ =	shalt  }
0x72: {  	_ =	shalt  }
0x73: {  	_ =	shalt  }
0x74: {  	_ =	shalt  }
0x75: {  	_ =	shalt  }
0x76: {  	_ =	shalt  }
0x77: {  	_ =	shalt  }
0x78: {  	_ =	shalt  }
0x79: {  	_ =	shalt  }
0x7a: {  	_ =	shalt  }
0x7b: {  	_ =	shalt  }
0x7c: {  	_ =	shalt  }
0x7d: {  	_ =	shalt  }
0x7e: {  	_ =	shalt  }
0x7f: {  	_ =	shalt  }
0x80: {  	_ =	shalt  }
0x81: {  	_ =	shalt  }
0x82: {  	_ =	shalt  }
0x83: {  	_ =	shalt  }
0x84: {  	_ =	shalt  }
0x85: {  	_ =	shalt  }
0x86: {  	_ =	shalt  }
0x87: {  	_ =	shalt  }
.Lfunc_end0:
.L_simem_size_0:
called_computation_lowered:
.L_overlay_start_0:
0x88: {  	s2 =	sld [smem:$0x3FD9]  }
0x89: {  	s3 =	sld [smem:$0x3FFE];
	_ =	sdelay $0x1  }
0x8a: {  	s1 =	srdreg.scid  }
0x8b: {  	s0 =	sand.u32 $0x1, s1  }
0x8c: {  	s16 =	sshll.u32 s0, $0xA;
	s2 =	sadd.s32 s3, s2  }
0x8d: {  	s2 =	sadd.s32 s2, s16  }
0x8e: {  	[smem:$0x3FB2] =	sst s2  }
0x8f: {  	_ = 	snop  }
0x90: {  	(tm) =	ssettm $0x1  }
0x91: {  	s17 =	sld [smem:$0x3FFB];
	_ =	sdelay $0x3  }
0x92: {  	_ =	strace s17  }
0x93: {  	s2 =	sld [smem:$0x3FFC];
	_ =	sdelay $0x3  }
0x94: {  	_ =	strace s2  }
0x95: {  	s2 =	sld [smem:$0x3FFD];
	_ =	sdelay $0x3  }
0x96: {  	_ =	strace s2  }
0x97: {  	_ =	strace $0x8FFFFFFF  }
0x98: {  	s18 =	sld [smem:$0x3FDB];
	_ =	sdelay $0x1  }
0x99: {  	s19 =	simm.s32 $_scs_section_size  }
0x9a: {  	s4 =	simm.s32 $_size__tile_overlayer_lowered;
	s5 =	simm.s32 $_tile_overlayer_lowered  }
0x9b: {  	s22 =	simm.s32 $0x1BFF;
	s21 =	sshll.u32 s5, $0x1;
	s2 =	sadd.s32 s19, s18  }
0x9c: {  	s6 =	simm.s32 $0x0;
	s20 =	sshll.u32 s4, $0x1;
	s4 =	sadd.s32 s21, s2  }
0x9d: {  	[timem:s6], [sflag:s22] =	dma.local [hbm:s4], s20  }
0x9e: {  	_ =	swait.ge [sflag:s22], s20  }
0x9f: {  	s3 =	ssub.s32 $0x0, s20;
	[sflag:s22] =	ssyncset.done $0x0  }
0xa0: {  	[sflag:s22] =	ssyncadd.s32 s3;
	_ =	sdelay $0x1  }
0xa1: {  	s23 =	simm.s32 $0x1B8B  }
0xa2: {  	_ =	swait.ge [sflag:s23], $0x1  }
0xa3: {  	[sflag:s23] =	ssyncset.done $0x0  }
0xa4: {  	s25 =	simm.s32 $0x1B8E;
	s24 =	sld [smem:$0x3FFE];
	[sflag:s23] =	ssyncadd.s32 $0xFFFFFFFF  }
0xa5: {  	s26 =	simm.s32 $execute0_lowered;
	[smem:$0x3FD2] =	sst s25  }
0xa6: {  	s4 =	sshll.u32 s26, $0x1;
	_ =	strace $0x80000046;
	[dreg:$0x1] =	wrdreg $0xFFFFFFFF  }
0xa7: {  	s28 =	simm.s32 $_size_execute0_lowered;
	s2 =	sadd.s32 s2, s4;
	[dreg:$0x0] =	wrdreg $0x0  }
0xa8: {  	s4 =	sshll.u32 s28, $0x1;
	[dreg:$0x2] =	wrdreg s2  }
0xa9: {  	[dreg:$0x3] =	wrdreg s4  }
0xaa: {  	[dreg:$0x4] =	wrdreg $0xC0  }
0xab: {  	_ =	task [dreg:s6], $0x5FFFF  }
0xac: {  	[dreg:$0x1] =	wrdreg $0xFFFFFFFF  }
0xad: {  	[dreg:$0x0] =	wrdreg $0x60  }
0xae: {  	[dreg:$0x2] =	wrdreg s24  }
0xaf: {  	[dreg:$0x3] =	wrdreg $0xB0000  }
0xb0: {  	[dreg:$0x4] =	wrdreg $0x128000  }
0xb1: {  	[dreg:$0x5] =	wrdreg $0x9  }
0xb2: {  	_ =	task.clear_ibuf [dreg:s6], $0x6FFFF;
	_ =	strace $0x90000046  }
0xb3: {  	s29 =	simm.s32 $0x9;
	_ =	strace $0x80000048  }
0xb4: {  	_ =	swait.ge [sflag:s29], $0x1  }
0xb5: {  	[sflag:s29] =	ssyncadd.s32 $0xFFFFFFFF  }
0xb6: {  	_ =	strace $0x90000048  }
0xb7: {  	_ =	sfence  }
0xb8: {  	s30 =	sld [smem:$0x0];
	_ =	sdelay $0x2  }
0xb9: {  	s31 =	sshll.u32 s1, $0xD;
	s1 =	sshrl.u32 s1, $0x2  }
0xba: {  	s3 =	sand.u32 $0x4000, s31;
	s1 =	sadd.s32 s1, s30  }
0xbb: {  	s0 =	sor.u32 s3, s0;
	s1 =	sshll.u32 s1, $0x11  }
0xbc: {  	s0 =	sor.u32 s1, s0  }
0xbd: {  	s0 =	sadd.s32 $0x8F2B, s0  }
0xbe: {  	[sflag:s0] =	ssyncadd.remote.s32 $0x1  }
0xbf: {  	_ =	sfence.sel $0xFFFF  }
0xc0: {  	[dreg:$0x0] =	wrdreg $0xFFFFFFFF;
	(pc) =	sbr.abs _section_cstart, $3  }
0xc1: {  	[dreg:$0x1] =	wrdreg $0xFFFFFFFF  }
0xc2: {  	_ =	task.clear_ibuf [dreg:s6], $0x2FFFF;
	_ =	strace $0x9FFFFFFF  }
0xc3: {  	(tm) =	ssettm $0x7FFFFFFF  }
tec
execute0_lowered:
.L_overlay_start_1:
0x0: {  	(tag) =	ssettag $0x1  }
0x1: {  	s0 =	srdreg.scid;
	s1 =	rddreg [dreg:$0x0]  }
0x2: {  	s8 =	stileid.u32;
	s2 =	rddreg [dreg:$0x1];
	s16 =	simm.s32 $0x1  }
0x3: {  	s17 =	simm.s32 $0x80;
	s18 =	simm.s32 $0x5000;
	s19 =	simm.s32 $0x6800  }
0x4: {  	s20 =	simm.s32 $0x2;
	s21 =	simm.s32 $0x8000;
	s22 =	simm.s32 $0x9800  }
0x5: {  	s23 =	simm.s32 $0x3;
	s24 =	simm.s32 $0x4;
	s25 =	simm.s32 $0x5  }
0x6: {  	s30 =	simm.s32 $0x2780;
	s0 =	sand.u32 $0x1, s0;
	s3 =	sshll.u32 s8, $0x1  }
0x7: {  	s31 =	simm.s32 $0x4F00;
	s10 =	smul.u32 $0x7800, s8;
	s4 =	sor.u32 s0, s3  }
0x8: {  	s3 =	rddreg [dreg:$0x2];
	s6 =	smul.u32 $0x78000, s0;
	s0 =	ssub.s32 $0x2, s0  }
0x9: {  	s5 =	smul.u32 $0x500, s4;
	s4 =	simm.s32 $0x0;
	s26 =	sshrl.u32 s10, $0x3  }
0xa: {  	s29 =	sshrl.u32 s0, $0x1;
	s13 =	sadd.s32 s10, s2;
	s15 =	sadd.s32 s10, s3  }
0xb: {  	[smem:$0x7FF] =	sst s4;
	s6 =	sadd.s32 s10, s6;
	s11 =	sadd.s32 s26, s1  }
0xc: {  	s0 =	ssub.s32 s0, s29;
	s14 =	sshrl.u32 s13, $0x3;
	s15 =	sshrl.u32 s15, $0x3  }
0xd: {  	s13 =	simm.s32 $0x0;
	_ =	strace $0x80000047;
	s7 =	sadd.s32 s5, s1  }
0xe: {  	s28 =	sshrl.u32 s6, $0x3;
	s10 =	sadd.s32 $0x25800, s11;
	s12 =	smax.u32 s0, $0x1  }
0xf: {  	s0 =	simm.s32 $0x6;
	s1 =	sadd.s32 s28, s1;
	s5 =	sadd.s32 $0x1B800, s7  }
0x10: {  	s6 =	sadd.s32 $0x11800, s7;
	s7 =	sshll.u32 s8, $0x6;
	s8 =	sadd.s32 $0x2800, s11  }
0x11: {  	s9 =	sor.u32 $0x1C01, s7;
	s11 =	sadd.s32 $0x34800, s1;
	s1 =	simm.s32 $0x4F80  }
.LBB2_1:
0x12: {  	[tilespmem:s4], [sflag:$0x1] =	stream.linear.gather [hbm4b:s5+s4], $0x2800, $0x38;
	[tilespmem:$0x1A000] =	vst v63  }
0x13: {  	s26 =	simm.s32 $0x2800  }
0x14: {  	[tilespmem:s26], [sflag:$0x1] =	stream.linear.gather [hbm4b:s6+s4], $0x2800, $0x38;
	[tilespmem:$0x1A000] =	vst v63  }
0x15: {  	[spmem:s14], [sflag:s9] =	dma.local [hbm:s8], $0xF00  }
0x16: {  	[spmem:s15], [sflag:s9] =	dma.local [hbm:s10], $0xF00  }
0x17: {  	_ =	swait.ge [sflag:s16], $0x2800  }
0x18: {  	[sflag:s16] =	ssyncset.done $0x0  }
0x19: {  	[sflag:s16] =	ssyncadd.s32 $0xFFFFD800  }
0x1a: {  	_ =	swait.ge [sflag:s16], $0x2800  }
0x1b: {  	[sflag:s16] =	ssyncset.done $0x0  }
0x1c: {  	[sflag:s16] =	ssyncadd.s32 $0xFFFFD800  }
0x1d: {  	_ =	swait.ge [sflag:s16], $0xF00  }
0x1e: {  	[sflag:s16] =	ssyncset.done $0x0  }
0x1f: {  	[sflag:s16] =	ssyncadd.s32 $0xFFFFF100  }
0x20: {  	_ =	swait.ge [sflag:s16], $0xF00  }
0x21: {  	[sflag:s16] =	ssyncset.done $0x0  }
0x22: {  	[sflag:s16] =	ssyncadd.s32 $0xFFFFF100  }
0x23: {  	[bflag:$0x0] =	sbarrier.arrive $0xFFFF  }
0x24: {  	[tilespmem:s18], [sflag:$0x2] =	stream.indirect.gather [spmem:s2], $0x30, s4, s17, $0xb8;
	[tilespmem:$0x1A000] =	vst v63  }
0x25: {  	_ = 	snop  }
0x26: {  	[tilespmem:s19], [sflag:$0x2] =	stream.indirect.gather [spmem:s2], $0x30, s17, s17, $0xb8;
	[tilespmem:$0x1A000] =	vst v63  }
0x27: {  	_ =	swait.ge [sflag:s20], $0x1800  }
0x28: {  	[sflag:s20] =	ssyncset.done $0x0  }
0x29: {  	s28 =	simm.s32 $0x2800;
	[sflag:s20] =	ssyncadd.s32 $0xFFFFE800  }
0x2a: {  	[spmem:s3] =	stream.indirect.scatter.add.f32 [tilespmem:s18], [sflag:$0x4], $0x30, s28, s17, $0xb8;
	[tilespmem:$0x1A000] =	vst v63  }
0x2b: {  	_ =	swait.ge [sflag:s20], $0x1800  }
0x2c: {  	[sflag:s20] =	ssyncset.done $0x0  }
0x2d: {  	s29 =	simm.s32 $0x2880;
	[sflag:s20] =	ssyncadd.s32 $0xFFFFE800  }
0x2e: {  	[spmem:s3] =	stream.indirect.scatter.add.f32 [tilespmem:s19], [sflag:$0x4], $0x30, s29, s17, $0xb8;
	[tilespmem:$0x1A000] =	vst v63  }
0x2f: {  	s28 =	simm.s32 $0x100  }
0x30: {  	[tilespmem:s21], [sflag:$0x3] =	stream.indirect.gather [spmem:s2], $0x30, s28, s17, $0xb8;
	[tilespmem:$0x1A000] =	vst v63  }
0x31: {  	s29 =	simm.s32 $0x180  }
0x32: {  	[tilespmem:s22], [sflag:$0x3] =	stream.indirect.gather [spmem:s2], $0x30, s29, s17, $0xb8;
	[tilespmem:$0x1A000] =	vst v63  }
0x33: {  	_ =	swait.ge [sflag:s23], $0x1800  }
0x34: {  	[sflag:s23] =	ssyncset.done $0x0  }
0x35: {  	s28 =	simm.s32 $0x2900;
	[sflag:s23] =	ssyncadd.s32 $0xFFFFE800  }
0x36: {  	[spmem:s3] =	stream.indirect.scatter.add.f32 [tilespmem:s21], [sflag:$0x5], $0x30, s28, s17, $0xb8;
	[tilespmem:$0x1A000] =	vst v63  }
0x37: {  	_ =	swait.ge [sflag:s23], $0x1800  }
0x38: {  	[sflag:s23] =	ssyncset.done $0x0  }
0x39: {  	s29 =	simm.s32 $0x2980;
	[sflag:s23] =	ssyncadd.s32 $0xFFFFE800  }
0x3a: {  	[spmem:s3] =	stream.indirect.scatter.add.f32 [tilespmem:s22], [sflag:$0x5], $0x30, s29, s17, $0xb8;
	[tilespmem:$0x1A000] =	vst v63  }
0x3b: {  	_ =	swait.ge [sflag:s24], $0x1800  }
0x3c: {  	[sflag:s24] =	ssyncset.done $0x0  }
0x3d: {  	[sflag:s24] =	ssyncadd.s32 $0xFFFFE800  }
0x3e: {  	_ =	swait.ge [sflag:s24], $0x1800  }
0x3f: {  	[sflag:s24] =	ssyncset.done $0x0  }
0x40: {  	s28 =	simm.s32 $0x200;
	[sflag:s24] =	ssyncadd.s32 $0xFFFFE800  }
0x41: {  	[tilespmem:s18], [sflag:$0x2] =	stream.indirect.gather [spmem:s2], $0x30, s28, s17, $0xb8;
	[tilespmem:$0x1A000] =	vst v63  }
0x42: {  	s29 =	simm.s32 $0x280  }
0x43: {  	[tilespmem:s19], [sflag:$0x2] =	stream.indirect.gather [spmem:s2], $0x30, s29, s17, $0xb8;
	[tilespmem:$0x1A000] =	vst v63  }
0x44: {  	_ =	swait.ge [sflag:s25], $0x1800  }
0x45: {  	[sflag:s25] =	ssyncset.done $0x0  }
0x46: {  	[sflag:s25] =	ssyncadd.s32 $0xFFFFE800  }
0x47: {  	_ =	swait.ge [sflag:s25], $0x1800  }
0x48: {  	s26 =	simm.s32 $0x800;
	[sflag:s25] =	ssyncset.done $0x0  }
.LBB2_2:
0x49: {  	p0 =	sne.s32 s26, $0x9000  }
0x4a: {  	[sflag:s25] =	ssyncadd.s32 $0xFFFFE800;
	s28 =	smov.u32 s26;
	s26 =	sadd.s32 $0x800, s26  }
0x4b: {  	_ =	swait.ge [sflag:s20], $0x1800  }
0x4c: {  	s28 =	sshra.s32 s28, $0x2;
	[sflag:s20] =	ssyncset.done $0x0  }
0x4d: {  	s29 =	sadd.s32 $0x2800, s28;
	[sflag:s20] =	ssyncadd.s32 $0xFFFFE800  }
0x4e: {  	[spmem:s3] =	stream.indirect.scatter.add.f32 [tilespmem:s18], [sflag:$0x4], $0x30, s29, s17, $0xb8;
	[tilespmem:$0x1A000] =	vst v63  }
0x4f: {  	_ =	swait.ge [sflag:s20], $0x1800  }
0x50: {  	[sflag:s20] =	ssyncset.done $0x0  }
0x51: {  	s29 =	sadd.s32 $0x2880, s28;
	[sflag:s20] =	ssyncadd.s32 $0xFFFFE800  }
0x52: {  	[spmem:s3] =	stream.indirect.scatter.add.f32 [tilespmem:s19], [sflag:$0x4], $0x30, s29, s17, $0xb8;
	[tilespmem:$0x1A000] =	vst v63  }
0x53: {  	s29 =	sadd.s32 $0x100, s28  }
0x54: {  	[tilespmem:s21], [sflag:$0x3] =	stream.indirect.gather [spmem:s2], $0x30, s29, s17, $0xb8;
	[tilespmem:$0x1A000] =	vst v63  }
0x55: {  	s29 =	sadd.s32 $0x180, s28  }
0x56: {  	[tilespmem:s22], [sflag:$0x3] =	stream.indirect.gather [spmem:s2], $0x30, s29, s17, $0xb8;
	[tilespmem:$0x1A000] =	vst v63  }
0x57: {  	_ =	swait.ge [sflag:s23], $0x1800  }
0x58: {  	[sflag:s23] =	ssyncset.done $0x0  }
0x59: {  	s29 =	sadd.s32 $0x2900, s28;
	[sflag:s23] =	ssyncadd.s32 $0xFFFFE800  }
0x5a: {  	[spmem:s3] =	stream.indirect.scatter.add.f32 [tilespmem:s21], [sflag:$0x5], $0x30, s29, s17, $0xb8;
	[tilespmem:$0x1A000] =	vst v63  }
0x5b: {  	_ =	swait.ge [sflag:s23], $0x1800  }
0x5c: {  	[sflag:s23] =	ssyncset.done $0x0  }
0x5d: {  	s29 =	sadd.s32 $0x2980, s28;
	[sflag:s23] =	ssyncadd.s32 $0xFFFFE800  }
0x5e: {  	[spmem:s3] =	stream.indirect.scatter.add.f32 [tilespmem:s22], [sflag:$0x5], $0x30, s29, s17, $0xb8;
	[tilespmem:$0x1A000] =	vst v63  }
0x5f: {  	_ =	swait.ge [sflag:s24], $0x1800  }
0x60: {  	[sflag:s24] =	ssyncset.done $0x0  }
0x61: {  	[sflag:s24] =	ssyncadd.s32 $0xFFFFE800  }
0x62: {  	_ =	swait.ge [sflag:s24], $0x1800  }
0x63: {  	[sflag:s24] =	ssyncset.done $0x0  }
0x64: {  	s29 =	sadd.s32 $0x200, s28;
	[sflag:s24] =	ssyncadd.s32 $0xFFFFE800  }
0x65: {  	[tilespmem:s18], [sflag:$0x2] =	stream.indirect.gather [spmem:s2], $0x30, s29, s17, $0xb8;
	[tilespmem:$0x1A000] =	vst v63  }
0x66: {  	s28 =	sadd.s32 $0x280, s28  }
0x67: {  	[tilespmem:s19], [sflag:$0x2] =	stream.indirect.gather [spmem:s2], $0x30, s28, s17, $0xb8;
	[tilespmem:$0x1A000] =	vst v63  }
.Ltmp0:
0x68: {  	_ =	swait.ge [sflag:s25], $0x1800;
	(pc) =	sbr.rel @p0 .LBB2_2-.Ltmp0, $4  }
0x69: {  	[sflag:s25] =	ssyncset.done $0x0  }
0x6a: {  	[sflag:s25] =	ssyncadd.s32 $0xFFFFE800  }
0x6b: {  	_ =	swait.ge [sflag:s25], $0x1800  }
0x6c: {  	[sflag:s25] =	ssyncset.done $0x0  }
0x6d: {  	[sflag:s25] =	ssyncadd.s32 $0xFFFFE800  }
0x6e: {  	_ =	swait.ge [sflag:s20], $0x1800  }
0x6f: {  	[sflag:s20] =	ssyncset.done $0x0  }
0x70: {  	s26 =	simm.s32 $0x4E00;
	[sflag:s20] =	ssyncadd.s32 $0xFFFFE800  }
0x71: {  	[spmem:s3] =	stream.indirect.scatter.add.f32 [tilespmem:s18], [sflag:$0x4], $0x30, s26, s17, $0xb8;
	[tilespmem:$0x1A000] =	vst v63  }
0x72: {  	_ =	swait.ge [sflag:s20], $0x1800  }
0x73: {  	[sflag:s20] =	ssyncset.done $0x0  }
0x74: {  	s29 =	simm.s32 $0x4E80;
	[sflag:s20] =	ssyncadd.s32 $0xFFFFE800  }
0x75: {  	[spmem:s3] =	stream.indirect.scatter.add.f32 [tilespmem:s19], [sflag:$0x4], $0x30, s29, s17, $0xb8;
	[tilespmem:$0x1A000] =	vst v63  }
0x76: {  	s28 =	simm.s32 $0x2700  }
0x77: {  	[tilespmem:s21], [sflag:$0x3] =	stream.indirect.gather [spmem:s2], $0x30, s28, s17, $0xb8;
	[tilespmem:$0x1A000] =	vst v63  }
0x78: {  	_ = 	snop  }
0x79: {  	[tilespmem:s22], [sflag:$0x3] =	stream.indirect.gather [spmem:s2], $0x30, s30, s17, $0xb8;
	[tilespmem:$0x1A000] =	vst v63  }
0x7a: {  	_ =	swait.ge [sflag:s23], $0x1800  }
0x7b: {  	[sflag:s23] =	ssyncset.done $0x0  }
0x7c: {  	[sflag:s23] =	ssyncadd.s32 $0xFFFFE800  }
0x7d: {  	[spmem:s3] =	stream.indirect.scatter.add.f32 [tilespmem:s21], [sflag:$0x5], $0x30, s31, s17, $0xb8;
	[tilespmem:$0x1A000] =	vst v63  }
0x7e: {  	_ =	swait.ge [sflag:s23], $0x1800  }
0x7f: {  	[sflag:s23] =	ssyncset.done $0x0  }
0x80: {  	[sflag:s23] =	ssyncadd.s32 $0xFFFFE800  }
0x81: {  	[spmem:s3] =	stream.indirect.scatter.add.f32 [tilespmem:s22], [sflag:$0x5], $0x30, s1, s17, $0xb8;
	[tilespmem:$0x1A000] =	vst v63  }
0x82: {  	_ =	swait.ge [sflag:s24], $0x1800  }
0x83: {  	[sflag:s24] =	ssyncset.done $0x0  }
0x84: {  	[sflag:s24] =	ssyncadd.s32 $0xFFFFE800  }
0x85: {  	_ =	swait.ge [sflag:s24], $0x1800  }
0x86: {  	[sflag:s24] =	ssyncset.done $0x0  }
0x87: {  	[sflag:s24] =	ssyncadd.s32 $0xFFFFE800  }
0x88: {  	_ =	swait.ge [sflag:s25], $0x1800  }
0x89: {  	[sflag:s25] =	ssyncset.done $0x0  }
0x8a: {  	[sflag:s25] =	ssyncadd.s32 $0xFFFFE800  }
0x8b: {  	_ =	swait.ge [sflag:s25], $0x1800  }
0x8c: {  	s13 =	sadd.s32 $0x1, s13;
	[sflag:s25] =	ssyncset.done $0x0  }
0x8d: {  	p0 =	sne.s32 s13, s12;
	[sflag:s25] =	ssyncadd.s32 $0xFFFFE800  }
.Ltmp1:
0x8e: {  	s29 =	sor.u32 $0x1C06, s7;
	[bflag:$0x0] =	sbarrier.arrive $0xFFFF;
	(pc) =	sbr.rel @p0 .LBB2_1-.Ltmp1, $4  }
0x8f: {  	[hbm:s11], [sflag:s29] =	dma.local [spmem:s15], $0xF00  }
0x90: {  	_ =	swait.ge [sflag:s0], $0xF00  }
0x91: {  	[sflag:s0] =	ssyncset.done $0x0  }
0x92: {  	[sflag:s0] =	ssyncadd.s32 $0xFFFFF100  }
0x93: {  	_ =	sfence.sel $0x180000  }
0x94: {  	[bflag:$0x0] =	sbarrier.arrive $0xFFFF  }
0x95: {  	_ =	strace $0x90000047  }
0x96: {  	s0 =	stileid.u32;
	[bflag:$0x2] =	sbarrier.arrive $0xFFFF  }
0x97: {  	p0 =	sne.s32 s0, $0x0;
	s0 =	rddreg [dreg:$0x3]  }
0x98: {  	s0 =	sadd.s32 @!p0 $0x100000, s0  }
0x99: {  	[sflag:s0] =	ssyncadd.tile.s32 @!p0 $0x1;
	_ =	shalt  }
.Lfunc_end2:
_tile_overlayer_lowered:
.L_overlay_start_2:
0x9a: {  	(tag) =	ssettag $0x2  }
0x9b: {  	s0 =	rddreg [dreg:$0x0];
	s2 =	stileid.u32  }
0x9c: {  	s1 =	rddreg [dreg:$0x1];
	p0 =	sne.s32 s2, $0x0  }
0x9d: {  	s3 =	rddreg [dreg:$0x2];
	[bflag:$0x3] =	sbarrier.arrive $0xFFFF;
	s2 =	simm.s32 @!p0 $0x1C06  }
0x9e: {  	[timem:s3], [sflag:s2] =	dma.local @!p0 [hbm:s0], s1  }
0x9f: {  	s0 =	simm.s32 @!p0 $0x6  }
0xa0: {  	_ =	swait.ge @!p0 [sflag:s0], s1  }
0xa1: {  	s1 =	ssub.s32 @!p0 $0x0, s1;
	[sflag:s0] =	ssyncset.done @!p0 $0x0  }
0xa2: {  	[sflag:s0] =	ssyncadd.s32 @!p0 s1  }
0xa3: {  	[bflag:$0x3] =	sbarrier.arrive $0xFFFF  }
0xa4: {  	_ =	shalt  }

</sc_bundles>
